<compile_context>
chip_gen: v7x
topology: tpu7x:2x2x1
jax: 0.10.2.dev20260603
libtpu: 0.0.44.dev20260713+nightly
codegen_flags: <defaults>
</compile_context>

<pallas_src>
import functools

import numpy as np
import jax
import jax.numpy as jnp
from jax import lax
from jax.experimental import pallas as pl
from jax.experimental.pallas import tpu as pltpu
from jax.experimental.pallas import tpu_sc as plsc

NPIX = 1024
NCHAN = 8
KF = NPIX // 2 + 1
KPAD = 640
NSEL = 400000
_ARCSEC = np.pi / (180.0 * 3600.0)
_SCALE = np.float32((0.005 * _ARCSEC) ** 2 / _ARCSEC ** 2)

TOTAL = NCHAN * NPIX * KF
NW = 32
CHUNK = TOTAL // NW
NSB = 16
SB = CHUNK // NSB
NVEC = SB // 16
FLUSH = 2048
FSB = 768
STAGE = FLUSH + SB + 32

_j = np.arange(NPIX)
_ang_e = (2.0 * np.pi / NPIX) * np.outer(_j, np.arange(KPAD))
_EC = np.cos(_ang_e).astype(np.float32)
_ES = np.sin(_ang_e).astype(np.float32)
_ang_f = (2.0 * np.pi / NPIX) * np.outer(_j, _j)
_FC = np.cos(_ang_f).astype(np.float32)
_FS = np.sin(_ang_f).astype(np.float32)
_FCS = (_FC + _FS).astype(np.float32)


def _fft_body(x_ref, mask_ref, ec_ref, es_ref, fc_ref, fs_ref, fcs_ref,
              re_ref, im_ref, cnt_ref):
    x = x_ref[0]
    wr = jnp.dot(x, ec_ref[...], preferred_element_type=jnp.float32)
    wi = -jnp.dot(x, es_ref[...], preferred_element_type=jnp.float32)
    t1 = jnp.dot(fcs_ref[...], wr + wi, preferred_element_type=jnp.float32)
    t2 = jnp.dot(fc_ref[...], wi, preferred_element_type=jnp.float32)
    t3 = jnp.dot(fs_ref[...], wr, preferred_element_type=jnp.float32)
    re_ref[0] = _SCALE * (t1 - t2 - t3)[:, :KF]
    im_ref[0] = _SCALE * (t2 - t3)[:, :KF]
    m = mask_ref[0].reshape(4, NPIX // 4, KF)
    cnt = jnp.sum(m, axis=(1, 2), dtype=jnp.int32)
    cnt_ref[0, 0] = jnp.concatenate([cnt, jnp.zeros(4, jnp.int32)])


def _fft2_and_count(cube, mask_i32):
    spec_full = lambda shape: pl.BlockSpec(shape, lambda c: (0,) * len(shape))
    return pl.pallas_call(
        _fft_body,
        grid=(NCHAN,),
        compiler_params=pltpu.CompilerParams(
            dimension_semantics=("arbitrary",),
            vmem_limit_bytes=100 * 1024 * 1024,
        ),
        in_specs=[
            pl.BlockSpec((1, NPIX, NPIX), lambda c: (c, 0, 0)),
            pl.BlockSpec((1, NPIX, KF), lambda c: (c, 0, 0)),
            spec_full((NPIX, KPAD)),
            spec_full((NPIX, KPAD)),
            spec_full((NPIX, NPIX)),
            spec_full((NPIX, NPIX)),
            spec_full((NPIX, NPIX)),
        ],
        out_specs=[
            pl.BlockSpec((1, NPIX, KF), lambda c: (c, 0, 0)),
            pl.BlockSpec((1, NPIX, KF), lambda c: (c, 0, 0)),
            pl.BlockSpec((1, 1, 8), lambda c: (c, 0, 0)),
        ],
        out_shape=[
            jax.ShapeDtypeStruct((NCHAN, NPIX, KF), jnp.float32),
            jax.ShapeDtypeStruct((NCHAN, NPIX, KF), jnp.float32),
            jax.ShapeDtypeStruct((NCHAN, 1, 8), jnp.int32),
        ],
    )(cube, mask_i32, _EC, _ES, _FC, _FS, _FCS)


def _iota16():
    return lax.broadcasted_iota(jnp.int32, (16,), 0)


def _lane(vec, lane):
    return jnp.sum(jnp.where(_iota16() == lane, vec, 0))



def _sc_compact(re_flat, im_flat, mask_flat, counts):
    mesh = plsc.VectorSubcoreMesh(core_axis_name="c", subcore_axis_name="s")

    @functools.partial(
        pl.kernel,
        mesh=mesh,
        compiler_params=pltpu.CompilerParams(needs_layout_passes=False),
        out_type=[
            jax.ShapeDtypeStruct((NSEL,), jnp.float32),
            jax.ShapeDtypeStruct((NSEL,), jnp.float32),
        ],
        scratch_types=[
            pltpu.VMEM((2 * SB,), jnp.int32),
            pltpu.VMEM((2 * SB,), jnp.float32),
            pltpu.VMEM((2 * SB,), jnp.float32),
            pltpu.VMEM((STAGE,), jnp.float32),
            pltpu.VMEM((STAGE,), jnp.float32),
            pltpu.VMEM((32,), jnp.int32),
            pltpu.SemaphoreType.DMA,
            pltpu.SemaphoreType.DMA,
            pltpu.SemaphoreType.DMA,
            pltpu.SemaphoreType.DMA,
            pltpu.SemaphoreType.DMA,
        ],
    )
    def k(re_hbm, im_hbm, mask_hbm, counts_hbm, out_re, out_im,
          mask_v, re_v, im_v, stage_re, stage_im,
          counts_v, sem0, sem1, sem2, semf1, semf2):
        w = lax.axis_index("s") * 2 + lax.axis_index("c")
        base_flat = w * CHUNK

        pltpu.sync_copy(counts_hbm, counts_v)
        c0 = counts_v[pl.ds(0, 16)]
        c1 = counts_v[pl.ds(16, 16)]
        s0 = jnp.cumsum(c0)
        s1 = jnp.cumsum(c1) + jnp.sum(c0)
        lane = jnp.where(w < 16, w, w - 16)
        incl = jnp.where(w < 16, _lane(s0, lane), _lane(s1, lane))
        mycnt = jnp.where(w < 16, _lane(c0, lane), _lane(c1, lane))
        off_lo = incl - mycnt
        off_hi = incl
        w_lo = (off_lo + 15) & (-16)
        w_hi = (off_hi + 15) & (-16)
        w_hi = jnp.minimum(w_hi, NSEL)
        skip0 = w_lo - off_lo
        target = w_hi - w_lo

        def compact_vecs(nvec, par, carry):
            pbase = pl.multiple_of(par * SB, 16)

            def inner_skip(v, c):
                p, skip = c
                sl = pl.ds(pbase + v * 16, 16)
                m = mask_v[sl]
                valid = m > 0
                s = plsc.cumsum(m)
                keep = valid & (s > skip)
                plsc.store_compressed(stage_re.at[pl.ds(p, 16)],
                                      re_v[sl], mask=keep)
                plsc.store_compressed(stage_im.at[pl.ds(p, 16)],
                                      im_v[sl], mask=keep)
                c_all = jnp.sum(m)
                drop = jnp.minimum(skip, c_all)
                return (p + c_all - drop, skip - drop)

            def inner_fast(v, c):
                p, skip = c
                sl = pl.ds(pbase + v * 16, 16)
                m = mask_v[sl]
                valid = m > 0
                plsc.store_compressed(stage_re.at[pl.ds(p, 16)],
                                      re_v[sl], mask=valid)
                plsc.store_compressed(stage_im.at[pl.ds(p, 16)],
                                      im_v[sl], mask=valid)
                return (p + jnp.sum(m), skip)

            def inner_fast8(g, c):
                p, skip = c
                base = g * 128
                sls = [pl.ds(pbase + base + t * 16, 16) for t in range(8)]
                ms = [mask_v[sl] for sl in sls]
                cs = [jnp.sum(m) for m in ms]
                vs = [m > 0 for m in ms]
                for t in range(8):
                    plsc.store_compressed(stage_re.at[pl.ds(p, 16)],
                                          re_v[sls[t]], mask=vs[t])
                    plsc.store_compressed(stage_im.at[pl.ds(p, 16)],
                                          im_v[sls[t]], mask=vs[t])
                    p = p + cs[t]
                return (p, skip)

            def fast_path(p0, s0_):
                c = lax.fori_loop(0, nvec // 8, inner_fast8, (p0, s0_))
                return lax.fori_loop((nvec // 8) * 8, nvec, inner_fast, c)

            p0, skip0_ = carry
            return lax.cond(
                skip0_ > 0,
                lambda: lax.fori_loop(0, nvec, inner_skip, (p0, skip0_)),
                lambda: fast_path(p0, skip0_))

        def issue_loads(sb):
            pb = pl.multiple_of((sb & 1) * SB, 16)
            mstart = pl.multiple_of(base_flat + sb * SB, 16)
            pltpu.async_copy(mask_hbm.at[pl.ds(mstart, SB)],
                             mask_v.at[pl.ds(pb, SB)], sem0)
            pltpu.async_copy(re_hbm.at[pl.ds(mstart, SB)],
                             re_v.at[pl.ds(pb, SB)], sem1)
            pltpu.async_copy(im_hbm.at[pl.ds(mstart, SB)],
                             im_v.at[pl.ds(pb, SB)], sem2)

        def wait_loads(sb):
            pb = pl.multiple_of((sb & 1) * SB, 16)
            mstart = pl.multiple_of(base_flat + sb * SB, 16)
            pltpu.make_async_copy(mask_hbm.at[pl.ds(mstart, SB)],
                                  mask_v.at[pl.ds(pb, SB)], sem0).wait()
            pltpu.make_async_copy(re_hbm.at[pl.ds(mstart, SB)],
                                  re_v.at[pl.ds(pb, SB)], sem1).wait()
            pltpu.make_async_copy(im_hbm.at[pl.ds(mstart, SB)],
                                  im_v.at[pl.ds(pb, SB)], sem2).wait()

        def sub_block(sb, carry):
            ptr, skip, fc = carry
            wait_loads(sb)
            lax.cond(sb + 1 < NSB, lambda: issue_loads(sb + 1), lambda: None)
            ptr, skip = compact_vecs(NVEC, sb & 1, (ptr, skip))

            nf = ptr >> 11

            def do_flush(k_, c_):
                fcl = c_
                dst = pl.multiple_of(w_lo + fcl * FLUSH, 16)
                hh1 = pltpu.async_copy(stage_re.at[pl.ds(k_ * FLUSH, FLUSH)],
                                       out_re.at[pl.ds(dst, FLUSH)], semf1)
                hh2 = pltpu.async_copy(stage_im.at[pl.ds(k_ * FLUSH, FLUSH)],
                                       out_im.at[pl.ds(dst, FLUSH)], semf2)
                hh1.wait(); hh2.wait()
                return fcl + 1

            fc = lax.fori_loop(0, nf, do_flush, fc)
            rem = ptr - nf * FLUSH

            def move(u, _):
                srcs = pl.ds(nf * FLUSH + u * 16, 16)
                dsts = pl.ds(u * 16, 16)
                stage_re[dsts] = stage_re[srcs]
                stage_im[dsts] = stage_im[srcs]
                return 0

            lax.fori_loop(0, (rem + 15) >> 4, move, 0)
            return (rem, skip, fc)

        issue_loads(0)
        ptr, skip, fc = lax.fori_loop(0, NSB, sub_block,
                                      (jnp.int32(0), skip0, jnp.int32(0)))

        def fill_cond(carry):
            ptr, skip, cur = carry
            return (fc * FLUSH + ptr < target) & (cur < TOTAL)

        def fill_body(carry):
            ptr, skip, cur0 = carry
            cur = pl.multiple_of(cur0, 16)
            h0 = pltpu.async_copy(mask_hbm.at[pl.ds(cur, FSB)],
                                  mask_v.at[pl.ds(0, FSB)], sem0)
            h1 = pltpu.async_copy(re_hbm.at[pl.ds(cur, FSB)],
                                  re_v.at[pl.ds(0, FSB)], sem1)
            h2 = pltpu.async_copy(im_hbm.at[pl.ds(cur, FSB)],
                                  im_v.at[pl.ds(0, FSB)], sem2)
            h0.wait(); h1.wait(); h2.wait()
            ptr, skip = compact_vecs(FSB // 16, jnp.int32(0), (ptr, skip))
            return (ptr, skip, cur0 + FSB)

        ptr, skip, _ = lax.while_loop(
            fill_cond, fill_body, (ptr, skip, (w + 1) * CHUNK))

        nf = jnp.minimum(ptr >> 11, (target - fc * FLUSH) >> 11)

        def do_flush2(k_, c_):
            dst = pl.multiple_of(w_lo + c_ * FLUSH, 16)
            hh1 = pltpu.async_copy(stage_re.at[pl.ds(k_ * FLUSH, FLUSH)],
                                   out_re.at[pl.ds(dst, FLUSH)], semf1)
            hh2 = pltpu.async_copy(stage_im.at[pl.ds(k_ * FLUSH, FLUSH)],
                                   out_im.at[pl.ds(dst, FLUSH)], semf2)
            hh1.wait(); hh2.wait()
            return c_ + 1

        fc = lax.fori_loop(0, nf, do_flush2, fc)

        def move2(u, _):
            srcs = pl.ds(nf * FLUSH + u * 16, 16)
            dsts = pl.ds(u * 16, 16)
            stage_re[dsts] = stage_re[srcs]
            stage_im[dsts] = stage_im[srcs]
            return 0

        rem0 = ptr - nf * FLUSH
        lax.fori_loop(0, (rem0 + 15) >> 4, move2, 0)

        rem = target - fc * FLUSH
        o = jnp.int32(0)
        for size in (1024, 512, 256, 128, 64, 32, 16):
            def emit(o_=o, size_=size):
                dsto = pl.multiple_of(w_lo + fc * FLUSH + o_, 16)
                srco = pl.multiple_of(o_, 16)
                hh1 = pltpu.async_copy(
                    stage_re.at[pl.ds(srco, size_)],
                    out_re.at[pl.ds(dsto, size_)], semf1)
                hh2 = pltpu.async_copy(
                    stage_im.at[pl.ds(srco, size_)],
                    out_im.at[pl.ds(dsto, size_)], semf2)
                hh1.wait(); hh2.wait()

            lax.cond((rem & size) != 0, emit, lambda: None)
            o = o + jnp.where((rem & size) != 0, size, 0)

    return k(re_flat, im_flat, mask_flat, counts)


def kernel(cube, grid_mask):
    mask_i32 = grid_mask.astype(jnp.int32)
    vis_re, vis_im, counts3 = _fft2_and_count(cube, mask_i32)
    counts = counts3[:, 0, :4].reshape(NW)
    out_re_p, out_im_p = _sc_compact(
        vis_re.reshape(-1), vis_im.reshape(-1), mask_i32.reshape(-1), counts)
    return (out_re_p, out_im_p)

# --- scband reference (transcript-rebuilt; emitter-appended) ---
"""Pipeline reference for scband-image-cube-43387759624716 (READ-ONLY COPY).

The authoritative reference and input builder live on the scoring server;
editing this copy changes nothing except your own understanding.
"""

import jax, jax.numpy as jnp
import numpy as np

NPIX = 1024
NCHAN = 8
CELL_SIZE_ARCSEC = 0.005
ARCSEC = np.pi / (180.0 * 3600.0)
N_SELECTED = 400000


def setup_inputs(seed: int = 0) -> dict:
    key = jax.random.key(seed)
    k1, k2 = jax.random.split(key)
    cube = jax.random.normal(k1, (NCHAN, NPIX, NPIX), dtype=jnp.float32)
    # deterministic boolean grid mask with exactly N_SELECTED True entries
    n_half = NPIX // 2 + 1
    total = NCHAN * NPIX * n_half
    perm = jax.random.permutation(k2, total)
    grid_mask = (perm < N_SELECTED).reshape(NCHAN, NPIX, n_half)
    return {"cube": cube, "grid_mask": grid_mask}


def reference(cube, grid_mask):
    # Faithful translation of ImageCube.forward for a pre-gridded dataset:
    #   vis = cell_size**2 * rfft2(cube / arcsec**2)
    #   re = vis.real.masked_select(grid_mask); im = vis.imag.masked_select(grid_mask)
    cell_size = CELL_SIZE_ARCSEC * ARCSEC  # stored internally in radians
    scaled = cube / (ARCSEC ** 2)
    vis = (cell_size ** 2) * jnp.fft.rfft2(scaled, axes=(-2, -1))
    vis_re = jnp.real(vis)
    vis_im = jnp.imag(vis)
    idx = jnp.nonzero(grid_mask.ravel(), size=N_SELECTED)[0]
    re = vis_re.ravel()[idx]
    im = vis_im.ravel()[idx]
    return (re, im)

if __name__ == "__main__":
    import jax
    _d = setup_inputs()
    print(jax.jit(kernel)(*tuple(_d.values())))

</pallas_src>

<mosaic_0001>
#map = affine_map<(d0, d1) -> (0)>
module attributes {stable_mosaic.version = 14 : i64} {
  func.func @k(%arg0: i32, %arg1: i32, %arg2: memref<4202496xf32, #tpu.memory_space<hbm>>, %arg3: memref<4202496xf32, #tpu.memory_space<hbm>>, %arg4: memref<4202496xi32, #tpu.memory_space<hbm>>, %arg5: memref<32xi32, #tpu.memory_space<hbm>>, %arg6: memref<400000xf32, #tpu.memory_space<hbm>>, %arg7: memref<400000xf32, #tpu.memory_space<hbm>>, %arg8: memref<16416xi32, #tpu.memory_space<vmem>>, %arg9: memref<16416xf32, #tpu.memory_space<vmem>>, %arg10: memref<16416xf32, #tpu.memory_space<vmem>>, %arg11: memref<10288xf32, #tpu.memory_space<vmem>>, %arg12: memref<10288xf32, #tpu.memory_space<vmem>>, %arg13: memref<32xi32, #tpu.memory_space<vmem>>, %arg14: memref<!tpu.dma_semaphore, #tpu.memory_space<semaphore_mem>>, %arg15: memref<!tpu.dma_semaphore, #tpu.memory_space<semaphore_mem>>, %arg16: memref<!tpu.dma_semaphore, #tpu.memory_space<semaphore_mem>>, %arg17: memref<!tpu.dma_semaphore, #tpu.memory_space<semaphore_mem>>, %arg18: memref<!tpu.dma_semaphore, #tpu.memory_space<semaphore_mem>>) attributes {dimension_semantics = [#tpu.dimension_semantics<core_parallel>, #tpu.dimension_semantics<subcore_parallel>], iteration_bounds = array<i64: 2, 16>, scalar_prefetch = 0 : i64, scratch_operands = 11 : i64, tpu.core_type = #tpu.core_type<sc_vector_subcore>, window_params = [{transform_indices = #map}, {transform_indices = #map}, {transform_indices = #map}, {transform_indices = #map}, {transform_indices = #map}, {transform_indices = #map}]} {
    %mul3A = arith.constant 2 : i32
    %mul3A_0 = arith.muli %arg1, %mul3A : i32
    %add3A = arith.addi %mul3A_0, %arg0 : i32
    %mul3A_1 = arith.constant 131328 : i32
    %mul3A_2 = arith.muli %add3A, %mul3A_1 : i32
    "tpu.region"() ({
      %run_scoped3A = tpu.sem_alloc : memref<!tpu.dma_semaphore, #tpu.memory_space<semaphore_mem>>
      tpu.enqueue_dma source(%arg5 : memref<32xi32, #tpu.memory_space<hbm>>) target(%arg13 : memref<32xi32, #tpu.memory_space<vmem>>) target_semaphore(%run_scoped3A : memref<!tpu.dma_semaphore, #tpu.memory_space<semaphore_mem>>)
      tpu.wait_dma2 semaphore(%run_scoped3A : memref<!tpu.dma_semaphore, #tpu.memory_space<semaphore_mem>>) src(%arg5 : memref<32xi32, #tpu.memory_space<hbm>>) dst(%arg13 : memref<32xi32, #tpu.memory_space<vmem>>)
      tpu.yield
    }) : () -> ()
    %get3A = arith.constant 0 : index
    %get3A_3 = tpu.vector_load %arg13[%get3A] {strides = array<i32>} : memref<32xi32, #tpu.memory_space<vmem>>, vector<16xi32>,
    %get3A_4 = arith.constant 16 : index
    %get3A_5 = tpu.vector_load %arg13[%get3A_4] {strides = array<i32>} : memref<32xi32, #tpu.memory_space<vmem>>, vector<16xi32>,
    %cumsum3A = arith.constant true
    %cumsum3A_6 = vector.broadcast %cumsum3A : i1 to vector<16xi1>
    %cumsum3A_7 = tpu.scan <sum>, %get3A_3 masked %cumsum3A_6 : vector<16xi32>, vector<16xi1> -> vector<16xi32>
    %cumsum3A_8 = arith.constant true
    %cumsum3A_9 = vector.broadcast %cumsum3A_8 : i1 to vector<16xi1>
    %cumsum3A_10 = tpu.scan <sum>, %get3A_5 masked %cumsum3A_9 : vector<16xi32>, vector<16xi1> -> vector<16xi32>
    %reduce_sum3A = arith.constant true
    %reduce_sum3A_11 = vector.broadcast %reduce_sum3A : i1 to vector<16xi1>
    %reduce_sum3A_12 = tpu.scan <sum>, %get3A_3 masked %reduce_sum3A_11 : vector<16xi32>, vector<16xi1> -> vector<16xi32>
    %reduce_sum3A_13 = vector.extract %reduce_sum3A_12[15] : i32 from vector<16xi32>
    %add3A_14 = vector.broadcast %reduce_sum3A_13 : i32 to vector<16xi32>
    %add3A_15 = arith.addi %cumsum3A_10, %add3A_14 : vector<16xi32>
    %lt3A = arith.constant 16 : i32
    %lt3A_16 = arith.cmpi slt, %add3A, %lt3A : i32
    %sub3A = arith.constant 16 : i32
    %sub3A_17 = arith.subi %add3A, %sub3A : i32
    %select_n3A = arith.select %lt3A_16, %add3A, %sub3A_17 : i32
    %lt3A_18 = arith.constant 16 : i32
    %lt3A_19 = arith.cmpi slt, %add3A, %lt3A_18 : i32
    %iota3A = tpu.iota {dimensions = array<i32: 0>} : vector<16xi32>
    %eq3A = vector.broadcast %select_n3A : i32 to vector<16xi32>
    %eq3A_20 = arith.cmpi eq, %iota3A, %eq3A : vector<16xi32>
    %jit3A = arith.constant 0 : i32
    %broadcast_in_dim3A = vector.broadcast %jit3A : i32 to vector<16xi32>
    %select_n3A_21 = arith.select %eq3A_20, %cumsum3A_7, %broadcast_in_dim3A : vector<16xi1>, vector<16xi32>
    %reduce_sum3A_22 = arith.constant true
    %reduce_sum3A_23 = vector.broadcast %reduce_sum3A_22 : i1 to vector<16xi1>
    %reduce_sum3A_24 = tpu.scan <sum>, %select_n3A_21 masked %reduce_sum3A_23 : vector<16xi32>, vector<16xi1> -> vector<16xi32>
    %reduce_sum3A_25 = vector.extract %reduce_sum3A_24[15] : i32 from vector<16xi32>
    %iota3A_26 = tpu.iota {dimensions = array<i32: 0>} : vector<16xi32>
    %eq3A_27 = vector.broadcast %select_n3A : i32 to vector<16xi32>
    %eq3A_28 = arith.cmpi eq, %iota3A_26, %eq3A_27 : vector<16xi32>
    %jit3A_29 = arith.constant 0 : i32
    %broadcast_in_dim3A_30 = vector.broadcast %jit3A_29 : i32 to vector<16xi32>
    %select_n3A_31 = arith.select %eq3A_28, %add3A_15, %broadcast_in_dim3A_30 : vector<16xi1>, vector<16xi32>
    %reduce_sum3A_32 = arith.constant true
    %reduce_sum3A_33 = vector.broadcast %reduce_sum3A_32 : i1 to vector<16xi1>
    %reduce_sum3A_34 = tpu.scan <sum>, %select_n3A_31 masked %reduce_sum3A_33 : vector<16xi32>, vector<16xi1> -> vector<16xi32>
    %reduce_sum3A_35 = vector.extract %reduce_sum3A_34[15] : i32 from vector<16xi32>
    %select_n3A_36 = arith.select %lt3A_19, %reduce_sum3A_25, %reduce_sum3A_35 : i32
    %lt3A_37 = arith.constant 16 : i32
    %lt3A_38 = arith.cmpi slt, %add3A, %lt3A_37 : i32
    %iota3A_39 = tpu.iota {dimensions = array<i32: 0>} : vector<16xi32>
    %eq3A_40 = vector.broadcast %select_n3A : i32 to vector<16xi32>
    %eq3A_41 = arith.cmpi eq, %iota3A_39, %eq3A_40 : vector<16xi32>
    %jit3A_42 = arith.constant 0 : i32
    %broadcast_in_dim3A_43 = vector.broadcast %jit3A_42 : i32 to vector<16xi32>
    %select_n3A_44 = arith.select %eq3A_41, %get3A_3, %broadcast_in_dim3A_43 : vector<16xi1>, vector<16xi32>
    %reduce_sum3A_45 = arith.constant true
    %reduce_sum3A_46 = vector.broadcast %reduce_sum3A_45 : i1 to vector<16xi1>
    %reduce_sum3A_47 = tpu.scan <sum>, %select_n3A_44 masked %reduce_sum3A_46 : vector<16xi32>, vector<16xi1> -> vector<16xi32>
    %reduce_sum3A_48 = vector.extract %reduce_sum3A_47[15] : i32 from vector<16xi32>
    %iota3A_49 = tpu.iota {dimensions = array<i32: 0>} : vector<16xi32>
    %eq3A_50 = vector.broadcast %select_n3A : i32 to vector<16xi32>
    %eq3A_51 = arith.cmpi eq, %iota3A_49, %eq3A_50 : vector<16xi32>
    %jit3A_52 = arith.constant 0 : i32
    %broadcast_in_dim3A_53 = vector.broadcast %jit3A_52 : i32 to vector<16xi32>
    %select_n3A_54 = arith.select %eq3A_51, %get3A_5, %broadcast_in_dim3A_53 : vector<16xi1>, vector<16xi32>
    %reduce_sum3A_55 = arith.constant true
    %reduce_sum3A_56 = vector.broadcast %reduce_sum3A_55 : i1 to vector<16xi1>
    %reduce_sum3A_57 = tpu.scan <sum>, %select_n3A_54 masked %reduce_sum3A_56 : vector<16xi32>, vector<16xi1> -> vector<16xi32>
    %reduce_sum3A_58 = vector.extract %reduce_sum3A_57[15] : i32 from vector<16xi32>
    %select_n3A_59 = arith.select %lt3A_38, %reduce_sum3A_48, %reduce_sum3A_58 : i32
    %sub3A_60 = arith.subi %select_n3A_36, %select_n3A_59 : i32
    %add3A_61 = arith.constant 15 : i32
    %add3A_62 = arith.addi %sub3A_60, %add3A_61 : i32
    %and3A = arith.constant -16 : i32
    %and3A_63 = arith.andi %add3A_62, %and3A : i32
    %add3A_64 = arith.constant 15 : i32
    %add3A_65 = arith.addi %select_n3A_36, %add3A_64 : i32
    %and3A_66 = arith.constant -16 : i32
    %and3A_67 = arith.andi %add3A_65, %and3A_66 : i32
    %min3A = arith.constant 400000 : i32
    %min3A_68 = arith.minsi %and3A_67, %min3A : i32
    %sub3A_69 = arith.subi %and3A_63, %sub3A_60 : i32
    %sub3A_70 = arith.subi %min3A_68, %and3A_63 : i32
    %multiple_of3A = arith.constant 0 : i32
    %multiple_of3A_71 = tpu.assume_multiple %multiple_of3A, 16 : i32
    %add3A_72 = arith.constant 0 : i32
    %add3A_73 = arith.addi %mul3A_2, %add3A_72 : i32
    %multiple_of3A_74 = tpu.assume_multiple %add3A_73, 16 : i32
    %dma_start3A = tpu.memref_slice %arg8[%multiple_of3A_71] : memref<16416xi32, #tpu.memory_space<vmem>> -> memref<8208xi32, #tpu.memory_space<vmem>>
    %dma_start3A_75 = tpu.memref_slice %arg4[%multiple_of3A_74] : memref<4202496xi32, #tpu.memory_space<hbm>> -> memref<8208xi32, #tpu.memory_space<hbm>>
    %dma_start3A_76 = tpu.memref_slice %arg8[%multiple_of3A_71] : memref<16416xi32, #tpu.memory_space<vmem>> -> memref<8208xi32, #tpu.memory_space<vmem>>
    %dma_start3A_77 = tpu.memref_slice %arg4[%multiple_of3A_74] : memref<4202496xi32, #tpu.memory_space<hbm>> -> memref<8208xi32, #tpu.memory_space<hbm>>
    tpu.enqueue_dma source(%dma_start3A_77 : memref<8208xi32, #tpu.memory_space<hbm>>) target(%dma_start3A_76 : memref<8208xi32, #tpu.memory_space<vmem>>) target_semaphore(%arg14 : memref<!tpu.dma_semaphore, #tpu.memory_space<semaphore_mem>>)
    %dma_start3A_78 = tpu.memref_slice %arg9[%multiple_of3A_71] : memref<16416xf32, #tpu.memory_space<vmem>> -> memref<8208xf32, #tpu.memory_space<vmem>>
    %dma_start3A_79 = tpu.memref_slice %arg2[%multiple_of3A_74] : memref<4202496xf32, #tpu.memory_space<hbm>> -> memref<8208xf32, #tpu.memory_space<hbm>>
    %dma_start3A_80 = tpu.memref_slice %arg9[%multiple_of3A_71] : memref<16416xf32, #tpu.memory_space<vmem>> -> memref<8208xf32, #tpu.memory_space<vmem>>
    %dma_start3A_81 = tpu.memref_slice %arg2[%multiple_of3A_74] : memref<4202496xf32, #tpu.memory_space<hbm>> -> memref<8208xf32, #tpu.memory_space<hbm>>
    tpu.enqueue_dma source(%dma_start3A_81 : memref<8208xf32, #tpu.memory_space<hbm>>) target(%dma_start3A_80 : memref<8208xf32, #tpu.memory_space<vmem>>) target_semaphore(%arg15 : memref<!tpu.dma_semaphore, #tpu.memory_space<semaphore_mem>>)
    %dma_start3A_82 = tpu.memref_slice %arg10[%multiple_of3A_71] : memref<16416xf32, #tpu.memory_space<vmem>> -> memref<8208xf32, #tpu.memory_space<vmem>>
    %dma_start3A_83 = tpu.memref_slice %arg3[%multiple_of3A_74] : memref<4202496xf32, #tpu.memory_space<hbm>> -> memref<8208xf32, #tpu.memory_space<hbm>>
    %dma_start3A_84 = tpu.memref_slice %arg10[%multiple_of3A_71] : memref<16416xf32, #tpu.memory_space<vmem>> -> memref<8208xf32, #tpu.memory_space<vmem>>
    %dma_start3A_85 = tpu.memref_slice %arg3[%multiple_of3A_74] : memref<4202496xf32, #tpu.memory_space<hbm>> -> memref<8208xf32, #tpu.memory_space<hbm>>
    tpu.enqueue_dma source(%dma_start3A_85 : memref<8208xf32, #tpu.memory_space<hbm>>) target(%dma_start3A_84 : memref<8208xf32, #tpu.memory_space<vmem>>) target_semaphore(%arg16 : memref<!tpu.dma_semaphore, #tpu.memory_space<semaphore_mem>>)
    %scan3A = arith.constant 0 : i32
    %scan3A_86 = arith.constant 0 : i32
    %scan3A_87 = arith.constant 0 : i32
    %scan3A_88 = arith.constant 16 : i32
    %scan3A_89 = arith.addi %scan3A_87, %scan3A_88 : i32
    %scan3A_90 = arith.constant 1 : i32
    %scan3A_91:3 = scf.for %scan3A_241 = %scan3A_87 to %scan3A_89 step %scan3A_90 iter_args(%scan3A_242 = %scan3A, %scan3A_243 = %sub3A_69, %scan3A_244 = %scan3A_86) -> (i32, i32, i32)  : i32 {
      %and3A_245 = arith.constant 1 : i32
      %and3A_246 = arith.andi %scan3A_241, %and3A_245 : i32
      %mul3A_247 = arith.constant 8208 : i32
      %mul3A_248 = arith.muli %and3A_246, %mul3A_247 : i32
      %multiple_of3A_249 = tpu.assume_multiple %mul3A_248, 16 : i32
      %mul3A_250 = arith.constant 8208 : i32
      %mul3A_251 = arith.muli %scan3A_241, %mul3A_250 : i32
      %add3A_252 = arith.addi %mul3A_2, %mul3A_251 : i32
      %multiple_of3A_253 = tpu.assume_multiple %add3A_252, 16 : i32
      %dma_wait3A = tpu.memref_slice %arg8[%multiple_of3A_249] : memref<16416xi32, #tpu.memory_space<vmem>> -> memref<8208xi32, #tpu.memory_space<vmem>>
      %dma_wait3A_254 = tpu.memref_slice %arg4[%multiple_of3A_253] : memref<4202496xi32, #tpu.memory_space<hbm>> -> memref<8208xi32, #tpu.memory_space<hbm>>
      %dma_wait3A_255 = tpu.memref_slice %arg8[%multiple_of3A_249] : memref<16416xi32, #tpu.memory_space<vmem>> -> memref<8208xi32, #tpu.memory_space<vmem>>
      %dma_wait3A_256 = tpu.memref_slice %arg4[%multiple_of3A_253] : memref<4202496xi32, #tpu.memory_space<hbm>> -> memref<8208xi32, #tpu.memory_space<hbm>>
      tpu.wait_dma2 semaphore(%arg14 : memref<!tpu.dma_semaphore, #tpu.memory_space<semaphore_mem>>) src(%dma_wait3A_256 : memref<8208xi32, #tpu.memory_space<hbm>>) dst(%dma_wait3A_255 : memref<8208xi32, #tpu.memory_space<vmem>>)
      %dma_wait3A_257 = tpu.memref_slice %arg9[%multiple_of3A_249] : memref<16416xf32, #tpu.memory_space<vmem>> -> memref<8208xf32, #tpu.memory_space<vmem>>
      %dma_wait3A_258 = tpu.memref_slice %arg2[%multiple_of3A_253] : memref<4202496xf32, #tpu.memory_space<hbm>> -> memref<8208xf32, #tpu.memory_space<hbm>>
      %dma_wait3A_259 = tpu.memref_slice %arg9[%multiple_of3A_249] : memref<16416xf32, #tpu.memory_space<vmem>> -> memref<8208xf32, #tpu.memory_space<vmem>>
      %dma_wait3A_260 = tpu.memref_slice %arg2[%multiple_of3A_253] : memref<4202496xf32, #tpu.memory_space<hbm>> -> memref<8208xf32, #tpu.memory_space<hbm>>
      tpu.wait_dma2 semaphore(%arg15 : memref<!tpu.dma_semaphore, #tpu.memory_space<semaphore_mem>>) src(%dma_wait3A_260 : memref<8208xf32, #tpu.memory_space<hbm>>) dst(%dma_wait3A_259 : memref<8208xf32, #tpu.memory_space<vmem>>)
      %dma_wait3A_261 = tpu.memref_slice %arg10[%multiple_of3A_249] : memref<16416xf32, #tpu.memory_space<vmem>> -> memref<8208xf32, #tpu.memory_space<vmem>>
      %dma_wait3A_262 = tpu.memref_slice %arg3[%multiple_of3A_253] : memref<4202496xf32, #tpu.memory_space<hbm>> -> memref<8208xf32, #tpu.memory_space<hbm>>
      %dma_wait3A_263 = tpu.memref_slice %arg10[%multiple_of3A_249] : memref<16416xf32, #tpu.memory_space<vmem>> -> memref<8208xf32, #tpu.memory_space<vmem>>
      %dma_wait3A_264 = tpu.memref_slice %arg3[%multiple_of3A_253] : memref<4202496xf32, #tpu.memory_space<hbm>> -> memref<8208xf32, #tpu.memory_space<hbm>>
      tpu.wait_dma2 semaphore(%arg16 : memref<!tpu.dma_semaphore, #tpu.memory_space<semaphore_mem>>) src(%dma_wait3A_264 : memref<8208xf32, #tpu.memory_space<hbm>>) dst(%dma_wait3A_263 : memref<8208xf32, #tpu.memory_space<vmem>>)
      %add3A_265 = arith.constant 1 : i32
      %add3A_266 = arith.addi %scan3A_241, %add3A_265 : i32
      %lt3A_267 = arith.constant 16 : i32
      %lt3A_268 = arith.cmpi slt, %add3A_266, %lt3A_267 : i32
      %convert_element_type3A_269 = arith.extui %lt3A_268 : i1 to i32
      %cond3A_270 = arith.constant 0 : i32
      %cond3A_271 = arith.cmpi ne, %convert_element_type3A_269, %cond3A_270 : i32
      scf.if %cond3A_271 {
        %add3A_314 = arith.constant 1 : i32
        %add3A_315 = arith.addi %scan3A_241, %add3A_314 : i32
        %and3A_316 = arith.constant 1 : i32
        %and3A_317 = arith.andi %add3A_315, %and3A_316 : i32
        %mul3A_318 = arith.constant 8208 : i32
        %mul3A_319 = arith.muli %and3A_317, %mul3A_318 : i32
        %multiple_of3A_320 = tpu.assume_multiple %mul3A_319, 16 : i32
        %mul3A_321 = arith.constant 8208 : i32
        %mul3A_322 = arith.muli %add3A_315, %mul3A_321 : i32
        %add3A_323 = arith.addi %mul3A_2, %mul3A_322 : i32
        %multiple_of3A_324 = tpu.assume_multiple %add3A_323, 16 : i32
        %dma_start3A_325 = tpu.memref_slice %arg8[%multiple_of3A_320] : memref<16416xi32, #tpu.memory_space<vmem>> -> memref<8208xi32, #tpu.memory_space<vmem>>
        %dma_start3A_326 = tpu.memref_slice %arg4[%multiple_of3A_324] : memref<4202496xi32, #tpu.memory_space<hbm>> -> memref<8208xi32, #tpu.memory_space<hbm>>
        %dma_start3A_327 = tpu.memref_slice %arg8[%multiple_of3A_320] : memref<16416xi32, #tpu.memory_space<vmem>> -> memref<8208xi32, #tpu.memory_space<vmem>>
        %dma_start3A_328 = tpu.memref_slice %arg4[%multiple_of3A_324] : memref<4202496xi32, #tpu.memory_space<hbm>> -> memref<8208xi32, #tpu.memory_space<hbm>>
        tpu.enqueue_dma source(%dma_start3A_328 : memref<8208xi32, #tpu.memory_space<hbm>>) target(%dma_start3A_327 : memref<8208xi32, #tpu.memory_space<vmem>>) target_semaphore(%arg14 : memref<!tpu.dma_semaphore, #tpu.memory_space<semaphore_mem>>)
        %dma_start3A_329 = tpu.memref_slice %arg9[%multiple_of3A_320] : memref<16416xf32, #tpu.memory_space<vmem>> -> memref<8208xf32, #tpu.memory_space<vmem>>
        %dma_start3A_330 = tpu.memref_slice %arg2[%multiple_of3A_324] : memref<4202496xf32, #tpu.memory_space<hbm>> -> memref<8208xf32, #tpu.memory_space<hbm>>
        %dma_start3A_331 = tpu.memref_slice %arg9[%multiple_of3A_320] : memref<16416xf32, #tpu.memory_space<vmem>> -> memref<8208xf32, #tpu.memory_space<vmem>>
        %dma_start3A_332 = tpu.memref_slice %arg2[%multiple_of3A_324] : memref<4202496xf32, #tpu.memory_space<hbm>> -> memref<8208xf32, #tpu.memory_space<hbm>>
        tpu.enqueue_dma source(%dma_start3A_332 : memref<8208xf32, #tpu.memory_space<hbm>>) target(%dma_start3A_331 : memref<8208xf32, #tpu.memory_space<vmem>>) target_semaphore(%arg15 : memref<!tpu.dma_semaphore, #tpu.memory_space<semaphore_mem>>)
        %dma_start3A_333 = tpu.memref_slice %arg10[%multiple_of3A_320] : memref<16416xf32, #tpu.memory_space<vmem>> -> memref<8208xf32, #tpu.memory_space<vmem>>
        %dma_start3A_334 = tpu.memref_slice %arg3[%multiple_of3A_324] : memref<4202496xf32, #tpu.memory_space<hbm>> -> memref<8208xf32, #tpu.memory_space<hbm>>
        %dma_start3A_335 = tpu.memref_slice %arg10[%multiple_of3A_320] : memref<16416xf32, #tpu.memory_space<vmem>> -> memref<8208xf32, #tpu.memory_space<vmem>>
        %dma_start3A_336 = tpu.memref_slice %arg3[%multiple_of3A_324] : memref<4202496xf32, #tpu.memory_space<hbm>> -> memref<8208xf32, #tpu.memory_space<hbm>>
        tpu.enqueue_dma source(%dma_start3A_336 : memref<8208xf32, #tpu.memory_space<hbm>>) target(%dma_start3A_335 : memref<8208xf32, #tpu.memory_space<vmem>>) target_semaphore(%arg16 : memref<!tpu.dma_semaphore, #tpu.memory_space<semaphore_mem>>)
      } else {
      }
      %and3A_272 = arith.constant 1 : i32
      %and3A_273 = arith.andi %scan3A_241, %and3A_272 : i32
      %mul3A_274 = arith.constant 8208 : i32
      %mul3A_275 = arith.muli %and3A_273, %mul3A_274 : i32
      %multiple_of3A_276 = tpu.assume_multiple %mul3A_275, 16 : i32
      %gt3A = arith.constant 0 : i32
      %gt3A_277 = arith.cmpi sgt, %scan3A_243, %gt3A : i32
      %convert_element_type3A_278 = arith.extui %gt3A_277 : i1 to i32
      %cond3A_279 = arith.constant 0 : i32
      %cond3A_280 = arith.cmpi ne, %convert_element_type3A_278, %cond3A_279 : i32
      %cond3A_281:2 = scf.if %cond3A_280 -> (i32, i32) {
        %scan3A_314 = arith.constant 0 : i32
        %scan3A_315 = arith.constant 513 : i32
        %scan3A_316 = arith.addi %scan3A_314, %scan3A_315 : i32
        %scan3A_317 = arith.constant 1 : i32
        %scan3A_318:2 = scf.for %scan3A_320 = %scan3A_314 to %scan3A_316 step %scan3A_317 iter_args(%scan3A_321 = %scan3A_242, %scan3A_322 = %scan3A_243) -> (i32, i32)  : i32 {
          %mul3A_323 = arith.constant 16 : i32
          %mul3A_324 = arith.muli %scan3A_320, %mul3A_323 : i32
          %add3A_325 = arith.addi %multiple_of3A_276, %mul3A_324 : i32
          %get3A_326 = arith.index_cast %add3A_325 : i32 to index
          %get3A_327 = tpu.vector_load %arg8[%get3A_326] {strides = array<i32>} : memref<16416xi32, #tpu.memory_space<vmem>>, vector<16xi32>,
          %gt3A_328 = arith.constant 0 : i32
          %gt3A_329 = vector.broadcast %gt3A_328 : i32 to vector<16xi32>
          %gt3A_330 = arith.cmpi sgt, %get3A_327, %gt3A_329 : vector<16xi32>
          %broadcast_in_dim3A_331 = arith.constant true
          %broadcast_in_dim3A_332 = vector.broadcast %broadcast_in_dim3A_331 : i1 to vector<16xi1>
          %masked_cumsum3A = tpu.scan <sum>, %get3A_327 masked %broadcast_in_dim3A_332 : vector<16xi32>, vector<16xi1> -> vector<16xi32>
          %gt3A_333 = vector.broadcast %scan3A_322 : i32 to vector<16xi32>
          %gt3A_334 = arith.cmpi sgt, %masked_cumsum3A, %gt3A_333 : vector<16xi32>
          %and3A_335 = arith.andi %gt3A_330, %gt3A_334 : vector<16xi1>
          %get3A_336 = arith.index_cast %add3A_325 : i32 to index
          %get3A_337 = tpu.vector_load %arg9[%get3A_336] {strides = array<i32>} : memref<16416xf32, #tpu.memory_space<vmem>>, vector<16xf32>,
          %swap3A = arith.index_cast %scan3A_321 : i32 to index
          %swap3A_338 = tpu.vector_load %arg11[%swap3A] masked %and3A_335 {strides = array<i32>} : memref<10288xf32, #tpu.memory_space<vmem>>, vector<16xf32>, vector<16xi1>
          tpu.vector_store %arg11[%swap3A], %get3A_337 masked %and3A_335 {strides = array<i32>} : memref<10288xf32, #tpu.memory_space<vmem>>, vector<16xf32>, vector<16xi1>
          %get3A_339 = arith.index_cast %add3A_325 : i32 to index
          %get3A_340 = tpu.vector_load %arg10[%get3A_339] {strides = array<i32>} : memref<16416xf32, #tpu.memory_space<vmem>>, vector<16xf32>,
          %swap3A_341 = arith.index_cast %scan3A_321 : i32 to index
          %swap3A_342 = tpu.vector_load %arg12[%swap3A_341] masked %and3A_335 {strides = array<i32>} : memref<10288xf32, #tpu.memory_space<vmem>>, vector<16xf32>, vector<16xi1>
          tpu.vector_store %arg12[%swap3A_341], %get3A_340 masked %and3A_335 {strides = array<i32>} : memref<10288xf32, #tpu.memory_space<vmem>>, vector<16xf32>, vector<16xi1>
          %reduce_sum3A_343 = arith.constant true
          %reduce_sum3A_344 = vector.broadcast %reduce_sum3A_343 : i1 to vector<16xi1>
          %reduce_sum3A_345 = tpu.scan <sum>, %get3A_327 masked %reduce_sum3A_344 : vector<16xi32>, vector<16xi1> -> vector<16xi32>
          %reduce_sum3A_346 = vector.extract %reduce_sum3A_345[15] : i32 from vector<16xi32>
          %min3A_347 = arith.minsi %scan3A_322, %reduce_sum3A_346 : i32
          %add3A_348 = arith.addi %scan3A_321, %reduce_sum3A_346 : i32
          %sub3A_349 = arith.subi %add3A_348, %min3A_347 : i32
          %sub3A_350 = arith.subi %scan3A_322, %min3A_347 : i32
          scf.yield %sub3A_349, %sub3A_350 : i32, i32
        }
        %scan3A_319 = arith.constant 513 : i32
        scf.yield %scan3A_318#0, %scan3A_318#1 : i32, i32
      } else {
        %scan3A_314 = arith.constant 0 : i32
        %scan3A_315 = arith.constant 64 : i32
        %scan3A_316 = arith.addi %scan3A_314, %scan3A_315 : i32
        %scan3A_317 = arith.constant 1 : i32
        %scan3A_318 = scf.for %scan3A_342 = %scan3A_314 to %scan3A_316 step %scan3A_317 iter_args(%scan3A_343 = %scan3A_242) -> (i32)  : i32 {
          %mul3A_344 = arith.constant 128 : i32
          %mul3A_345 = arith.muli %scan3A_342, %mul3A_344 : i32
          %add3A_346 = arith.addi %multiple_of3A_276, %mul3A_345 : i32
          %add3A_347 = arith.constant 0 : i32
          %add3A_348 = arith.addi %add3A_346, %add3A_347 : i32
          %add3A_349 = arith.addi %multiple_of3A_276, %mul3A_345 : i32
          %add3A_350 = arith.constant 16 : i32
          %add3A_351 = arith.addi %add3A_349, %add3A_350 : i32
          %add3A_352 = arith.addi %multiple_of3A_276, %mul3A_345 : i32
          %add3A_353 = arith.constant 32 : i32
          %add3A_354 = arith.addi %add3A_352, %add3A_353 : i32
          %add3A_355 = arith.addi %multiple_of3A_276, %mul3A_345 : i32
          %add3A_356 = arith.constant 48 : i32
          %add3A_357 = arith.addi %add3A_355, %add3A_356 : i32
          %add3A_358 = arith.addi %multiple_of3A_276, %mul3A_345 : i32
          %add3A_359 = arith.constant 64 : i32
          %add3A_360 = arith.addi %add3A_358, %add3A_359 : i32
          %add3A_361 = arith.addi %multiple_of3A_276, %mul3A_345 : i32
          %add3A_362 = arith.constant 80 : i32
          %add3A_363 = arith.addi %add3A_361, %add3A_362 : i32
          %add3A_364 = arith.addi %multiple_of3A_276, %mul3A_345 : i32
          %add3A_365 = arith.constant 96 : i32
          %add3A_366 = arith.addi %add3A_364, %add3A_365 : i32
          %add3A_367 = arith.addi %multiple_of3A_276, %mul3A_345 : i32
          %add3A_368 = arith.constant 112 : i32
          %add3A_369 = arith.addi %add3A_367, %add3A_368 : i32
          %get3A_370 = arith.index_cast %add3A_348 : i32 to index
          %get3A_371 = tpu.vector_load %arg8[%get3A_370] {strides = array<i32>} : memref<16416xi32, #tpu.memory_space<vmem>>, vector<16xi32>,
          %get3A_372 = arith.index_cast %add3A_351 : i32 to index
          %get3A_373 = tpu.vector_load %arg8[%get3A_372] {strides = array<i32>} : memref<16416xi32, #tpu.memory_space<vmem>>, vector<16xi32>,
          %get3A_374 = arith.index_cast %add3A_354 : i32 to index
          %get3A_375 = tpu.vector_load %arg8[%get3A_374] {strides = array<i32>} : memref<16416xi32, #tpu.memory_space<vmem>>, vector<16xi32>,
          %get3A_376 = arith.index_cast %add3A_357 : i32 to index
          %get3A_377 = tpu.vector_load %arg8[%get3A_376] {strides = array<i32>} : memref<16416xi32, #tpu.memory_space<vmem>>, vector<16xi32>,
          %get3A_378 = arith.index_cast %add3A_360 : i32 to index
          %get3A_379 = tpu.vector_load %arg8[%get3A_378] {strides = array<i32>} : memref<16416xi32, #tpu.memory_space<vmem>>, vector<16xi32>,
          %get3A_380 = arith.index_cast %add3A_363 : i32 to index
          %get3A_381 = tpu.vector_load %arg8[%get3A_380] {strides = array<i32>} : memref<16416xi32, #tpu.memory_space<vmem>>, vector<16xi32>,
          %get3A_382 = arith.index_cast %add3A_366 : i32 to index
          %get3A_383 = tpu.vector_load %arg8[%get3A_382] {strides = array<i32>} : memref<16416xi32, #tpu.memory_space<vmem>>, vector<16xi32>,
          %get3A_384 = arith.index_cast %add3A_369 : i32 to index
          %get3A_385 = tpu.vector_load %arg8[%get3A_384] {strides = array<i32>} : memref<16416xi32, #tpu.memory_space<vmem>>, vector<16xi32>,
          %reduce_sum3A_386 = arith.constant true
          %reduce_sum3A_387 = vector.broadcast %reduce_sum3A_386 : i1 to vector<16xi1>
          %reduce_sum3A_388 = tpu.scan <sum>, %get3A_371 masked %reduce_sum3A_387 : vector<16xi32>, vector<16xi1> -> vector<16xi32>
          %reduce_sum3A_389 = vector.extract %reduce_sum3A_388[15] : i32 from vector<16xi32>
          %reduce_sum3A_390 = arith.constant true
          %reduce_sum3A_391 = vector.broadcast %reduce_sum3A_390 : i1 to vector<16xi1>
          %reduce_sum3A_392 = tpu.scan <sum>, %get3A_373 masked %reduce_sum3A_391 : vector<16xi32>, vector<16xi1> -> vector<16xi32>
          %reduce_sum3A_393 = vector.extract %reduce_sum3A_392[15] : i32 from vector<16xi32>
          %reduce_sum3A_394 = arith.constant true
          %reduce_sum3A_395 = vector.broadcast %reduce_sum3A_394 : i1 to vector<16xi1>
          %reduce_sum3A_396 = tpu.scan <sum>, %get3A_375 masked %reduce_sum3A_395 : vector<16xi32>, vector<16xi1> -> vector<16xi32>
          %reduce_sum3A_397 = vector.extract %reduce_sum3A_396[15] : i32 from vector<16xi32>
          %reduce_sum3A_398 = arith.constant true
          %reduce_sum3A_399 = vector.broadcast %reduce_sum3A_398 : i1 to vector<16xi1>
          %reduce_sum3A_400 = tpu.scan <sum>, %get3A_377 masked %reduce_sum3A_399 : vector<16xi32>, vector<16xi1> -> vector<16xi32>
          %reduce_sum3A_401 = vector.extract %reduce_sum3A_400[15] : i32 from vector<16xi32>
          %reduce_sum3A_402 = arith.constant true
          %reduce_sum3A_403 = vector.broadcast %reduce_sum3A_402 : i1 to vector<16xi1>
          %reduce_sum3A_404 = tpu.scan <sum>, %get3A_379 masked %reduce_sum3A_403 : vector<16xi32>, vector<16xi1> -> vector<16xi32>
          %reduce_sum3A_405 = vector.extract %reduce_sum3A_404[15] : i32 from vector<16xi32>
          %reduce_sum3A_406 = arith.constant true
          %reduce_sum3A_407 = vector.broadcast %reduce_sum3A_406 : i1 to vector<16xi1>
          %reduce_sum3A_408 = tpu.scan <sum>, %get3A_381 masked %reduce_sum3A_407 : vector<16xi32>, vector<16xi1> -> vector<16xi32>
          %reduce_sum3A_409 = vector.extract %reduce_sum3A_408[15] : i32 from vector<16xi32>
          %reduce_sum3A_410 = arith.constant true
          %reduce_sum3A_411 = vector.broadcast %reduce_sum3A_410 : i1 to vector<16xi1>
          %reduce_sum3A_412 = tpu.scan <sum>, %get3A_383 masked %reduce_sum3A_411 : vector<16xi32>, vector<16xi1> -> vector<16xi32>
          %reduce_sum3A_413 = vector.extract %reduce_sum3A_412[15] : i32 from vector<16xi32>
          %reduce_sum3A_414 = arith.constant true
          %reduce_sum3A_415 = vector.broadcast %reduce_sum3A_414 : i1 to vector<16xi1>
          %reduce_sum3A_416 = tpu.scan <sum>, %get3A_385 masked %reduce_sum3A_415 : vector<16xi32>, vector<16xi1> -> vector<16xi32>
          %reduce_sum3A_417 = vector.extract %reduce_sum3A_416[15] : i32 from vector<16xi32>
          %gt3A_418 = arith.constant 0 : i32
          %gt3A_419 = vector.broadcast %gt3A_418 : i32 to vector<16xi32>
          %gt3A_420 = arith.cmpi sgt, %get3A_371, %gt3A_419 : vector<16xi32>
          %gt3A_421 = arith.constant 0 : i32
          %gt3A_422 = vector.broadcast %gt3A_421 : i32 to vector<16xi32>
          %gt3A_423 = arith.cmpi sgt, %get3A_373, %gt3A_422 : vector<16xi32>
          %gt3A_424 = arith.constant 0 : i32
          %gt3A_425 = vector.broadcast %gt3A_424 : i32 to vector<16xi32>
          %gt3A_426 = arith.cmpi sgt, %get3A_375, %gt3A_425 : vector<16xi32>
          %gt3A_427 = arith.constant 0 : i32
          %gt3A_428 = vector.broadcast %gt3A_427 : i32 to vector<16xi32>
          %gt3A_429 = arith.cmpi sgt, %get3A_377, %gt3A_428 : vector<16xi32>
          %gt3A_430 = arith.constant 0 : i32
          %gt3A_431 = vector.broadcast %gt3A_430 : i32 to vector<16xi32>
          %gt3A_432 = arith.cmpi sgt, %get3A_379, %gt3A_431 : vector<16xi32>
          %gt3A_433 = arith.constant 0 : i32
          %gt3A_434 = vector.broadcast %gt3A_433 : i32 to vector<16xi32>
          %gt3A_435 = arith.cmpi sgt, %get3A_381, %gt3A_434 : vector<16xi32>
          %gt3A_436 = arith.constant 0 : i32
          %gt3A_437 = vector.broadcast %gt3A_436 : i32 to vector<16xi32>
          %gt3A_438 = arith.cmpi sgt, %get3A_383, %gt3A_437 : vector<16xi32>
          %gt3A_439 = arith.constant 0 : i32
          %gt3A_440 = vector.broadcast %gt3A_439 : i32 to vector<16xi32>
          %gt3A_441 = arith.cmpi sgt, %get3A_385, %gt3A_440 : vector<16xi32>
          %get3A_442 = arith.index_cast %add3A_348 : i32 to index
          %get3A_443 = tpu.vector_load %arg9[%get3A_442] {strides = array<i32>} : memref<16416xf32, #tpu.memory_space<vmem>>, vector<16xf32>,
          %swap3A_444 = arith.index_cast %scan3A_343 : i32 to index
          %swap3A_445 = tpu.vector_load %arg11[%swap3A_444] masked %gt3A_420 {strides = array<i32>} : memref<10288xf32, #tpu.memory_space<vmem>>, vector<16xf32>, vector<16xi1>
          tpu.vector_store %arg11[%swap3A_444], %get3A_443 masked %gt3A_420 {strides = array<i32>} : memref<10288xf32, #tpu.memory_space<vmem>>, vector<16xf32>, vector<16xi1>
          %get3A_446 = arith.index_cast %add3A_348 : i32 to index
          %get3A_447 = tpu.vector_load %arg10[%get3A_446] {strides = array<i32>} : memref<16416xf32, #tpu.memory_space<vmem>>, vector<16xf32>,
          %swap3A_448 = arith.index_cast %scan3A_343 : i32 to index
          %swap3A_449 = tpu.vector_load %arg12[%swap3A_448] masked %gt3A_420 {strides = array<i32>} : memref<10288xf32, #tpu.memory_space<vmem>>, vector<16xf32>, vector<16xi1>
          tpu.vector_store %arg12[%swap3A_448], %get3A_447 masked %gt3A_420 {strides = array<i32>} : memref<10288xf32, #tpu.memory_space<vmem>>, vector<16xf32>, vector<16xi1>
          %add3A_450 = arith.addi %scan3A_343, %reduce_sum3A_389 : i32
          %get3A_451 = arith.index_cast %add3A_351 : i32 to index
          %get3A_452 = tpu.vector_load %arg9[%get3A_451] {strides = array<i32>} : memref<16416xf32, #tpu.memory_space<vmem>>, vector<16xf32>,
          %swap3A_453 = arith.index_cast %add3A_450 : i32 to index
          %swap3A_454 = tpu.vector_load %arg11[%swap3A_453] masked %gt3A_423 {strides = array<i32>} : memref<10288xf32, #tpu.memory_space<vmem>>, vector<16xf32>, vector<16xi1>
          tpu.vector_store %arg11[%swap3A_453], %get3A_452 masked %gt3A_423 {strides = array<i32>} : memref<10288xf32, #tpu.memory_space<vmem>>, vector<16xf32>, vector<16xi1>
          %get3A_455 = arith.index_cast %add3A_351 : i32 to index
          %get3A_456 = tpu.vector_load %arg10[%get3A_455] {strides = array<i32>} : memref<16416xf32, #tpu.memory_space<vmem>>, vector<16xf32>,
          %swap3A_457 = arith.index_cast %add3A_450 : i32 to index
          %swap3A_458 = tpu.vector_load %arg12[%swap3A_457] masked %gt3A_423 {strides = array<i32>} : memref<10288xf32, #tpu.memory_space<vmem>>, vector<16xf32>, vector<16xi1>
          tpu.vector_store %arg12[%swap3A_457], %get3A_456 masked %gt3A_423 {strides = array<i32>} : memref<10288xf32, #tpu.memory_space<vmem>>, vector<16xf32>, vector<16xi1>
          %add3A_459 = arith.addi %add3A_450, %reduce_sum3A_393 : i32
          %get3A_460 = arith.index_cast %add3A_354 : i32 to index
          %get3A_461 = tpu.vector_load %arg9[%get3A_460] {strides = array<i32>} : memref<16416xf32, #tpu.memory_space<vmem>>, vector<16xf32>,
          %swap3A_462 = arith.index_cast %add3A_459 : i32 to index
          %swap3A_463 = tpu.vector_load %arg11[%swap3A_462] masked %gt3A_426 {strides = array<i32>} : memref<10288xf32, #tpu.memory_space<vmem>>, vector<16xf32>, vector<16xi1>
          tpu.vector_store %arg11[%swap3A_462], %get3A_461 masked %gt3A_426 {strides = array<i32>} : memref<10288xf32, #tpu.memory_space<vmem>>, vector<16xf32>, vector<16xi1>
          %get3A_464 = arith.index_cast %add3A_354 : i32 to index
          %get3A_465 = tpu.vector_load %arg10[%get3A_464] {strides = array<i32>} : memref<16416xf32, #tpu.memory_space<vmem>>, vector<16xf32>,
          %swap3A_466 = arith.index_cast %add3A_459 : i32 to index
          %swap3A_467 = tpu.vector_load %arg12[%swap3A_466] masked %gt3A_426 {strides = array<i32>} : memref<10288xf32, #tpu.memory_space<vmem>>, vector<16xf32>, vector<16xi1>
          tpu.vector_store %arg12[%swap3A_466], %get3A_465 masked %gt3A_426 {strides = array<i32>} : memref<10288xf32, #tpu.memory_space<vmem>>, vector<16xf32>, vector<16xi1>
          %add3A_468 = arith.addi %add3A_459, %reduce_sum3A_397 : i32
          %get3A_469 = arith.index_cast %add3A_357 : i32 to index
          %get3A_470 = tpu.vector_load %arg9[%get3A_469] {strides = array<i32>} : memref<16416xf32, #tpu.memory_space<vmem>>, vector<16xf32>,
          %swap3A_471 = arith.index_cast %add3A_468 : i32 to index
          %swap3A_472 = tpu.vector_load %arg11[%swap3A_471] masked %gt3A_429 {strides = array<i32>} : memref<10288xf32, #tpu.memory_space<vmem>>, vector<16xf32>, vector<16xi1>
          tpu.vector_store %arg11[%swap3A_471], %get3A_470 masked %gt3A_429 {strides = array<i32>} : memref<10288xf32, #tpu.memory_space<vmem>>, vector<16xf32>, vector<16xi1>
          %get3A_473 = arith.index_cast %add3A_357 : i32 to index
          %get3A_474 = tpu.vector_load %arg10[%get3A_473] {strides = array<i32>} : memref<16416xf32, #tpu.memory_space<vmem>>, vector<16xf32>,
          %swap3A_475 = arith.index_cast %add3A_468 : i32 to index
          %swap3A_476 = tpu.vector_load %arg12[%swap3A_475] masked %gt3A_429 {strides = array<i32>} : memref<10288xf32, #tpu.memory_space<vmem>>, vector<16xf32>, vector<16xi1>
          tpu.vector_store %arg12[%swap3A_475], %get3A_474 masked %gt3A_429 {strides = array<i32>} : memref<10288xf32, #tpu.memory_space<vmem>>, vector<16xf32>, vector<16xi1>
          %add3A_477 = arith.addi %add3A_468, %reduce_sum3A_401 : i32
          %get3A_478 = arith.index_cast %add3A_360 : i32 to index
          %get3A_479 = tpu.vector_load %arg9[%get3A_478] {strides = array<i32>} : memref<16416xf32, #tpu.memory_space<vmem>>, vector<16xf32>,
          %swap3A_480 = arith.index_cast %add3A_477 : i32 to index
          %swap3A_481 = tpu.vector_load %arg11[%swap3A_480] masked %gt3A_432 {strides = array<i32>} : memref<10288xf32, #tpu.memory_space<vmem>>, vector<16xf32>, vector<16xi1>
          tpu.vector_store %arg11[%swap3A_480], %get3A_479 masked %gt3A_432 {strides = array<i32>} : memref<10288xf32, #tpu.memory_space<vmem>>, vector<16xf32>, vector<16xi1>
          %get3A_482 = arith.index_cast %add3A_360 : i32 to index
          %get3A_483 = tpu.vector_load %arg10[%get3A_482] {strides = array<i32>} : memref<16416xf32, #tpu.memory_space<vmem>>, vector<16xf32>,
          %swap3A_484 = arith.index_cast %add3A_477 : i32 to index
          %swap3A_485 = tpu.vector_load %arg12[%swap3A_484] masked %gt3A_432 {strides = array<i32>} : memref<10288xf32, #tpu.memory_space<vmem>>, vector<16xf32>, vector<16xi1>
          tpu.vector_store %arg12[%swap3A_484], %get3A_483 masked %gt3A_432 {strides = array<i32>} : memref<10288xf32, #tpu.memory_space<vmem>>, vector<16xf32>, vector<16xi1>
          %add3A_486 = arith.addi %add3A_477, %reduce_sum3A_405 : i32
          %get3A_487 = arith.index_cast %add3A_363 : i32 to index
          %get3A_488 = tpu.vector_load %arg9[%get3A_487] {strides = array<i32>} : memref<16416xf32, #tpu.memory_space<vmem>>, vector<16xf32>,
          %swap3A_489 = arith.index_cast %add3A_486 : i32 to index
          %swap3A_490 = tpu.vector_load %arg11[%swap3A_489] masked %gt3A_435 {strides = array<i32>} : memref<10288xf32, #tpu.memory_space<vmem>>, vector<16xf32>, vector<16xi1>
          tpu.vector_store %arg11[%swap3A_489], %get3A_488 masked %gt3A_435 {strides = array<i32>} : memref<10288xf32, #tpu.memory_space<vmem>>, vector<16xf32>, vector<16xi1>
          %get3A_491 = arith.index_cast %add3A_363 : i32 to index
          %get3A_492 = tpu.vector_load %arg10[%get3A_491] {strides = array<i32>} : memref<16416xf32, #tpu.memory_space<vmem>>, vector<16xf32>,
          %swap3A_493 = arith.index_cast %add3A_486 : i32 to index
          %swap3A_494 = tpu.vector_load %arg12[%swap3A_493] masked %gt3A_435 {strides = array<i32>} : memref<10288xf32, #tpu.memory_space<vmem>>, vector<16xf32>, vector<16xi1>
          tpu.vector_store %arg12[%swap3A_493], %get3A_492 masked %gt3A_435 {strides = array<i32>} : memref<10288xf32, #tpu.memory_space<vmem>>, vector<16xf32>, vector<16xi1>
          %add3A_495 = arith.addi %add3A_486, %reduce_sum3A_409 : i32
          %get3A_496 = arith.index_cast %add3A_366 : i32 to index
          %get3A_497 = tpu.vector_load %arg9[%get3A_496] {strides = array<i32>} : memref<16416xf32, #tpu.memory_space<vmem>>, vector<16xf32>,
          %swap3A_498 = arith.index_cast %add3A_495 : i32 to index
          %swap3A_499 = tpu.vector_load %arg11[%swap3A_498] masked %gt3A_438 {strides = array<i32>} : memref<10288xf32, #tpu.memory_space<vmem>>, vector<16xf32>, vector<16xi1>
          tpu.vector_store %arg11[%swap3A_498], %get3A_497 masked %gt3A_438 {strides = array<i32>} : memref<10288xf32, #tpu.memory_space<vmem>>, vector<16xf32>, vector<16xi1>
          %get3A_500 = arith.index_cast %add3A_366 : i32 to index
          %get3A_501 = tpu.vector_load %arg10[%get3A_500] {strides = array<i32>} : memref<16416xf32, #tpu.memory_space<vmem>>, vector<16xf32>,
          %swap3A_502 = arith.index_cast %add3A_495 : i32 to index
          %swap3A_503 = tpu.vector_load %arg12[%swap3A_502] masked %gt3A_438 {strides = array<i32>} : memref<10288xf32, #tpu.memory_space<vmem>>, vector<16xf32>, vector<16xi1>
          tpu.vector_store %arg12[%swap3A_502], %get3A_501 masked %gt3A_438 {strides = array<i32>} : memref<10288xf32, #tpu.memory_space<vmem>>, vector<16xf32>, vector<16xi1>
          %add3A_504 = arith.addi %add3A_495, %reduce_sum3A_413 : i32
          %get3A_505 = arith.index_cast %add3A_369 : i32 to index
          %get3A_506 = tpu.vector_load %arg9[%get3A_505] {strides = array<i32>} : memref<16416xf32, #tpu.memory_space<vmem>>, vector<16xf32>,
          %swap3A_507 = arith.index_cast %add3A_504 : i32 to index
          %swap3A_508 = tpu.vector_load %arg11[%swap3A_507] masked %gt3A_441 {strides = array<i32>} : memref<10288xf32, #tpu.memory_space<vmem>>, vector<16xf32>, vector<16xi1>
          tpu.vector_store %arg11[%swap3A_507], %get3A_506 masked %gt3A_441 {strides = array<i32>} : memref<10288xf32, #tpu.memory_space<vmem>>, vector<16xf32>, vector<16xi1>
          %get3A_509 = arith.index_cast %add3A_369 : i32 to index
          %get3A_510 = tpu.vector_load %arg10[%get3A_509] {strides = array<i32>} : memref<16416xf32, #tpu.memory_space<vmem>>, vector<16xf32>,
          %swap3A_511 = arith.index_cast %add3A_504 : i32 to index
          %swap3A_512 = tpu.vector_load %arg12[%swap3A_511] masked %gt3A_441 {strides = array<i32>} : memref<10288xf32, #tpu.memory_space<vmem>>, vector<16xf32>, vector<16xi1>
          tpu.vector_store %arg12[%swap3A_511], %get3A_510 masked %gt3A_441 {strides = array<i32>} : memref<10288xf32, #tpu.memory_space<vmem>>, vector<16xf32>, vector<16xi1>
          %add3A_513 = arith.addi %add3A_504, %reduce_sum3A_417 : i32
          scf.yield %add3A_513 : i32
        }
        %scan3A_319 = arith.constant 64 : i32
        %scan3A_320 = arith.constant 512 : i32
        %mul3A_321 = arith.constant 16 : i32
        %mul3A_322 = arith.muli %scan3A_320, %mul3A_321 : i32
        %add3A_323 = arith.addi %multiple_of3A_276, %mul3A_322 : i32
        %get3A_324 = arith.index_cast %add3A_323 : i32 to index
        %get3A_325 = tpu.vector_load %arg8[%get3A_324] {strides = array<i32>} : memref<16416xi32, #tpu.memory_space<vmem>>, vector<16xi32>,
        %gt3A_326 = arith.constant 0 : i32
        %gt3A_327 = vector.broadcast %gt3A_326 : i32 to vector<16xi32>
        %gt3A_328 = arith.cmpi sgt, %get3A_325, %gt3A_327 : vector<16xi32>
        %get3A_329 = arith.index_cast %add3A_323 : i32 to index
        %get3A_330 = tpu.vector_load %arg9[%get3A_329] {strides = array<i32>} : memref<16416xf32, #tpu.memory_space<vmem>>, vector<16xf32>,
        %swap3A = arith.index_cast %scan3A_318 : i32 to index
        %swap3A_331 = tpu.vector_load %arg11[%swap3A] masked %gt3A_328 {strides = array<i32>} : memref<10288xf32, #tpu.memory_space<vmem>>, vector<16xf32>, vector<16xi1>
        tpu.vector_store %arg11[%swap3A], %get3A_330 masked %gt3A_328 {strides = array<i32>} : memref<10288xf32, #tpu.memory_space<vmem>>, vector<16xf32>, vector<16xi1>
        %get3A_332 = arith.index_cast %add3A_323 : i32 to index
        %get3A_333 = tpu.vector_load %arg10[%get3A_332] {strides = array<i32>} : memref<16416xf32, #tpu.memory_space<vmem>>, vector<16xf32>,
        %swap3A_334 = arith.index_cast %scan3A_318 : i32 to index
        %swap3A_335 = tpu.vector_load %arg12[%swap3A_334] masked %gt3A_328 {strides = array<i32>} : memref<10288xf32, #tpu.memory_space<vmem>>, vector<16xf32>, vector<16xi1>
        tpu.vector_store %arg12[%swap3A_334], %get3A_333 masked %gt3A_328 {strides = array<i32>} : memref<10288xf32, #tpu.memory_space<vmem>>, vector<16xf32>, vector<16xi1>
        %reduce_sum3A_336 = arith.constant true
        %reduce_sum3A_337 = vector.broadcast %reduce_sum3A_336 : i1 to vector<16xi1>
        %reduce_sum3A_338 = tpu.scan <sum>, %get3A_325 masked %reduce_sum3A_337 : vector<16xi32>, vector<16xi1> -> vector<16xi32>
        %reduce_sum3A_339 = vector.extract %reduce_sum3A_338[15] : i32 from vector<16xi32>
        %add3A_340 = arith.addi %scan3A_318, %reduce_sum3A_339 : i32
        %scan3A_341 = arith.constant 1 : i32
        scf.yield %add3A_340, %scan3A_243 : i32, i32
      }
      %shift_right_arithmetic3A_282 = arith.constant 11 : i32
      %shift_right_arithmetic3A_283 = arith.shrsi %cond3A_281#0, %shift_right_arithmetic3A_282 : i32
      %while3A_284 = arith.constant 0 : i32
      %while3A_285 = arith.subi %shift_right_arithmetic3A_283, %while3A_284 : i32
      %while3A_286 = arith.addi %while3A_284, %while3A_285 : i32
      %while3A_287 = arith.constant 1 : i32
      %while3A_288 = arith.divsi %while3A_285, %while3A_287 : i32
      %while3A_289 = arith.muli %while3A_288, %while3A_287 : i32
      %while3A_290 = arith.addi %while3A_284, %while3A_289 : i32
      %while3A_291 = arith.constant 1 : i32
      %while3A_292 = scf.for %while3A_314 = %while3A_284 to %while3A_290 step %while3A_291 iter_args(%while3A_315 = %scan3A_244) -> (i32)  : i32 {
        %mul3A_316 = arith.constant 2048 : i32
        %mul3A_317 = arith.muli %while3A_315, %mul3A_316 : i32
        %add3A_318 = arith.addi %and3A_63, %mul3A_317 : i32
        %multiple_of3A_319 = tpu.assume_multiple %add3A_318, 16 : i32
        %mul3A_320 = arith.constant 2048 : i32
        %mul3A_321 = arith.muli %while3A_314, %mul3A_320 : i32
        %dma_start3A_322 = tpu.memref_slice %arg11[%mul3A_321] : memref<10288xf32, #tpu.memory_space<vmem>> -> memref<2048xf32, #tpu.memory_space<vmem>>
        %dma_start3A_323 = tpu.memref_slice %arg6[%multiple_of3A_319] : memref<400000xf32, #tpu.memory_space<hbm>> -> memref<2048xf32, #tpu.memory_space<hbm>>
        %dma_start3A_324 = tpu.memref_slice %arg6[%multiple_of3A_319] : memref<400000xf32, #tpu.memory_space<hbm>> -> memref<2048xf32, #tpu.memory_space<hbm>>
        %dma_start3A_325 = tpu.memref_slice %arg11[%mul3A_321] : memref<10288xf32, #tpu.memory_space<vmem>> -> memref<2048xf32, #tpu.memory_space<vmem>>
        tpu.enqueue_dma source(%dma_start3A_325 : memref<2048xf32, #tpu.memory_space<vmem>>) target(%dma_start3A_324 : memref<2048xf32, #tpu.memory_space<hbm>>) target_semaphore(%arg17 : memref<!tpu.dma_semaphore, #tpu.memory_space<semaphore_mem>>)
        %mul3A_326 = arith.constant 2048 : i32
        %mul3A_327 = arith.muli %while3A_314, %mul3A_326 : i32
        %dma_start3A_328 = tpu.memref_slice %arg12[%mul3A_327] : memref<10288xf32, #tpu.memory_space<vmem>> -> memref<2048xf32, #tpu.memory_space<vmem>>
        %dma_start3A_329 = tpu.memref_slice %arg7[%multiple_of3A_319] : memref<400000xf32, #tpu.memory_space<hbm>> -> memref<2048xf32, #tpu.memory_space<hbm>>
        %dma_start3A_330 = tpu.memref_slice %arg7[%multiple_of3A_319] : memref<400000xf32, #tpu.memory_space<hbm>> -> memref<2048xf32, #tpu.memory_space<hbm>>
        %dma_start3A_331 = tpu.memref_slice %arg12[%mul3A_327] : memref<10288xf32, #tpu.memory_space<vmem>> -> memref<2048xf32, #tpu.memory_space<vmem>>
        tpu.enqueue_dma source(%dma_start3A_331 : memref<2048xf32, #tpu.memory_space<vmem>>) target(%dma_start3A_330 : memref<2048xf32, #tpu.memory_space<hbm>>) target_semaphore(%arg18 : memref<!tpu.dma_semaphore, #tpu.memory_space<semaphore_mem>>)
        %dma_wait3A_332 = tpu.memref_slice %arg11[%mul3A_321] : memref<10288xf32, #tpu.memory_space<vmem>> -> memref<2048xf32, #tpu.memory_space<vmem>>
        %dma_wait3A_333 = tpu.memref_slice %arg6[%multiple_of3A_319] : memref<400000xf32, #tpu.memory_space<hbm>> -> memref<2048xf32, #tpu.memory_space<hbm>>
        %dma_wait3A_334 = tpu.memref_slice %arg6[%multiple_of3A_319] : memref<400000xf32, #tpu.memory_space<hbm>> -> memref<2048xf32, #tpu.memory_space<hbm>>
        %dma_wait3A_335 = tpu.memref_slice %arg11[%mul3A_321] : memref<10288xf32, #tpu.memory_space<vmem>> -> memref<2048xf32, #tpu.memory_space<vmem>>
        tpu.wait_dma2 semaphore(%arg17 : memref<!tpu.dma_semaphore, #tpu.memory_space<semaphore_mem>>) src(%dma_wait3A_335 : memref<2048xf32, #tpu.memory_space<vmem>>) dst(%dma_wait3A_334 : memref<2048xf32, #tpu.memory_space<hbm>>)
        %dma_wait3A_336 = tpu.memref_slice %arg12[%mul3A_327] : memref<10288xf32, #tpu.memory_space<vmem>> -> memref<2048xf32, #tpu.memory_space<vmem>>
        %dma_wait3A_337 = tpu.memref_slice %arg7[%multiple_of3A_319] : memref<400000xf32, #tpu.memory_space<hbm>> -> memref<2048xf32, #tpu.memory_space<hbm>>
        %dma_wait3A_338 = tpu.memref_slice %arg7[%multiple_of3A_319] : memref<400000xf32, #tpu.memory_space<hbm>> -> memref<2048xf32, #tpu.memory_space<hbm>>
        %dma_wait3A_339 = tpu.memref_slice %arg12[%mul3A_327] : memref<10288xf32, #tpu.memory_space<vmem>> -> memref<2048xf32, #tpu.memory_space<vmem>>
        tpu.wait_dma2 semaphore(%arg18 : memref<!tpu.dma_semaphore, #tpu.memory_space<semaphore_mem>>) src(%dma_wait3A_339 : memref<2048xf32, #tpu.memory_space<vmem>>) dst(%dma_wait3A_338 : memref<2048xf32, #tpu.memory_space<hbm>>)
        %add3A_340 = arith.constant 1 : i32
        %add3A_341 = arith.addi %while3A_315, %add3A_340 : i32
        scf.yield %add3A_341 : i32
      }
      %while3A_293 = arith.constant 1 : i32
      %while3A_294 = scf.for %while3A_314 = %while3A_290 to %while3A_286 step %while3A_293 iter_args(%while3A_315 = %while3A_292) -> (i32)  : i32 {
        %mul3A_316 = arith.constant 2048 : i32
        %mul3A_317 = arith.muli %while3A_315, %mul3A_316 : i32
        %add3A_318 = arith.addi %and3A_63, %mul3A_317 : i32
        %multiple_of3A_319 = tpu.assume_multiple %add3A_318, 16 : i32
        %mul3A_320 = arith.constant 2048 : i32
        %mul3A_321 = arith.muli %while3A_314, %mul3A_320 : i32
        %dma_start3A_322 = tpu.memref_slice %arg11[%mul3A_321] : memref<10288xf32, #tpu.memory_space<vmem>> -> memref<2048xf32, #tpu.memory_space<vmem>>
        %dma_start3A_323 = tpu.memref_slice %arg6[%multiple_of3A_319] : memref<400000xf32, #tpu.memory_space<hbm>> -> memref<2048xf32, #tpu.memory_space<hbm>>
        %dma_start3A_324 = tpu.memref_slice %arg6[%multiple_of3A_319] : memref<400000xf32, #tpu.memory_space<hbm>> -> memref<2048xf32, #tpu.memory_space<hbm>>
        %dma_start3A_325 = tpu.memref_slice %arg11[%mul3A_321] : memref<10288xf32, #tpu.memory_space<vmem>> -> memref<2048xf32, #tpu.memory_space<vmem>>
        tpu.enqueue_dma source(%dma_start3A_325 : memref<2048xf32, #tpu.memory_space<vmem>>) target(%dma_start3A_324 : memref<2048xf32, #tpu.memory_space<hbm>>) target_semaphore(%arg17 : memref<!tpu.dma_semaphore, #tpu.memory_space<semaphore_mem>>)
        %mul3A_326 = arith.constant 2048 : i32
        %mul3A_327 = arith.muli %while3A_314, %mul3A_326 : i32
        %dma_start3A_328 = tpu.memref_slice %arg12[%mul3A_327] : memref<10288xf32, #tpu.memory_space<vmem>> -> memref<2048xf32, #tpu.memory_space<vmem>>
        %dma_start3A_329 = tpu.memref_slice %arg7[%multiple_of3A_319] : memref<400000xf32, #tpu.memory_space<hbm>> -> memref<2048xf32, #tpu.memory_space<hbm>>
        %dma_start3A_330 = tpu.memref_slice %arg7[%multiple_of3A_319] : memref<400000xf32, #tpu.memory_space<hbm>> -> memref<2048xf32, #tpu.memory_space<hbm>>
        %dma_start3A_331 = tpu.memref_slice %arg12[%mul3A_327] : memref<10288xf32, #tpu.memory_space<vmem>> -> memref<2048xf32, #tpu.memory_space<vmem>>
        tpu.enqueue_dma source(%dma_start3A_331 : memref<2048xf32, #tpu.memory_space<vmem>>) target(%dma_start3A_330 : memref<2048xf32, #tpu.memory_space<hbm>>) target_semaphore(%arg18 : memref<!tpu.dma_semaphore, #tpu.memory_space<semaphore_mem>>)
        %dma_wait3A_332 = tpu.memref_slice %arg11[%mul3A_321] : memref<10288xf32, #tpu.memory_space<vmem>> -> memref<2048xf32, #tpu.memory_space<vmem>>
        %dma_wait3A_333 = tpu.memref_slice %arg6[%multiple_of3A_319] : memref<400000xf32, #tpu.memory_space<hbm>> -> memref<2048xf32, #tpu.memory_space<hbm>>
        %dma_wait3A_334 = tpu.memref_slice %arg6[%multiple_of3A_319] : memref<400000xf32, #tpu.memory_space<hbm>> -> memref<2048xf32, #tpu.memory_space<hbm>>
        %dma_wait3A_335 = tpu.memref_slice %arg11[%mul3A_321] : memref<10288xf32, #tpu.memory_space<vmem>> -> memref<2048xf32, #tpu.memory_space<vmem>>
        tpu.wait_dma2 semaphore(%arg17 : memref<!tpu.dma_semaphore, #tpu.memory_space<semaphore_mem>>) src(%dma_wait3A_335 : memref<2048xf32, #tpu.memory_space<vmem>>) dst(%dma_wait3A_334 : memref<2048xf32, #tpu.memory_space<hbm>>)
        %dma_wait3A_336 = tpu.memref_slice %arg12[%mul3A_327] : memref<10288xf32, #tpu.memory_space<vmem>> -> memref<2048xf32, #tpu.memory_space<vmem>>
        %dma_wait3A_337 = tpu.memref_slice %arg7[%multiple_of3A_319] : memref<400000xf32, #tpu.memory_space<hbm>> -> memref<2048xf32, #tpu.memory_space<hbm>>
        %dma_wait3A_338 = tpu.memref_slice %arg7[%multiple_of3A_319] : memref<400000xf32, #tpu.memory_space<hbm>> -> memref<2048xf32, #tpu.memory_space<hbm>>
        %dma_wait3A_339 = tpu.memref_slice %arg12[%mul3A_327] : memref<10288xf32, #tpu.memory_space<vmem>> -> memref<2048xf32, #tpu.memory_space<vmem>>
        tpu.wait_dma2 semaphore(%arg18 : memref<!tpu.dma_semaphore, #tpu.memory_space<semaphore_mem>>) src(%dma_wait3A_339 : memref<2048xf32, #tpu.memory_space<vmem>>) dst(%dma_wait3A_338 : memref<2048xf32, #tpu.memory_space<hbm>>)
        %add3A_340 = arith.constant 1 : i32
        %add3A_341 = arith.addi %while3A_315, %add3A_340 : i32
        scf.yield %add3A_341 : i32
      }
      %mul3A_295 = arith.constant 2048 : i32
      %mul3A_296 = arith.muli %shift_right_arithmetic3A_283, %mul3A_295 : i32
      %sub3A_297 = arith.subi %cond3A_281#0, %mul3A_296 : i32
      %add3A_298 = arith.constant 15 : i32
      %add3A_299 = arith.addi %sub3A_297, %add3A_298 : i32
      %shift_right_arithmetic3A_300 = arith.constant 4 : i32
      %shift_right_arithmetic3A_301 = arith.shrsi %add3A_299, %shift_right_arithmetic3A_300 : i32
      %while3A_302 = arith.constant 0 : i32
      %while3A_303 = arith.constant 0 : i32
      %while3A_304 = arith.subi %shift_right_arithmetic3A_301, %while3A_302 : i32
      %while3A_305 = arith.addi %while3A_302, %while3A_304 : i32
      %while3A_306 = arith.constant 1 : i32
      %while3A_307 = arith.divsi %while3A_304, %while3A_306 : i32
      %while3A_308 = arith.muli %while3A_307, %while3A_306 : i32
      %while3A_309 = arith.addi %while3A_302, %while3A_308 : i32
      %while3A_310 = arith.constant 1 : i32
      %while3A_311 = scf.for %while3A_314 = %while3A_302 to %while3A_309 step %while3A_310 iter_args(%while3A_315 = %while3A_303) -> (i32)  : i32 {
        %mul3A_316 = arith.constant 2048 : i32
        %mul3A_317 = arith.muli %shift_right_arithmetic3A_283, %mul3A_316 : i32
        %mul3A_318 = arith.constant 16 : i32
        %mul3A_319 = arith.muli %while3A_314, %mul3A_318 : i32
        %add3A_320 = arith.addi %mul3A_317, %mul3A_319 : i32
        %mul3A_321 = arith.constant 16 : i32
        %mul3A_322 = arith.muli %while3A_314, %mul3A_321 : i32
        %get3A_323 = arith.index_cast %add3A_320 : i32 to index
        %get3A_324 = tpu.vector_load %arg11[%get3A_323] {strides = array<i32>} : memref<10288xf32, #tpu.memory_space<vmem>>, vector<16xf32>,
        %swap3A = arith.index_cast %mul3A_322 : i32 to index
        %swap3A_325 = tpu.vector_load %arg11[%swap3A] {strides = array<i32>} : memref<10288xf32, #tpu.memory_space<vmem>>, vector<16xf32>,
        tpu.vector_store %arg11[%swap3A], %get3A_324 {strides = array<i32>} : memref<10288xf32, #tpu.memory_space<vmem>>, vector<16xf32>,
        %get3A_326 = arith.index_cast %add3A_320 : i32 to index
        %get3A_327 = tpu.vector_load %arg12[%get3A_326] {strides = array<i32>} : memref<10288xf32, #tpu.memory_space<vmem>>, vector<16xf32>,
        %swap3A_328 = arith.index_cast %mul3A_322 : i32 to index
        %swap3A_329 = tpu.vector_load %arg12[%swap3A_328] {strides = array<i32>} : memref<10288xf32, #tpu.memory_space<vmem>>, vector<16xf32>,
        tpu.vector_store %arg12[%swap3A_328], %get3A_327 {strides = array<i32>} : memref<10288xf32, #tpu.memory_space<vmem>>, vector<16xf32>,
        %while3A_330 = arith.constant 0 : i32
        scf.yield %while3A_330 : i32
      }
      %while3A_312 = arith.constant 1 : i32
      %while3A_313 = scf.for %while3A_314 = %while3A_309 to %while3A_305 step %while3A_312 iter_args(%while3A_315 = %while3A_311) -> (i32)  : i32 {
        %mul3A_316 = arith.constant 2048 : i32
        %mul3A_317 = arith.muli %shift_right_arithmetic3A_283, %mul3A_316 : i32
        %mul3A_318 = arith.constant 16 : i32
        %mul3A_319 = arith.muli %while3A_314, %mul3A_318 : i32
        %add3A_320 = arith.addi %mul3A_317, %mul3A_319 : i32
        %mul3A_321 = arith.constant 16 : i32
        %mul3A_322 = arith.muli %while3A_314, %mul3A_321 : i32
        %get3A_323 = arith.index_cast %add3A_320 : i32 to index
        %get3A_324 = tpu.vector_load %arg11[%get3A_323] {strides = array<i32>} : memref<10288xf32, #tpu.memory_space<vmem>>, vector<16xf32>,
        %swap3A = arith.index_cast %mul3A_322 : i32 to index
        %swap3A_325 = tpu.vector_load %arg11[%swap3A] {strides = array<i32>} : memref<10288xf32, #tpu.memory_space<vmem>>, vector<16xf32>,
        tpu.vector_store %arg11[%swap3A], %get3A_324 {strides = array<i32>} : memref<10288xf32, #tpu.memory_space<vmem>>, vector<16xf32>,
        %get3A_326 = arith.index_cast %add3A_320 : i32 to index
        %get3A_327 = tpu.vector_load %arg12[%get3A_326] {strides = array<i32>} : memref<10288xf32, #tpu.memory_space<vmem>>, vector<16xf32>,
        %swap3A_328 = arith.index_cast %mul3A_322 : i32 to index
        %swap3A_329 = tpu.vector_load %arg12[%swap3A_328] {strides = array<i32>} : memref<10288xf32, #tpu.memory_space<vmem>>, vector<16xf32>,
        tpu.vector_store %arg12[%swap3A_328], %get3A_327 {strides = array<i32>} : memref<10288xf32, #tpu.memory_space<vmem>>, vector<16xf32>,
        %while3A_330 = arith.constant 0 : i32
        scf.yield %while3A_330 : i32
      }
      scf.yield %sub3A_297, %cond3A_281#1, %while3A_294 : i32, i32, i32
    }
    %scan3A_92 = arith.constant 16 : i32
    %add3A_93 = arith.constant 1 : i32
    %add3A_94 = arith.addi %add3A, %add3A_93 : i32
    %mul3A_95 = arith.constant 131328 : i32
    %mul3A_96 = arith.muli %add3A_94, %mul3A_95 : i32
    %while3A:3 = scf.while (%while3A_241 = %scan3A_91#0, %while3A_242 = %scan3A_91#1, %while3A_243 = %mul3A_96) : (i32, i32, i32) -> (i32, i32, i32) {
      %mul3A_244 = arith.constant 2048 : i32
      %mul3A_245 = arith.muli %scan3A_91#2, %mul3A_244 : i32
      %add3A_246 = arith.addi %mul3A_245, %while3A_241 : i32
      %lt3A_247 = arith.cmpi slt, %add3A_246, %sub3A_70 : i32
      %lt3A_248 = arith.constant 4202496 : i32
      %lt3A_249 = arith.cmpi slt, %while3A_243, %lt3A_248 : i32
      %and3A_250 = arith.andi %lt3A_247, %lt3A_249 : i1
      scf.condition(%and3A_250) %while3A_241, %while3A_242, %while3A_243 : i32, i32, i32
    } do {
    ^bb0(%while3A_241: i32, %while3A_242: i32, %while3A_243: i32):
      %multiple_of3A_244 = tpu.assume_multiple %while3A_243, 16 : i32
      %dma_start3A_245 = arith.constant 0 : i32
      %dma_start3A_246 = tpu.memref_slice %arg8[%dma_start3A_245] : memref<16416xi32, #tpu.memory_space<vmem>> -> memref<768xi32, #tpu.memory_space<vmem>>
      %dma_start3A_247 = tpu.memref_slice %arg4[%multiple_of3A_244] : memref<4202496xi32, #tpu.memory_space<hbm>> -> memref<768xi32, #tpu.memory_space<hbm>>
      %dma_start3A_248 = arith.constant 0 : i32
      %dma_start3A_249 = tpu.memref_slice %arg8[%dma_start3A_248] : memref<16416xi32, #tpu.memory_space<vmem>> -> memref<768xi32, #tpu.memory_space<vmem>>
      %dma_start3A_250 = tpu.memref_slice %arg4[%multiple_of3A_244] : memref<4202496xi32, #tpu.memory_space<hbm>> -> memref<768xi32, #tpu.memory_space<hbm>>
      tpu.enqueue_dma source(%dma_start3A_250 : memref<768xi32, #tpu.memory_space<hbm>>) target(%dma_start3A_249 : memref<768xi32, #tpu.memory_space<vmem>>) target_semaphore(%arg14 : memref<!tpu.dma_semaphore, #tpu.memory_space<semaphore_mem>>)
      %dma_start3A_251 = arith.constant 0 : i32
      %dma_start3A_252 = tpu.memref_slice %arg9[%dma_start3A_251] : memref<16416xf32, #tpu.memory_space<vmem>> -> memref<768xf32, #tpu.memory_space<vmem>>
      %dma_start3A_253 = tpu.memref_slice %arg2[%multiple_of3A_244] : memref<4202496xf32, #tpu.memory_space<hbm>> -> memref<768xf32, #tpu.memory_space<hbm>>
      %dma_start3A_254 = arith.constant 0 : i32
      %dma_start3A_255 = tpu.memref_slice %arg9[%dma_start3A_254] : memref<16416xf32, #tpu.memory_space<vmem>> -> memref<768xf32, #tpu.memory_space<vmem>>
      %dma_start3A_256 = tpu.memref_slice %arg2[%multiple_of3A_244] : memref<4202496xf32, #tpu.memory_space<hbm>> -> memref<768xf32, #tpu.memory_space<hbm>>
      tpu.enqueue_dma source(%dma_start3A_256 : memref<768xf32, #tpu.memory_space<hbm>>) target(%dma_start3A_255 : memref<768xf32, #tpu.memory_space<vmem>>) target_semaphore(%arg15 : memref<!tpu.dma_semaphore, #tpu.memory_space<semaphore_mem>>)
      %dma_start3A_257 = arith.constant 0 : i32
      %dma_start3A_258 = tpu.memref_slice %arg10[%dma_start3A_257] : memref<16416xf32, #tpu.memory_space<vmem>> -> memref<768xf32, #tpu.memory_space<vmem>>
      %dma_start3A_259 = tpu.memref_slice %arg3[%multiple_of3A_244] : memref<4202496xf32, #tpu.memory_space<hbm>> -> memref<768xf32, #tpu.memory_space<hbm>>
      %dma_start3A_260 = arith.constant 0 : i32
      %dma_start3A_261 = tpu.memref_slice %arg10[%dma_start3A_260] : memref<16416xf32, #tpu.memory_space<vmem>> -> memref<768xf32, #tpu.memory_space<vmem>>
      %dma_start3A_262 = tpu.memref_slice %arg3[%multiple_of3A_244] : memref<4202496xf32, #tpu.memory_space<hbm>> -> memref<768xf32, #tpu.memory_space<hbm>>
      tpu.enqueue_dma source(%dma_start3A_262 : memref<768xf32, #tpu.memory_space<hbm>>) target(%dma_start3A_261 : memref<768xf32, #tpu.memory_space<vmem>>) target_semaphore(%arg16 : memref<!tpu.dma_semaphore, #tpu.memory_space<semaphore_mem>>)
      %dma_wait3A = arith.constant 0 : i32
      %dma_wait3A_263 = tpu.memref_slice %arg8[%dma_wait3A] : memref<16416xi32, #tpu.memory_space<vmem>> -> memref<768xi32, #tpu.memory_space<vmem>>
      %dma_wait3A_264 = tpu.memref_slice %arg4[%multiple_of3A_244] : memref<4202496xi32, #tpu.memory_space<hbm>> -> memref<768xi32, #tpu.memory_space<hbm>>
      %dma_wait3A_265 = arith.constant 0 : i32
      %dma_wait3A_266 = tpu.memref_slice %arg8[%dma_wait3A_265] : memref<16416xi32, #tpu.memory_space<vmem>> -> memref<768xi32, #tpu.memory_space<vmem>>
      %dma_wait3A_267 = tpu.memref_slice %arg4[%multiple_of3A_244] : memref<4202496xi32, #tpu.memory_space<hbm>> -> memref<768xi32, #tpu.memory_space<hbm>>
      tpu.wait_dma2 semaphore(%arg14 : memref<!tpu.dma_semaphore, #tpu.memory_space<semaphore_mem>>) src(%dma_wait3A_267 : memref<768xi32, #tpu.memory_space<hbm>>) dst(%dma_wait3A_266 : memref<768xi32, #tpu.memory_space<vmem>>)
      %dma_wait3A_268 = arith.constant 0 : i32
      %dma_wait3A_269 = tpu.memref_slice %arg9[%dma_wait3A_268] : memref<16416xf32, #tpu.memory_space<vmem>> -> memref<768xf32, #tpu.memory_space<vmem>>
      %dma_wait3A_270 = tpu.memref_slice %arg2[%multiple_of3A_244] : memref<4202496xf32, #tpu.memory_space<hbm>> -> memref<768xf32, #tpu.memory_space<hbm>>
      %dma_wait3A_271 = arith.constant 0 : i32
      %dma_wait3A_272 = tpu.memref_slice %arg9[%dma_wait3A_271] : memref<16416xf32, #tpu.memory_space<vmem>> -> memref<768xf32, #tpu.memory_space<vmem>>
      %dma_wait3A_273 = tpu.memref_slice %arg2[%multiple_of3A_244] : memref<4202496xf32, #tpu.memory_space<hbm>> -> memref<768xf32, #tpu.memory_space<hbm>>
      tpu.wait_dma2 semaphore(%arg15 : memref<!tpu.dma_semaphore, #tpu.memory_space<semaphore_mem>>) src(%dma_wait3A_273 : memref<768xf32, #tpu.memory_space<hbm>>) dst(%dma_wait3A_272 : memref<768xf32, #tpu.memory_space<vmem>>)
      %dma_wait3A_274 = arith.constant 0 : i32
      %dma_wait3A_275 = tpu.memref_slice %arg10[%dma_wait3A_274] : memref<16416xf32, #tpu.memory_space<vmem>> -> memref<768xf32, #tpu.memory_space<vmem>>
      %dma_wait3A_276 = tpu.memref_slice %arg3[%multiple_of3A_244] : memref<4202496xf32, #tpu.memory_space<hbm>> -> memref<768xf32, #tpu.memory_space<hbm>>
      %dma_wait3A_277 = arith.constant 0 : i32
      %dma_wait3A_278 = tpu.memref_slice %arg10[%dma_wait3A_277] : memref<16416xf32, #tpu.memory_space<vmem>> -> memref<768xf32, #tpu.memory_space<vmem>>
      %dma_wait3A_279 = tpu.memref_slice %arg3[%multiple_of3A_244] : memref<4202496xf32, #tpu.memory_space<hbm>> -> memref<768xf32, #tpu.memory_space<hbm>>
      tpu.wait_dma2 semaphore(%arg16 : memref<!tpu.dma_semaphore, #tpu.memory_space<semaphore_mem>>) src(%dma_wait3A_279 : memref<768xf32, #tpu.memory_space<hbm>>) dst(%dma_wait3A_278 : memref<768xf32, #tpu.memory_space<vmem>>)
      %mul3A_280 = arith.constant 0 : i32
      %mul3A_281 = arith.constant 8208 : i32
      %mul3A_282 = arith.muli %mul3A_280, %mul3A_281 : i32
      %multiple_of3A_283 = tpu.assume_multiple %mul3A_282, 16 : i32
      %gt3A = arith.constant 0 : i32
      %gt3A_284 = arith.cmpi sgt, %while3A_242, %gt3A : i32
      %convert_element_type3A_285 = arith.extui %gt3A_284 : i1 to i32
      %cond3A_286 = arith.constant 0 : i32
      %cond3A_287 = arith.cmpi ne, %convert_element_type3A_285, %cond3A_286 : i32
      %cond3A_288:2 = scf.if %cond3A_287 -> (i32, i32) {
        %scan3A_291 = arith.constant 0 : i32
        %scan3A_292 = arith.constant 48 : i32
        %scan3A_293 = arith.addi %scan3A_291, %scan3A_292 : i32
        %scan3A_294 = arith.constant 1 : i32
        %scan3A_295:2 = scf.for %scan3A_297 = %scan3A_291 to %scan3A_293 step %scan3A_294 iter_args(%scan3A_298 = %while3A_241, %scan3A_299 = %while3A_242) -> (i32, i32)  : i32 {
          %mul3A_300 = arith.constant 16 : i32
          %mul3A_301 = arith.muli %scan3A_297, %mul3A_300 : i32
          %add3A_302 = arith.addi %multiple_of3A_283, %mul3A_301 : i32
          %get3A_303 = arith.index_cast %add3A_302 : i32 to index
          %get3A_304 = tpu.vector_load %arg8[%get3A_303] {strides = array<i32>} : memref<16416xi32, #tpu.memory_space<vmem>>, vector<16xi32>,
          %gt3A_305 = arith.constant 0 : i32
          %gt3A_306 = vector.broadcast %gt3A_305 : i32 to vector<16xi32>
          %gt3A_307 = arith.cmpi sgt, %get3A_304, %gt3A_306 : vector<16xi32>
          %broadcast_in_dim3A_308 = arith.constant true
          %broadcast_in_dim3A_309 = vector.broadcast %broadcast_in_dim3A_308 : i1 to vector<16xi1>
          %masked_cumsum3A = tpu.scan <sum>, %get3A_304 masked %broadcast_in_dim3A_309 : vector<16xi32>, vector<16xi1> -> vector<16xi32>
          %gt3A_310 = vector.broadcast %scan3A_299 : i32 to vector<16xi32>
          %gt3A_311 = arith.cmpi sgt, %masked_cumsum3A, %gt3A_310 : vector<16xi32>
          %and3A_312 = arith.andi %gt3A_307, %gt3A_311 : vector<16xi1>
          %get3A_313 = arith.index_cast %add3A_302 : i32 to index
          %get3A_314 = tpu.vector_load %arg9[%get3A_313] {strides = array<i32>} : memref<16416xf32, #tpu.memory_space<vmem>>, vector<16xf32>,
          %swap3A = arith.index_cast %scan3A_298 : i32 to index
          %swap3A_315 = tpu.vector_load %arg11[%swap3A] masked %and3A_312 {strides = array<i32>} : memref<10288xf32, #tpu.memory_space<vmem>>, vector<16xf32>, vector<16xi1>
          tpu.vector_store %arg11[%swap3A], %get3A_314 masked %and3A_312 {strides = array<i32>} : memref<10288xf32, #tpu.memory_space<vmem>>, vector<16xf32>, vector<16xi1>
          %get3A_316 = arith.index_cast %add3A_302 : i32 to index
          %get3A_317 = tpu.vector_load %arg10[%get3A_316] {strides = array<i32>} : memref<16416xf32, #tpu.memory_space<vmem>>, vector<16xf32>,
          %swap3A_318 = arith.index_cast %scan3A_298 : i32 to index
          %swap3A_319 = tpu.vector_load %arg12[%swap3A_318] masked %and3A_312 {strides = array<i32>} : memref<10288xf32, #tpu.memory_space<vmem>>, vector<16xf32>, vector<16xi1>
          tpu.vector_store %arg12[%swap3A_318], %get3A_317 masked %and3A_312 {strides = array<i32>} : memref<10288xf32, #tpu.memory_space<vmem>>, vector<16xf32>, vector<16xi1>
          %reduce_sum3A_320 = arith.constant true
          %reduce_sum3A_321 = vector.broadcast %reduce_sum3A_320 : i1 to vector<16xi1>
          %reduce_sum3A_322 = tpu.scan <sum>, %get3A_304 masked %reduce_sum3A_321 : vector<16xi32>, vector<16xi1> -> vector<16xi32>
          %reduce_sum3A_323 = vector.extract %reduce_sum3A_322[15] : i32 from vector<16xi32>
          %min3A_324 = arith.minsi %scan3A_299, %reduce_sum3A_323 : i32
          %add3A_325 = arith.addi %scan3A_298, %reduce_sum3A_323 : i32
          %sub3A_326 = arith.subi %add3A_325, %min3A_324 : i32
          %sub3A_327 = arith.subi %scan3A_299, %min3A_324 : i32
          scf.yield %sub3A_326, %sub3A_327 : i32, i32
        }
        %scan3A_296 = arith.constant 48 : i32
        scf.yield %scan3A_295#0, %scan3A_295#1 : i32, i32
      } else {
        %scan3A_291 = arith.constant 0 : i32
        %scan3A_292 = arith.constant 6 : i32
        %scan3A_293 = arith.addi %scan3A_291, %scan3A_292 : i32
        %scan3A_294 = arith.constant 1 : i32
        %scan3A_295 = scf.for %scan3A_301 = %scan3A_291 to %scan3A_293 step %scan3A_294 iter_args(%scan3A_302 = %while3A_241) -> (i32)  : i32 {
          %mul3A_303 = arith.constant 128 : i32
          %mul3A_304 = arith.muli %scan3A_301, %mul3A_303 : i32
          %add3A_305 = arith.addi %multiple_of3A_283, %mul3A_304 : i32
          %add3A_306 = arith.constant 0 : i32
          %add3A_307 = arith.addi %add3A_305, %add3A_306 : i32
          %add3A_308 = arith.addi %multiple_of3A_283, %mul3A_304 : i32
          %add3A_309 = arith.constant 16 : i32
          %add3A_310 = arith.addi %add3A_308, %add3A_309 : i32
          %add3A_311 = arith.addi %multiple_of3A_283, %mul3A_304 : i32
          %add3A_312 = arith.constant 32 : i32
          %add3A_313 = arith.addi %add3A_311, %add3A_312 : i32
          %add3A_314 = arith.addi %multiple_of3A_283, %mul3A_304 : i32
          %add3A_315 = arith.constant 48 : i32
          %add3A_316 = arith.addi %add3A_314, %add3A_315 : i32
          %add3A_317 = arith.addi %multiple_of3A_283, %mul3A_304 : i32
          %add3A_318 = arith.constant 64 : i32
          %add3A_319 = arith.addi %add3A_317, %add3A_318 : i32
          %add3A_320 = arith.addi %multiple_of3A_283, %mul3A_304 : i32
          %add3A_321 = arith.constant 80 : i32
          %add3A_322 = arith.addi %add3A_320, %add3A_321 : i32
          %add3A_323 = arith.addi %multiple_of3A_283, %mul3A_304 : i32
          %add3A_324 = arith.constant 96 : i32
          %add3A_325 = arith.addi %add3A_323, %add3A_324 : i32
          %add3A_326 = arith.addi %multiple_of3A_283, %mul3A_304 : i32
          %add3A_327 = arith.constant 112 : i32
          %add3A_328 = arith.addi %add3A_326, %add3A_327 : i32
          %get3A_329 = arith.index_cast %add3A_307 : i32 to index
          %get3A_330 = tpu.vector_load %arg8[%get3A_329] {strides = array<i32>} : memref<16416xi32, #tpu.memory_space<vmem>>, vector<16xi32>,
          %get3A_331 = arith.index_cast %add3A_310 : i32 to index
          %get3A_332 = tpu.vector_load %arg8[%get3A_331] {strides = array<i32>} : memref<16416xi32, #tpu.memory_space<vmem>>, vector<16xi32>,
          %get3A_333 = arith.index_cast %add3A_313 : i32 to index
          %get3A_334 = tpu.vector_load %arg8[%get3A_333] {strides = array<i32>} : memref<16416xi32, #tpu.memory_space<vmem>>, vector<16xi32>,
          %get3A_335 = arith.index_cast %add3A_316 : i32 to index
          %get3A_336 = tpu.vector_load %arg8[%get3A_335] {strides = array<i32>} : memref<16416xi32, #tpu.memory_space<vmem>>, vector<16xi32>,
          %get3A_337 = arith.index_cast %add3A_319 : i32 to index
          %get3A_338 = tpu.vector_load %arg8[%get3A_337] {strides = array<i32>} : memref<16416xi32, #tpu.memory_space<vmem>>, vector<16xi32>,
          %get3A_339 = arith.index_cast %add3A_322 : i32 to index
          %get3A_340 = tpu.vector_load %arg8[%get3A_339] {strides = array<i32>} : memref<16416xi32, #tpu.memory_space<vmem>>, vector<16xi32>,
          %get3A_341 = arith.index_cast %add3A_325 : i32 to index
          %get3A_342 = tpu.vector_load %arg8[%get3A_341] {strides = array<i32>} : memref<16416xi32, #tpu.memory_space<vmem>>, vector<16xi32>,
          %get3A_343 = arith.index_cast %add3A_328 : i32 to index
          %get3A_344 = tpu.vector_load %arg8[%get3A_343] {strides = array<i32>} : memref<16416xi32, #tpu.memory_space<vmem>>, vector<16xi32>,
          %reduce_sum3A_345 = arith.constant true
          %reduce_sum3A_346 = vector.broadcast %reduce_sum3A_345 : i1 to vector<16xi1>
          %reduce_sum3A_347 = tpu.scan <sum>, %get3A_330 masked %reduce_sum3A_346 : vector<16xi32>, vector<16xi1> -> vector<16xi32>
          %reduce_sum3A_348 = vector.extract %reduce_sum3A_347[15] : i32 from vector<16xi32>
          %reduce_sum3A_349 = arith.constant true
          %reduce_sum3A_350 = vector.broadcast %reduce_sum3A_349 : i1 to vector<16xi1>
          %reduce_sum3A_351 = tpu.scan <sum>, %get3A_332 masked %reduce_sum3A_350 : vector<16xi32>, vector<16xi1> -> vector<16xi32>
          %reduce_sum3A_352 = vector.extract %reduce_sum3A_351[15] : i32 from vector<16xi32>
          %reduce_sum3A_353 = arith.constant true
          %reduce_sum3A_354 = vector.broadcast %reduce_sum3A_353 : i1 to vector<16xi1>
          %reduce_sum3A_355 = tpu.scan <sum>, %get3A_334 masked %reduce_sum3A_354 : vector<16xi32>, vector<16xi1> -> vector<16xi32>
          %reduce_sum3A_356 = vector.extract %reduce_sum3A_355[15] : i32 from vector<16xi32>
          %reduce_sum3A_357 = arith.constant true
          %reduce_sum3A_358 = vector.broadcast %reduce_sum3A_357 : i1 to vector<16xi1>
          %reduce_sum3A_359 = tpu.scan <sum>, %get3A_336 masked %reduce_sum3A_358 : vector<16xi32>, vector<16xi1> -> vector<16xi32>
          %reduce_sum3A_360 = vector.extract %reduce_sum3A_359[15] : i32 from vector<16xi32>
          %reduce_sum3A_361 = arith.constant true
          %reduce_sum3A_362 = vector.broadcast %reduce_sum3A_361 : i1 to vector<16xi1>
          %reduce_sum3A_363 = tpu.scan <sum>, %get3A_338 masked %reduce_sum3A_362 : vector<16xi32>, vector<16xi1> -> vector<16xi32>
          %reduce_sum3A_364 = vector.extract %reduce_sum3A_363[15] : i32 from vector<16xi32>
          %reduce_sum3A_365 = arith.constant true
          %reduce_sum3A_366 = vector.broadcast %reduce_sum3A_365 : i1 to vector<16xi1>
          %reduce_sum3A_367 = tpu.scan <sum>, %get3A_340 masked %reduce_sum3A_366 : vector<16xi32>, vector<16xi1> -> vector<16xi32>
          %reduce_sum3A_368 = vector.extract %reduce_sum3A_367[15] : i32 from vector<16xi32>
          %reduce_sum3A_369 = arith.constant true
          %reduce_sum3A_370 = vector.broadcast %reduce_sum3A_369 : i1 to vector<16xi1>
          %reduce_sum3A_371 = tpu.scan <sum>, %get3A_342 masked %reduce_sum3A_370 : vector<16xi32>, vector<16xi1> -> vector<16xi32>
          %reduce_sum3A_372 = vector.extract %reduce_sum3A_371[15] : i32 from vector<16xi32>
          %reduce_sum3A_373 = arith.constant true
          %reduce_sum3A_374 = vector.broadcast %reduce_sum3A_373 : i1 to vector<16xi1>
          %reduce_sum3A_375 = tpu.scan <sum>, %get3A_344 masked %reduce_sum3A_374 : vector<16xi32>, vector<16xi1> -> vector<16xi32>
          %reduce_sum3A_376 = vector.extract %reduce_sum3A_375[15] : i32 from vector<16xi32>
          %gt3A_377 = arith.constant 0 : i32
          %gt3A_378 = vector.broadcast %gt3A_377 : i32 to vector<16xi32>
          %gt3A_379 = arith.cmpi sgt, %get3A_330, %gt3A_378 : vector<16xi32>
          %gt3A_380 = arith.constant 0 : i32
          %gt3A_381 = vector.broadcast %gt3A_380 : i32 to vector<16xi32>
          %gt3A_382 = arith.cmpi sgt, %get3A_332, %gt3A_381 : vector<16xi32>
          %gt3A_383 = arith.constant 0 : i32
          %gt3A_384 = vector.broadcast %gt3A_383 : i32 to vector<16xi32>
          %gt3A_385 = arith.cmpi sgt, %get3A_334, %gt3A_384 : vector<16xi32>
          %gt3A_386 = arith.constant 0 : i32
          %gt3A_387 = vector.broadcast %gt3A_386 : i32 to vector<16xi32>
          %gt3A_388 = arith.cmpi sgt, %get3A_336, %gt3A_387 : vector<16xi32>
          %gt3A_389 = arith.constant 0 : i32
          %gt3A_390 = vector.broadcast %gt3A_389 : i32 to vector<16xi32>
          %gt3A_391 = arith.cmpi sgt, %get3A_338, %gt3A_390 : vector<16xi32>
          %gt3A_392 = arith.constant 0 : i32
          %gt3A_393 = vector.broadcast %gt3A_392 : i32 to vector<16xi32>
          %gt3A_394 = arith.cmpi sgt, %get3A_340, %gt3A_393 : vector<16xi32>
          %gt3A_395 = arith.constant 0 : i32
          %gt3A_396 = vector.broadcast %gt3A_395 : i32 to vector<16xi32>
          %gt3A_397 = arith.cmpi sgt, %get3A_342, %gt3A_396 : vector<16xi32>
          %gt3A_398 = arith.constant 0 : i32
          %gt3A_399 = vector.broadcast %gt3A_398 : i32 to vector<16xi32>
          %gt3A_400 = arith.cmpi sgt, %get3A_344, %gt3A_399 : vector<16xi32>
          %get3A_401 = arith.index_cast %add3A_307 : i32 to index
          %get3A_402 = tpu.vector_load %arg9[%get3A_401] {strides = array<i32>} : memref<16416xf32, #tpu.memory_space<vmem>>, vector<16xf32>,
          %swap3A = arith.index_cast %scan3A_302 : i32 to index
          %swap3A_403 = tpu.vector_load %arg11[%swap3A] masked %gt3A_379 {strides = array<i32>} : memref<10288xf32, #tpu.memory_space<vmem>>, vector<16xf32>, vector<16xi1>
          tpu.vector_store %arg11[%swap3A], %get3A_402 masked %gt3A_379 {strides = array<i32>} : memref<10288xf32, #tpu.memory_space<vmem>>, vector<16xf32>, vector<16xi1>
          %get3A_404 = arith.index_cast %add3A_307 : i32 to index
          %get3A_405 = tpu.vector_load %arg10[%get3A_404] {strides = array<i32>} : memref<16416xf32, #tpu.memory_space<vmem>>, vector<16xf32>,
          %swap3A_406 = arith.index_cast %scan3A_302 : i32 to index
          %swap3A_407 = tpu.vector_load %arg12[%swap3A_406] masked %gt3A_379 {strides = array<i32>} : memref<10288xf32, #tpu.memory_space<vmem>>, vector<16xf32>, vector<16xi1>
          tpu.vector_store %arg12[%swap3A_406], %get3A_405 masked %gt3A_379 {strides = array<i32>} : memref<10288xf32, #tpu.memory_space<vmem>>, vector<16xf32>, vector<16xi1>
          %add3A_408 = arith.addi %scan3A_302, %reduce_sum3A_348 : i32
          %get3A_409 = arith.index_cast %add3A_310 : i32 to index
          %get3A_410 = tpu.vector_load %arg9[%get3A_409] {strides = array<i32>} : memref<16416xf32, #tpu.memory_space<vmem>>, vector<16xf32>,
          %swap3A_411 = arith.index_cast %add3A_408 : i32 to index
          %swap3A_412 = tpu.vector_load %arg11[%swap3A_411] masked %gt3A_382 {strides = array<i32>} : memref<10288xf32, #tpu.memory_space<vmem>>, vector<16xf32>, vector<16xi1>
          tpu.vector_store %arg11[%swap3A_411], %get3A_410 masked %gt3A_382 {strides = array<i32>} : memref<10288xf32, #tpu.memory_space<vmem>>, vector<16xf32>, vector<16xi1>
          %get3A_413 = arith.index_cast %add3A_310 : i32 to index
          %get3A_414 = tpu.vector_load %arg10[%get3A_413] {strides = array<i32>} : memref<16416xf32, #tpu.memory_space<vmem>>, vector<16xf32>,
          %swap3A_415 = arith.index_cast %add3A_408 : i32 to index
          %swap3A_416 = tpu.vector_load %arg12[%swap3A_415] masked %gt3A_382 {strides = array<i32>} : memref<10288xf32, #tpu.memory_space<vmem>>, vector<16xf32>, vector<16xi1>
          tpu.vector_store %arg12[%swap3A_415], %get3A_414 masked %gt3A_382 {strides = array<i32>} : memref<10288xf32, #tpu.memory_space<vmem>>, vector<16xf32>, vector<16xi1>
          %add3A_417 = arith.addi %add3A_408, %reduce_sum3A_352 : i32
          %get3A_418 = arith.index_cast %add3A_313 : i32 to index
          %get3A_419 = tpu.vector_load %arg9[%get3A_418] {strides = array<i32>} : memref<16416xf32, #tpu.memory_space<vmem>>, vector<16xf32>,
          %swap3A_420 = arith.index_cast %add3A_417 : i32 to index
          %swap3A_421 = tpu.vector_load %arg11[%swap3A_420] masked %gt3A_385 {strides = array<i32>} : memref<10288xf32, #tpu.memory_space<vmem>>, vector<16xf32>, vector<16xi1>
          tpu.vector_store %arg11[%swap3A_420], %get3A_419 masked %gt3A_385 {strides = array<i32>} : memref<10288xf32, #tpu.memory_space<vmem>>, vector<16xf32>, vector<16xi1>
          %get3A_422 = arith.index_cast %add3A_313 : i32 to index
          %get3A_423 = tpu.vector_load %arg10[%get3A_422] {strides = array<i32>} : memref<16416xf32, #tpu.memory_space<vmem>>, vector<16xf32>,
          %swap3A_424 = arith.index_cast %add3A_417 : i32 to index
          %swap3A_425 = tpu.vector_load %arg12[%swap3A_424] masked %gt3A_385 {strides = array<i32>} : memref<10288xf32, #tpu.memory_space<vmem>>, vector<16xf32>, vector<16xi1>
          tpu.vector_store %arg12[%swap3A_424], %get3A_423 masked %gt3A_385 {strides = array<i32>} : memref<10288xf32, #tpu.memory_space<vmem>>, vector<16xf32>, vector<16xi1>
          %add3A_426 = arith.addi %add3A_417, %reduce_sum3A_356 : i32
          %get3A_427 = arith.index_cast %add3A_316 : i32 to index
          %get3A_428 = tpu.vector_load %arg9[%get3A_427] {strides = array<i32>} : memref<16416xf32, #tpu.memory_space<vmem>>, vector<16xf32>,
          %swap3A_429 = arith.index_cast %add3A_426 : i32 to index
          %swap3A_430 = tpu.vector_load %arg11[%swap3A_429] masked %gt3A_388 {strides = array<i32>} : memref<10288xf32, #tpu.memory_space<vmem>>, vector<16xf32>, vector<16xi1>
          tpu.vector_store %arg11[%swap3A_429], %get3A_428 masked %gt3A_388 {strides = array<i32>} : memref<10288xf32, #tpu.memory_space<vmem>>, vector<16xf32>, vector<16xi1>
          %get3A_431 = arith.index_cast %add3A_316 : i32 to index
          %get3A_432 = tpu.vector_load %arg10[%get3A_431] {strides = array<i32>} : memref<16416xf32, #tpu.memory_space<vmem>>, vector<16xf32>,
          %swap3A_433 = arith.index_cast %add3A_426 : i32 to index
          %swap3A_434 = tpu.vector_load %arg12[%swap3A_433] masked %gt3A_388 {strides = array<i32>} : memref<10288xf32, #tpu.memory_space<vmem>>, vector<16xf32>, vector<16xi1>
          tpu.vector_store %arg12[%swap3A_433], %get3A_432 masked %gt3A_388 {strides = array<i32>} : memref<10288xf32, #tpu.memory_space<vmem>>, vector<16xf32>, vector<16xi1>
          %add3A_435 = arith.addi %add3A_426, %reduce_sum3A_360 : i32
          %get3A_436 = arith.index_cast %add3A_319 : i32 to index
          %get3A_437 = tpu.vector_load %arg9[%get3A_436] {strides = array<i32>} : memref<16416xf32, #tpu.memory_space<vmem>>, vector<16xf32>,
          %swap3A_438 = arith.index_cast %add3A_435 : i32 to index
          %swap3A_439 = tpu.vector_load %arg11[%swap3A_438] masked %gt3A_391 {strides = array<i32>} : memref<10288xf32, #tpu.memory_space<vmem>>, vector<16xf32>, vector<16xi1>
          tpu.vector_store %arg11[%swap3A_438], %get3A_437 masked %gt3A_391 {strides = array<i32>} : memref<10288xf32, #tpu.memory_space<vmem>>, vector<16xf32>, vector<16xi1>
          %get3A_440 = arith.index_cast %add3A_319 : i32 to index
          %get3A_441 = tpu.vector_load %arg10[%get3A_440] {strides = array<i32>} : memref<16416xf32, #tpu.memory_space<vmem>>, vector<16xf32>,
          %swap3A_442 = arith.index_cast %add3A_435 : i32 to index
          %swap3A_443 = tpu.vector_load %arg12[%swap3A_442] masked %gt3A_391 {strides = array<i32>} : memref<10288xf32, #tpu.memory_space<vmem>>, vector<16xf32>, vector<16xi1>
          tpu.vector_store %arg12[%swap3A_442], %get3A_441 masked %gt3A_391 {strides = array<i32>} : memref<10288xf32, #tpu.memory_space<vmem>>, vector<16xf32>, vector<16xi1>
          %add3A_444 = arith.addi %add3A_435, %reduce_sum3A_364 : i32
          %get3A_445 = arith.index_cast %add3A_322 : i32 to index
          %get3A_446 = tpu.vector_load %arg9[%get3A_445] {strides = array<i32>} : memref<16416xf32, #tpu.memory_space<vmem>>, vector<16xf32>,
          %swap3A_447 = arith.index_cast %add3A_444 : i32 to index
          %swap3A_448 = tpu.vector_load %arg11[%swap3A_447] masked %gt3A_394 {strides = array<i32>} : memref<10288xf32, #tpu.memory_space<vmem>>, vector<16xf32>, vector<16xi1>
          tpu.vector_store %arg11[%swap3A_447], %get3A_446 masked %gt3A_394 {strides = array<i32>} : memref<10288xf32, #tpu.memory_space<vmem>>, vector<16xf32>, vector<16xi1>
          %get3A_449 = arith.index_cast %add3A_322 : i32 to index
          %get3A_450 = tpu.vector_load %arg10[%get3A_449] {strides = array<i32>} : memref<16416xf32, #tpu.memory_space<vmem>>, vector<16xf32>,
          %swap3A_451 = arith.index_cast %add3A_444 : i32 to index
          %swap3A_452 = tpu.vector_load %arg12[%swap3A_451] masked %gt3A_394 {strides = array<i32>} : memref<10288xf32, #tpu.memory_space<vmem>>, vector<16xf32>, vector<16xi1>
          tpu.vector_store %arg12[%swap3A_451], %get3A_450 masked %gt3A_394 {strides = array<i32>} : memref<10288xf32, #tpu.memory_space<vmem>>, vector<16xf32>, vector<16xi1>
          %add3A_453 = arith.addi %add3A_444, %reduce_sum3A_368 : i32
          %get3A_454 = arith.index_cast %add3A_325 : i32 to index
          %get3A_455 = tpu.vector_load %arg9[%get3A_454] {strides = array<i32>} : memref<16416xf32, #tpu.memory_space<vmem>>, vector<16xf32>,
          %swap3A_456 = arith.index_cast %add3A_453 : i32 to index
          %swap3A_457 = tpu.vector_load %arg11[%swap3A_456] masked %gt3A_397 {strides = array<i32>} : memref<10288xf32, #tpu.memory_space<vmem>>, vector<16xf32>, vector<16xi1>
          tpu.vector_store %arg11[%swap3A_456], %get3A_455 masked %gt3A_397 {strides = array<i32>} : memref<10288xf32, #tpu.memory_space<vmem>>, vector<16xf32>, vector<16xi1>
          %get3A_458 = arith.index_cast %add3A_325 : i32 to index
          %get3A_459 = tpu.vector_load %arg10[%get3A_458] {strides = array<i32>} : memref<16416xf32, #tpu.memory_space<vmem>>, vector<16xf32>,
          %swap3A_460 = arith.index_cast %add3A_453 : i32 to index
          %swap3A_461 = tpu.vector_load %arg12[%swap3A_460] masked %gt3A_397 {strides = array<i32>} : memref<10288xf32, #tpu.memory_space<vmem>>, vector<16xf32>, vector<16xi1>
          tpu.vector_store %arg12[%swap3A_460], %get3A_459 masked %gt3A_397 {strides = array<i32>} : memref<10288xf32, #tpu.memory_space<vmem>>, vector<16xf32>, vector<16xi1>
          %add3A_462 = arith.addi %add3A_453, %reduce_sum3A_372 : i32
          %get3A_463 = arith.index_cast %add3A_328 : i32 to index
          %get3A_464 = tpu.vector_load %arg9[%get3A_463] {strides = array<i32>} : memref<16416xf32, #tpu.memory_space<vmem>>, vector<16xf32>,
          %swap3A_465 = arith.index_cast %add3A_462 : i32 to index
          %swap3A_466 = tpu.vector_load %arg11[%swap3A_465] masked %gt3A_400 {strides = array<i32>} : memref<10288xf32, #tpu.memory_space<vmem>>, vector<16xf32>, vector<16xi1>
          tpu.vector_store %arg11[%swap3A_465], %get3A_464 masked %gt3A_400 {strides = array<i32>} : memref<10288xf32, #tpu.memory_space<vmem>>, vector<16xf32>, vector<16xi1>
          %get3A_467 = arith.index_cast %add3A_328 : i32 to index
          %get3A_468 = tpu.vector_load %arg10[%get3A_467] {strides = array<i32>} : memref<16416xf32, #tpu.memory_space<vmem>>, vector<16xf32>,
          %swap3A_469 = arith.index_cast %add3A_462 : i32 to index
          %swap3A_470 = tpu.vector_load %arg12[%swap3A_469] masked %gt3A_400 {strides = array<i32>} : memref<10288xf32, #tpu.memory_space<vmem>>, vector<16xf32>, vector<16xi1>
          tpu.vector_store %arg12[%swap3A_469], %get3A_468 masked %gt3A_400 {strides = array<i32>} : memref<10288xf32, #tpu.memory_space<vmem>>, vector<16xf32>, vector<16xi1>
          %add3A_471 = arith.addi %add3A_462, %reduce_sum3A_376 : i32
          scf.yield %add3A_471 : i32
        }
        %scan3A_296 = arith.constant 6 : i32
        %scan3A_297 = arith.constant 48 : i32
        %scan3A_298 = arith.constant 0 : i32
        %scan3A_299 = arith.addi %scan3A_297, %scan3A_298 : i32
        %scan3A_300 = arith.constant 0 : i32
        scf.yield %scan3A_295, %while3A_242 : i32, i32
      }
      %add3A_289 = arith.constant 768 : i32
      %add3A_290 = arith.addi %while3A_243, %add3A_289 : i32
      scf.yield %cond3A_288#0, %cond3A_288#1, %add3A_290 : i32, i32, i32
    }
    %shift_right_arithmetic3A = arith.constant 11 : i32
    %shift_right_arithmetic3A_97 = arith.shrsi %while3A#0, %shift_right_arithmetic3A : i32
    %mul3A_98 = arith.constant 2048 : i32
    %mul3A_99 = arith.muli %scan3A_91#2, %mul3A_98 : i32
    %sub3A_100 = arith.subi %sub3A_70, %mul3A_99 : i32
    %shift_right_arithmetic3A_101 = arith.constant 11 : i32
    %shift_right_arithmetic3A_102 = arith.shrsi %sub3A_100, %shift_right_arithmetic3A_101 : i32
    %min3A_103 = arith.minsi %shift_right_arithmetic3A_97, %shift_right_arithmetic3A_102 : i32
    %while3A_104 = arith.constant 0 : i32
    %while3A_105 = arith.subi %min3A_103, %while3A_104 : i32
    %while3A_106 = arith.addi %while3A_104, %while3A_105 : i32
    %while3A_107 = arith.constant 1 : i32
    %while3A_108 = arith.divsi %while3A_105, %while3A_107 : i32
    %while3A_109 = arith.muli %while3A_108, %while3A_107 : i32
    %while3A_110 = arith.addi %while3A_104, %while3A_109 : i32
    %while3A_111 = arith.constant 1 : i32
    %while3A_112 = scf.for %while3A_241 = %while3A_104 to %while3A_110 step %while3A_111 iter_args(%while3A_242 = %scan3A_91#2) -> (i32)  : i32 {
      %mul3A_243 = arith.constant 2048 : i32
      %mul3A_244 = arith.muli %while3A_242, %mul3A_243 : i32
      %add3A_245 = arith.addi %and3A_63, %mul3A_244 : i32
      %multiple_of3A_246 = tpu.assume_multiple %add3A_245, 16 : i32
      %mul3A_247 = arith.constant 2048 : i32
      %mul3A_248 = arith.muli %while3A_241, %mul3A_247 : i32
      %dma_start3A_249 = tpu.memref_slice %arg11[%mul3A_248] : memref<10288xf32, #tpu.memory_space<vmem>> -> memref<2048xf32, #tpu.memory_space<vmem>>
      %dma_start3A_250 = tpu.memref_slice %arg6[%multiple_of3A_246] : memref<400000xf32, #tpu.memory_space<hbm>> -> memref<2048xf32, #tpu.memory_space<hbm>>
      %dma_start3A_251 = tpu.memref_slice %arg6[%multiple_of3A_246] : memref<400000xf32, #tpu.memory_space<hbm>> -> memref<2048xf32, #tpu.memory_space<hbm>>
      %dma_start3A_252 = tpu.memref_slice %arg11[%mul3A_248] : memref<10288xf32, #tpu.memory_space<vmem>> -> memref<2048xf32, #tpu.memory_space<vmem>>
      tpu.enqueue_dma source(%dma_start3A_252 : memref<2048xf32, #tpu.memory_space<vmem>>) target(%dma_start3A_251 : memref<2048xf32, #tpu.memory_space<hbm>>) target_semaphore(%arg17 : memref<!tpu.dma_semaphore, #tpu.memory_space<semaphore_mem>>)
      %mul3A_253 = arith.constant 2048 : i32
      %mul3A_254 = arith.muli %while3A_241, %mul3A_253 : i32
      %dma_start3A_255 = tpu.memref_slice %arg12[%mul3A_254] : memref<10288xf32, #tpu.memory_space<vmem>> -> memref<2048xf32, #tpu.memory_space<vmem>>
      %dma_start3A_256 = tpu.memref_slice %arg7[%multiple_of3A_246] : memref<400000xf32, #tpu.memory_space<hbm>> -> memref<2048xf32, #tpu.memory_space<hbm>>
      %dma_start3A_257 = tpu.memref_slice %arg7[%multiple_of3A_246] : memref<400000xf32, #tpu.memory_space<hbm>> -> memref<2048xf32, #tpu.memory_space<hbm>>
      %dma_start3A_258 = tpu.memref_slice %arg12[%mul3A_254] : memref<10288xf32, #tpu.memory_space<vmem>> -> memref<2048xf32, #tpu.memory_space<vmem>>
      tpu.enqueue_dma source(%dma_start3A_258 : memref<2048xf32, #tpu.memory_space<vmem>>) target(%dma_start3A_257 : memref<2048xf32, #tpu.memory_space<hbm>>) target_semaphore(%arg18 : memref<!tpu.dma_semaphore, #tpu.memory_space<semaphore_mem>>)
      %dma_wait3A = tpu.memref_slice %arg11[%mul3A_248] : memref<10288xf32, #tpu.memory_space<vmem>> -> memref<2048xf32, #tpu.memory_space<vmem>>
      %dma_wait3A_259 = tpu.memref_slice %arg6[%multiple_of3A_246] : memref<400000xf32, #tpu.memory_space<hbm>> -> memref<2048xf32, #tpu.memory_space<hbm>>
      %dma_wait3A_260 = tpu.memref_slice %arg6[%multiple_of3A_246] : memref<400000xf32, #tpu.memory_space<hbm>> -> memref<2048xf32, #tpu.memory_space<hbm>>
      %dma_wait3A_261 = tpu.memref_slice %arg11[%mul3A_248] : memref<10288xf32, #tpu.memory_space<vmem>> -> memref<2048xf32, #tpu.memory_space<vmem>>
      tpu.wait_dma2 semaphore(%arg17 : memref<!tpu.dma_semaphore, #tpu.memory_space<semaphore_mem>>) src(%dma_wait3A_261 : memref<2048xf32, #tpu.memory_space<vmem>>) dst(%dma_wait3A_260 : memref<2048xf32, #tpu.memory_space<hbm>>)
      %dma_wait3A_262 = tpu.memref_slice %arg12[%mul3A_254] : memref<10288xf32, #tpu.memory_space<vmem>> -> memref<2048xf32, #tpu.memory_space<vmem>>
      %dma_wait3A_263 = tpu.memref_slice %arg7[%multiple_of3A_246] : memref<400000xf32, #tpu.memory_space<hbm>> -> memref<2048xf32, #tpu.memory_space<hbm>>
      %dma_wait3A_264 = tpu.memref_slice %arg7[%multiple_of3A_246] : memref<400000xf32, #tpu.memory_space<hbm>> -> memref<2048xf32, #tpu.memory_space<hbm>>
      %dma_wait3A_265 = tpu.memref_slice %arg12[%mul3A_254] : memref<10288xf32, #tpu.memory_space<vmem>> -> memref<2048xf32, #tpu.memory_space<vmem>>
      tpu.wait_dma2 semaphore(%arg18 : memref<!tpu.dma_semaphore, #tpu.memory_space<semaphore_mem>>) src(%dma_wait3A_265 : memref<2048xf32, #tpu.memory_space<vmem>>) dst(%dma_wait3A_264 : memref<2048xf32, #tpu.memory_space<hbm>>)
      %add3A_266 = arith.constant 1 : i32
      %add3A_267 = arith.addi %while3A_242, %add3A_266 : i32
      scf.yield %add3A_267 : i32
    }
    %while3A_113 = arith.constant 1 : i32
    %while3A_114 = scf.for %while3A_241 = %while3A_110 to %while3A_106 step %while3A_113 iter_args(%while3A_242 = %while3A_112) -> (i32)  : i32 {
      %mul3A_243 = arith.constant 2048 : i32
      %mul3A_244 = arith.muli %while3A_242, %mul3A_243 : i32
      %add3A_245 = arith.addi %and3A_63, %mul3A_244 : i32
      %multiple_of3A_246 = tpu.assume_multiple %add3A_245, 16 : i32
      %mul3A_247 = arith.constant 2048 : i32
      %mul3A_248 = arith.muli %while3A_241, %mul3A_247 : i32
      %dma_start3A_249 = tpu.memref_slice %arg11[%mul3A_248] : memref<10288xf32, #tpu.memory_space<vmem>> -> memref<2048xf32, #tpu.memory_space<vmem>>
      %dma_start3A_250 = tpu.memref_slice %arg6[%multiple_of3A_246] : memref<400000xf32, #tpu.memory_space<hbm>> -> memref<2048xf32, #tpu.memory_space<hbm>>
      %dma_start3A_251 = tpu.memref_slice %arg6[%multiple_of3A_246] : memref<400000xf32, #tpu.memory_space<hbm>> -> memref<2048xf32, #tpu.memory_space<hbm>>
      %dma_start3A_252 = tpu.memref_slice %arg11[%mul3A_248] : memref<10288xf32, #tpu.memory_space<vmem>> -> memref<2048xf32, #tpu.memory_space<vmem>>
      tpu.enqueue_dma source(%dma_start3A_252 : memref<2048xf32, #tpu.memory_space<vmem>>) target(%dma_start3A_251 : memref<2048xf32, #tpu.memory_space<hbm>>) target_semaphore(%arg17 : memref<!tpu.dma_semaphore, #tpu.memory_space<semaphore_mem>>)
      %mul3A_253 = arith.constant 2048 : i32
      %mul3A_254 = arith.muli %while3A_241, %mul3A_253 : i32
      %dma_start3A_255 = tpu.memref_slice %arg12[%mul3A_254] : memref<10288xf32, #tpu.memory_space<vmem>> -> memref<2048xf32, #tpu.memory_space<vmem>>
      %dma_start3A_256 = tpu.memref_slice %arg7[%multiple_of3A_246] : memref<400000xf32, #tpu.memory_space<hbm>> -> memref<2048xf32, #tpu.memory_space<hbm>>
      %dma_start3A_257 = tpu.memref_slice %arg7[%multiple_of3A_246] : memref<400000xf32, #tpu.memory_space<hbm>> -> memref<2048xf32, #tpu.memory_space<hbm>>
      %dma_start3A_258 = tpu.memref_slice %arg12[%mul3A_254] : memref<10288xf32, #tpu.memory_space<vmem>> -> memref<2048xf32, #tpu.memory_space<vmem>>
      tpu.enqueue_dma source(%dma_start3A_258 : memref<2048xf32, #tpu.memory_space<vmem>>) target(%dma_start3A_257 : memref<2048xf32, #tpu.memory_space<hbm>>) target_semaphore(%arg18 : memref<!tpu.dma_semaphore, #tpu.memory_space<semaphore_mem>>)
      %dma_wait3A = tpu.memref_slice %arg11[%mul3A_248] : memref<10288xf32, #tpu.memory_space<vmem>> -> memref<2048xf32, #tpu.memory_space<vmem>>
      %dma_wait3A_259 = tpu.memref_slice %arg6[%multiple_of3A_246] : memref<400000xf32, #tpu.memory_space<hbm>> -> memref<2048xf32, #tpu.memory_space<hbm>>
      %dma_wait3A_260 = tpu.memref_slice %arg6[%multiple_of3A_246] : memref<400000xf32, #tpu.memory_space<hbm>> -> memref<2048xf32, #tpu.memory_space<hbm>>
      %dma_wait3A_261 = tpu.memref_slice %arg11[%mul3A_248] : memref<10288xf32, #tpu.memory_space<vmem>> -> memref<2048xf32, #tpu.memory_space<vmem>>
      tpu.wait_dma2 semaphore(%arg17 : memref<!tpu.dma_semaphore, #tpu.memory_space<semaphore_mem>>) src(%dma_wait3A_261 : memref<2048xf32, #tpu.memory_space<vmem>>) dst(%dma_wait3A_260 : memref<2048xf32, #tpu.memory_space<hbm>>)
      %dma_wait3A_262 = tpu.memref_slice %arg12[%mul3A_254] : memref<10288xf32, #tpu.memory_space<vmem>> -> memref<2048xf32, #tpu.memory_space<vmem>>
      %dma_wait3A_263 = tpu.memref_slice %arg7[%multiple_of3A_246] : memref<400000xf32, #tpu.memory_space<hbm>> -> memref<2048xf32, #tpu.memory_space<hbm>>
      %dma_wait3A_264 = tpu.memref_slice %arg7[%multiple_of3A_246] : memref<400000xf32, #tpu.memory_space<hbm>> -> memref<2048xf32, #tpu.memory_space<hbm>>
      %dma_wait3A_265 = tpu.memref_slice %arg12[%mul3A_254] : memref<10288xf32, #tpu.memory_space<vmem>> -> memref<2048xf32, #tpu.memory_space<vmem>>
      tpu.wait_dma2 semaphore(%arg18 : memref<!tpu.dma_semaphore, #tpu.memory_space<semaphore_mem>>) src(%dma_wait3A_265 : memref<2048xf32, #tpu.memory_space<vmem>>) dst(%dma_wait3A_264 : memref<2048xf32, #tpu.memory_space<hbm>>)
      %add3A_266 = arith.constant 1 : i32
      %add3A_267 = arith.addi %while3A_242, %add3A_266 : i32
      scf.yield %add3A_267 : i32
    }
    %mul3A_115 = arith.constant 2048 : i32
    %mul3A_116 = arith.muli %min3A_103, %mul3A_115 : i32
    %sub3A_117 = arith.subi %while3A#0, %mul3A_116 : i32
    %add3A_118 = arith.constant 15 : i32
    %add3A_119 = arith.addi %sub3A_117, %add3A_118 : i32
    %shift_right_arithmetic3A_120 = arith.constant 4 : i32
    %shift_right_arithmetic3A_121 = arith.shrsi %add3A_119, %shift_right_arithmetic3A_120 : i32
    %while3A_122 = arith.constant 0 : i32
    %while3A_123 = arith.constant 0 : i32
    %while3A_124 = arith.subi %shift_right_arithmetic3A_121, %while3A_122 : i32
    %while3A_125 = arith.addi %while3A_122, %while3A_124 : i32
    %while3A_126 = arith.constant 1 : i32
    %while3A_127 = arith.divsi %while3A_124, %while3A_126 : i32
    %while3A_128 = arith.muli %while3A_127, %while3A_126 : i32
    %while3A_129 = arith.addi %while3A_122, %while3A_128 : i32
    %while3A_130 = arith.constant 1 : i32
    %while3A_131 = scf.for %while3A_241 = %while3A_122 to %while3A_129 step %while3A_130 iter_args(%while3A_242 = %while3A_123) -> (i32)  : i32 {
      %mul3A_243 = arith.constant 2048 : i32
      %mul3A_244 = arith.muli %min3A_103, %mul3A_243 : i32
      %mul3A_245 = arith.constant 16 : i32
      %mul3A_246 = arith.muli %while3A_241, %mul3A_245 : i32
      %add3A_247 = arith.addi %mul3A_244, %mul3A_246 : i32
      %mul3A_248 = arith.constant 16 : i32
      %mul3A_249 = arith.muli %while3A_241, %mul3A_248 : i32
      %get3A_250 = arith.index_cast %add3A_247 : i32 to index
      %get3A_251 = tpu.vector_load %arg11[%get3A_250] {strides = array<i32>} : memref<10288xf32, #tpu.memory_space<vmem>>, vector<16xf32>,
      %swap3A = arith.index_cast %mul3A_249 : i32 to index
      %swap3A_252 = tpu.vector_load %arg11[%swap3A] {strides = array<i32>} : memref<10288xf32, #tpu.memory_space<vmem>>, vector<16xf32>,
      tpu.vector_store %arg11[%swap3A], %get3A_251 {strides = array<i32>} : memref<10288xf32, #tpu.memory_space<vmem>>, vector<16xf32>,
      %get3A_253 = arith.index_cast %add3A_247 : i32 to index
      %get3A_254 = tpu.vector_load %arg12[%get3A_253] {strides = array<i32>} : memref<10288xf32, #tpu.memory_space<vmem>>, vector<16xf32>,
      %swap3A_255 = arith.index_cast %mul3A_249 : i32 to index
      %swap3A_256 = tpu.vector_load %arg12[%swap3A_255] {strides = array<i32>} : memref<10288xf32, #tpu.memory_space<vmem>>, vector<16xf32>,
      tpu.vector_store %arg12[%swap3A_255], %get3A_254 {strides = array<i32>} : memref<10288xf32, #tpu.memory_space<vmem>>, vector<16xf32>,
      %while3A_257 = arith.constant 0 : i32
      scf.yield %while3A_257 : i32
    }
    %while3A_132 = arith.constant 1 : i32
    %while3A_133 = scf.for %while3A_241 = %while3A_129 to %while3A_125 step %while3A_132 iter_args(%while3A_242 = %while3A_131) -> (i32)  : i32 {
      %mul3A_243 = arith.constant 2048 : i32
      %mul3A_244 = arith.muli %min3A_103, %mul3A_243 : i32
      %mul3A_245 = arith.constant 16 : i32
      %mul3A_246 = arith.muli %while3A_241, %mul3A_245 : i32
      %add3A_247 = arith.addi %mul3A_244, %mul3A_246 : i32
      %mul3A_248 = arith.constant 16 : i32
      %mul3A_249 = arith.muli %while3A_241, %mul3A_248 : i32
      %get3A_250 = arith.index_cast %add3A_247 : i32 to index
      %get3A_251 = tpu.vector_load %arg11[%get3A_250] {strides = array<i32>} : memref<10288xf32, #tpu.memory_space<vmem>>, vector<16xf32>,
      %swap3A = arith.index_cast %mul3A_249 : i32 to index
      %swap3A_252 = tpu.vector_load %arg11[%swap3A] {strides = array<i32>} : memref<10288xf32, #tpu.memory_space<vmem>>, vector<16xf32>,
      tpu.vector_store %arg11[%swap3A], %get3A_251 {strides = array<i32>} : memref<10288xf32, #tpu.memory_space<vmem>>, vector<16xf32>,
      %get3A_253 = arith.index_cast %add3A_247 : i32 to index
      %get3A_254 = tpu.vector_load %arg12[%get3A_253] {strides = array<i32>} : memref<10288xf32, #tpu.memory_space<vmem>>, vector<16xf32>,
      %swap3A_255 = arith.index_cast %mul3A_249 : i32 to index
      %swap3A_256 = tpu.vector_load %arg12[%swap3A_255] {strides = array<i32>} : memref<10288xf32, #tpu.memory_space<vmem>>, vector<16xf32>,
      tpu.vector_store %arg12[%swap3A_255], %get3A_254 {strides = array<i32>} : memref<10288xf32, #tpu.memory_space<vmem>>, vector<16xf32>,
      %while3A_257 = arith.constant 0 : i32
      scf.yield %while3A_257 : i32
    }
    %mul3A_134 = arith.constant 2048 : i32
    %mul3A_135 = arith.muli %while3A_114, %mul3A_134 : i32
    %sub3A_136 = arith.subi %sub3A_70, %mul3A_135 : i32
    %and3A_137 = arith.constant 1024 : i32
    %and3A_138 = arith.andi %sub3A_136, %and3A_137 : i32
    %ne3A = arith.constant 0 : i32
    %ne3A_139 = arith.cmpi ne, %and3A_138, %ne3A : i32
    %convert_element_type3A = arith.extui %ne3A_139 : i1 to i32
    %cond3A = arith.constant 0 : i32
    %cond3A_140 = arith.constant 0 : i32
    %cond3A_141 = arith.cmpi ne, %convert_element_type3A, %cond3A_140 : i32
    scf.if %cond3A_141 {
      %mul3A_241 = arith.constant 2048 : i32
      %mul3A_242 = arith.muli %while3A_114, %mul3A_241 : i32
      %add3A_243 = arith.addi %and3A_63, %mul3A_242 : i32
      %add3A_244 = arith.addi %add3A_243, %cond3A : i32
      %multiple_of3A_245 = tpu.assume_multiple %add3A_244, 16 : i32
      %multiple_of3A_246 = tpu.assume_multiple %cond3A, 16 : i32
      %dma_start3A_247 = tpu.memref_slice %arg11[%multiple_of3A_246] : memref<10288xf32, #tpu.memory_space<vmem>> -> memref<1024xf32, #tpu.memory_space<vmem>>
      %dma_start3A_248 = tpu.memref_slice %arg6[%multiple_of3A_245] : memref<400000xf32, #tpu.memory_space<hbm>> -> memref<1024xf32, #tpu.memory_space<hbm>>
      %dma_start3A_249 = tpu.memref_slice %arg6[%multiple_of3A_245] : memref<400000xf32, #tpu.memory_space<hbm>> -> memref<1024xf32, #tpu.memory_space<hbm>>
      %dma_start3A_250 = tpu.memref_slice %arg11[%multiple_of3A_246] : memref<10288xf32, #tpu.memory_space<vmem>> -> memref<1024xf32, #tpu.memory_space<vmem>>
      tpu.enqueue_dma source(%dma_start3A_250 : memref<1024xf32, #tpu.memory_space<vmem>>) target(%dma_start3A_249 : memref<1024xf32, #tpu.memory_space<hbm>>) target_semaphore(%arg17 : memref<!tpu.dma_semaphore, #tpu.memory_space<semaphore_mem>>)
      %dma_start3A_251 = tpu.memref_slice %arg12[%multiple_of3A_246] : memref<10288xf32, #tpu.memory_space<vmem>> -> memref<1024xf32, #tpu.memory_space<vmem>>
      %dma_start3A_252 = tpu.memref_slice %arg7[%multiple_of3A_245] : memref<400000xf32, #tpu.memory_space<hbm>> -> memref<1024xf32, #tpu.memory_space<hbm>>
      %dma_start3A_253 = tpu.memref_slice %arg7[%multiple_of3A_245] : memref<400000xf32, #tpu.memory_space<hbm>> -> memref<1024xf32, #tpu.memory_space<hbm>>
      %dma_start3A_254 = tpu.memref_slice %arg12[%multiple_of3A_246] : memref<10288xf32, #tpu.memory_space<vmem>> -> memref<1024xf32, #tpu.memory_space<vmem>>
      tpu.enqueue_dma source(%dma_start3A_254 : memref<1024xf32, #tpu.memory_space<vmem>>) target(%dma_start3A_253 : memref<1024xf32, #tpu.memory_space<hbm>>) target_semaphore(%arg18 : memref<!tpu.dma_semaphore, #tpu.memory_space<semaphore_mem>>)
      %dma_wait3A = tpu.memref_slice %arg11[%multiple_of3A_246] : memref<10288xf32, #tpu.memory_space<vmem>> -> memref<1024xf32, #tpu.memory_space<vmem>>
      %dma_wait3A_255 = tpu.memref_slice %arg6[%multiple_of3A_245] : memref<400000xf32, #tpu.memory_space<hbm>> -> memref<1024xf32, #tpu.memory_space<hbm>>
      %dma_wait3A_256 = tpu.memref_slice %arg6[%multiple_of3A_245] : memref<400000xf32, #tpu.memory_space<hbm>> -> memref<1024xf32, #tpu.memory_space<hbm>>
      %dma_wait3A_257 = tpu.memref_slice %arg11[%multiple_of3A_246] : memref<10288xf32, #tpu.memory_space<vmem>> -> memref<1024xf32, #tpu.memory_space<vmem>>
      tpu.wait_dma2 semaphore(%arg17 : memref<!tpu.dma_semaphore, #tpu.memory_space<semaphore_mem>>) src(%dma_wait3A_257 : memref<1024xf32, #tpu.memory_space<vmem>>) dst(%dma_wait3A_256 : memref<1024xf32, #tpu.memory_space<hbm>>)
      %dma_wait3A_258 = tpu.memref_slice %arg12[%multiple_of3A_246] : memref<10288xf32, #tpu.memory_space<vmem>> -> memref<1024xf32, #tpu.memory_space<vmem>>
      %dma_wait3A_259 = tpu.memref_slice %arg7[%multiple_of3A_245] : memref<400000xf32, #tpu.memory_space<hbm>> -> memref<1024xf32, #tpu.memory_space<hbm>>
      %dma_wait3A_260 = tpu.memref_slice %arg7[%multiple_of3A_245] : memref<400000xf32, #tpu.memory_space<hbm>> -> memref<1024xf32, #tpu.memory_space<hbm>>
      %dma_wait3A_261 = tpu.memref_slice %arg12[%multiple_of3A_246] : memref<10288xf32, #tpu.memory_space<vmem>> -> memref<1024xf32, #tpu.memory_space<vmem>>
      tpu.wait_dma2 semaphore(%arg18 : memref<!tpu.dma_semaphore, #tpu.memory_space<semaphore_mem>>) src(%dma_wait3A_261 : memref<1024xf32, #tpu.memory_space<vmem>>) dst(%dma_wait3A_260 : memref<1024xf32, #tpu.memory_space<hbm>>)
    } else {
    }
    %and3A_142 = arith.constant 1024 : i32
    %and3A_143 = arith.andi %sub3A_136, %and3A_142 : i32
    %ne3A_144 = arith.constant 0 : i32
    %ne3A_145 = arith.cmpi ne, %and3A_143, %ne3A_144 : i32
    %jit3A_146 = arith.constant 1024 : i32
    %jit3A_147 = arith.constant 0 : i32
    %select_n3A_148 = arith.select %ne3A_145, %jit3A_146, %jit3A_147 : i32
    %add3A_149 = arith.constant 0 : i32
    %add3A_150 = arith.addi %add3A_149, %select_n3A_148 : i32
    %and3A_151 = arith.constant 512 : i32
    %and3A_152 = arith.andi %sub3A_136, %and3A_151 : i32
    %ne3A_153 = arith.constant 0 : i32
    %ne3A_154 = arith.cmpi ne, %and3A_152, %ne3A_153 : i32
    %convert_element_type3A_155 = arith.extui %ne3A_154 : i1 to i32
    %cond3A_156 = arith.constant 0 : i32
    %cond3A_157 = arith.cmpi ne, %convert_element_type3A_155, %cond3A_156 : i32
    scf.if %cond3A_157 {
      %mul3A_241 = arith.constant 2048 : i32
      %mul3A_242 = arith.muli %while3A_114, %mul3A_241 : i32
      %add3A_243 = arith.addi %and3A_63, %mul3A_242 : i32
      %add3A_244 = arith.addi %add3A_243, %add3A_150 : i32
      %multiple_of3A_245 = tpu.assume_multiple %add3A_244, 16 : i32
      %multiple_of3A_246 = tpu.assume_multiple %add3A_150, 16 : i32
      %dma_start3A_247 = tpu.memref_slice %arg11[%multiple_of3A_246] : memref<10288xf32, #tpu.memory_space<vmem>> -> memref<512xf32, #tpu.memory_space<vmem>>
      %dma_start3A_248 = tpu.memref_slice %arg6[%multiple_of3A_245] : memref<400000xf32, #tpu.memory_space<hbm>> -> memref<512xf32, #tpu.memory_space<hbm>>
      %dma_start3A_249 = tpu.memref_slice %arg6[%multiple_of3A_245] : memref<400000xf32, #tpu.memory_space<hbm>> -> memref<512xf32, #tpu.memory_space<hbm>>
      %dma_start3A_250 = tpu.memref_slice %arg11[%multiple_of3A_246] : memref<10288xf32, #tpu.memory_space<vmem>> -> memref<512xf32, #tpu.memory_space<vmem>>
      tpu.enqueue_dma source(%dma_start3A_250 : memref<512xf32, #tpu.memory_space<vmem>>) target(%dma_start3A_249 : memref<512xf32, #tpu.memory_space<hbm>>) target_semaphore(%arg17 : memref<!tpu.dma_semaphore, #tpu.memory_space<semaphore_mem>>)
      %dma_start3A_251 = tpu.memref_slice %arg12[%multiple_of3A_246] : memref<10288xf32, #tpu.memory_space<vmem>> -> memref<512xf32, #tpu.memory_space<vmem>>
      %dma_start3A_252 = tpu.memref_slice %arg7[%multiple_of3A_245] : memref<400000xf32, #tpu.memory_space<hbm>> -> memref<512xf32, #tpu.memory_space<hbm>>
      %dma_start3A_253 = tpu.memref_slice %arg7[%multiple_of3A_245] : memref<400000xf32, #tpu.memory_space<hbm>> -> memref<512xf32, #tpu.memory_space<hbm>>
      %dma_start3A_254 = tpu.memref_slice %arg12[%multiple_of3A_246] : memref<10288xf32, #tpu.memory_space<vmem>> -> memref<512xf32, #tpu.memory_space<vmem>>
      tpu.enqueue_dma source(%dma_start3A_254 : memref<512xf32, #tpu.memory_space<vmem>>) target(%dma_start3A_253 : memref<512xf32, #tpu.memory_space<hbm>>) target_semaphore(%arg18 : memref<!tpu.dma_semaphore, #tpu.memory_space<semaphore_mem>>)
      %dma_wait3A = tpu.memref_slice %arg11[%multiple_of3A_246] : memref<10288xf32, #tpu.memory_space<vmem>> -> memref<512xf32, #tpu.memory_space<vmem>>
      %dma_wait3A_255 = tpu.memref_slice %arg6[%multiple_of3A_245] : memref<400000xf32, #tpu.memory_space<hbm>> -> memref<512xf32, #tpu.memory_space<hbm>>
      %dma_wait3A_256 = tpu.memref_slice %arg6[%multiple_of3A_245] : memref<400000xf32, #tpu.memory_space<hbm>> -> memref<512xf32, #tpu.memory_space<hbm>>
      %dma_wait3A_257 = tpu.memref_slice %arg11[%multiple_of3A_246] : memref<10288xf32, #tpu.memory_space<vmem>> -> memref<512xf32, #tpu.memory_space<vmem>>
      tpu.wait_dma2 semaphore(%arg17 : memref<!tpu.dma_semaphore, #tpu.memory_space<semaphore_mem>>) src(%dma_wait3A_257 : memref<512xf32, #tpu.memory_space<vmem>>) dst(%dma_wait3A_256 : memref<512xf32, #tpu.memory_space<hbm>>)
      %dma_wait3A_258 = tpu.memref_slice %arg12[%multiple_of3A_246] : memref<10288xf32, #tpu.memory_space<vmem>> -> memref<512xf32, #tpu.memory_space<vmem>>
      %dma_wait3A_259 = tpu.memref_slice %arg7[%multiple_of3A_245] : memref<400000xf32, #tpu.memory_space<hbm>> -> memref<512xf32, #tpu.memory_space<hbm>>
      %dma_wait3A_260 = tpu.memref_slice %arg7[%multiple_of3A_245] : memref<400000xf32, #tpu.memory_space<hbm>> -> memref<512xf32, #tpu.memory_space<hbm>>
      %dma_wait3A_261 = tpu.memref_slice %arg12[%multiple_of3A_246] : memref<10288xf32, #tpu.memory_space<vmem>> -> memref<512xf32, #tpu.memory_space<vmem>>
      tpu.wait_dma2 semaphore(%arg18 : memref<!tpu.dma_semaphore, #tpu.memory_space<semaphore_mem>>) src(%dma_wait3A_261 : memref<512xf32, #tpu.memory_space<vmem>>) dst(%dma_wait3A_260 : memref<512xf32, #tpu.memory_space<hbm>>)
    } else {
    }
    %and3A_158 = arith.constant 512 : i32
    %and3A_159 = arith.andi %sub3A_136, %and3A_158 : i32
    %ne3A_160 = arith.constant 0 : i32
    %ne3A_161 = arith.cmpi ne, %and3A_159, %ne3A_160 : i32
    %jit3A_162 = arith.constant 512 : i32
    %jit3A_163 = arith.constant 0 : i32
    %select_n3A_164 = arith.select %ne3A_161, %jit3A_162, %jit3A_163 : i32
    %add3A_165 = arith.addi %add3A_150, %select_n3A_164 : i32
    %and3A_166 = arith.constant 256 : i32
    %and3A_167 = arith.andi %sub3A_136, %and3A_166 : i32
    %ne3A_168 = arith.constant 0 : i32
    %ne3A_169 = arith.cmpi ne, %and3A_167, %ne3A_168 : i32
    %convert_element_type3A_170 = arith.extui %ne3A_169 : i1 to i32
    %cond3A_171 = arith.constant 0 : i32
    %cond3A_172 = arith.cmpi ne, %convert_element_type3A_170, %cond3A_171 : i32
    scf.if %cond3A_172 {
      %mul3A_241 = arith.constant 2048 : i32
      %mul3A_242 = arith.muli %while3A_114, %mul3A_241 : i32
      %add3A_243 = arith.addi %and3A_63, %mul3A_242 : i32
      %add3A_244 = arith.addi %add3A_243, %add3A_165 : i32
      %multiple_of3A_245 = tpu.assume_multiple %add3A_244, 16 : i32
      %multiple_of3A_246 = tpu.assume_multiple %add3A_165, 16 : i32
      %dma_start3A_247 = tpu.memref_slice %arg11[%multiple_of3A_246] : memref<10288xf32, #tpu.memory_space<vmem>> -> memref<256xf32, #tpu.memory_space<vmem>>
      %dma_start3A_248 = tpu.memref_slice %arg6[%multiple_of3A_245] : memref<400000xf32, #tpu.memory_space<hbm>> -> memref<256xf32, #tpu.memory_space<hbm>>
      %dma_start3A_249 = tpu.memref_slice %arg6[%multiple_of3A_245] : memref<400000xf32, #tpu.memory_space<hbm>> -> memref<256xf32, #tpu.memory_space<hbm>>
      %dma_start3A_250 = tpu.memref_slice %arg11[%multiple_of3A_246] : memref<10288xf32, #tpu.memory_space<vmem>> -> memref<256xf32, #tpu.memory_space<vmem>>
      tpu.enqueue_dma source(%dma_start3A_250 : memref<256xf32, #tpu.memory_space<vmem>>) target(%dma_start3A_249 : memref<256xf32, #tpu.memory_space<hbm>>) target_semaphore(%arg17 : memref<!tpu.dma_semaphore, #tpu.memory_space<semaphore_mem>>)
      %dma_start3A_251 = tpu.memref_slice %arg12[%multiple_of3A_246] : memref<10288xf32, #tpu.memory_space<vmem>> -> memref<256xf32, #tpu.memory_space<vmem>>
      %dma_start3A_252 = tpu.memref_slice %arg7[%multiple_of3A_245] : memref<400000xf32, #tpu.memory_space<hbm>> -> memref<256xf32, #tpu.memory_space<hbm>>
      %dma_start3A_253 = tpu.memref_slice %arg7[%multiple_of3A_245] : memref<400000xf32, #tpu.memory_space<hbm>> -> memref<256xf32, #tpu.memory_space<hbm>>
      %dma_start3A_254 = tpu.memref_slice %arg12[%multiple_of3A_246] : memref<10288xf32, #tpu.memory_space<vmem>> -> memref<256xf32, #tpu.memory_space<vmem>>
      tpu.enqueue_dma source(%dma_start3A_254 : memref<256xf32, #tpu.memory_space<vmem>>) target(%dma_start3A_253 : memref<256xf32, #tpu.memory_space<hbm>>) target_semaphore(%arg18 : memref<!tpu.dma_semaphore, #tpu.memory_space<semaphore_mem>>)
      %dma_wait3A = tpu.memref_slice %arg11[%multiple_of3A_246] : memref<10288xf32, #tpu.memory_space<vmem>> -> memref<256xf32, #tpu.memory_space<vmem>>
      %dma_wait3A_255 = tpu.memref_slice %arg6[%multiple_of3A_245] : memref<400000xf32, #tpu.memory_space<hbm>> -> memref<256xf32, #tpu.memory_space<hbm>>
      %dma_wait3A_256 = tpu.memref_slice %arg6[%multiple_of3A_245] : memref<400000xf32, #tpu.memory_space<hbm>> -> memref<256xf32, #tpu.memory_space<hbm>>
      %dma_wait3A_257 = tpu.memref_slice %arg11[%multiple_of3A_246] : memref<10288xf32, #tpu.memory_space<vmem>> -> memref<256xf32, #tpu.memory_space<vmem>>
      tpu.wait_dma2 semaphore(%arg17 : memref<!tpu.dma_semaphore, #tpu.memory_space<semaphore_mem>>) src(%dma_wait3A_257 : memref<256xf32, #tpu.memory_space<vmem>>) dst(%dma_wait3A_256 : memref<256xf32, #tpu.memory_space<hbm>>)
      %dma_wait3A_258 = tpu.memref_slice %arg12[%multiple_of3A_246] : memref<10288xf32, #tpu.memory_space<vmem>> -> memref<256xf32, #tpu.memory_space<vmem>>
      %dma_wait3A_259 = tpu.memref_slice %arg7[%multiple_of3A_245] : memref<400000xf32, #tpu.memory_space<hbm>> -> memref<256xf32, #tpu.memory_space<hbm>>
      %dma_wait3A_260 = tpu.memref_slice %arg7[%multiple_of3A_245] : memref<400000xf32, #tpu.memory_space<hbm>> -> memref<256xf32, #tpu.memory_space<hbm>>
      %dma_wait3A_261 = tpu.memref_slice %arg12[%multiple_of3A_246] : memref<10288xf32, #tpu.memory_space<vmem>> -> memref<256xf32, #tpu.memory_space<vmem>>
      tpu.wait_dma2 semaphore(%arg18 : memref<!tpu.dma_semaphore, #tpu.memory_space<semaphore_mem>>) src(%dma_wait3A_261 : memref<256xf32, #tpu.memory_space<vmem>>) dst(%dma_wait3A_260 : memref<256xf32, #tpu.memory_space<hbm>>)
    } else {
    }
    %and3A_173 = arith.constant 256 : i32
    %and3A_174 = arith.andi %sub3A_136, %and3A_173 : i32
    %ne3A_175 = arith.constant 0 : i32
    %ne3A_176 = arith.cmpi ne, %and3A_174, %ne3A_175 : i32
    %jit3A_177 = arith.constant 256 : i32
    %jit3A_178 = arith.constant 0 : i32
    %select_n3A_179 = arith.select %ne3A_176, %jit3A_177, %jit3A_178 : i32
    %add3A_180 = arith.addi %add3A_165, %select_n3A_179 : i32
    %and3A_181 = arith.constant 128 : i32
    %and3A_182 = arith.andi %sub3A_136, %and3A_181 : i32
    %ne3A_183 = arith.constant 0 : i32
    %ne3A_184 = arith.cmpi ne, %and3A_182, %ne3A_183 : i32
    %convert_element_type3A_185 = arith.extui %ne3A_184 : i1 to i32
    %cond3A_186 = arith.constant 0 : i32
    %cond3A_187 = arith.cmpi ne, %convert_element_type3A_185, %cond3A_186 : i32
    scf.if %cond3A_187 {
      %mul3A_241 = arith.constant 2048 : i32
      %mul3A_242 = arith.muli %while3A_114, %mul3A_241 : i32
      %add3A_243 = arith.addi %and3A_63, %mul3A_242 : i32
      %add3A_244 = arith.addi %add3A_243, %add3A_180 : i32
      %multiple_of3A_245 = tpu.assume_multiple %add3A_244, 16 : i32
      %multiple_of3A_246 = tpu.assume_multiple %add3A_180, 16 : i32
      %dma_start3A_247 = tpu.memref_slice %arg11[%multiple_of3A_246] : memref<10288xf32, #tpu.memory_space<vmem>> -> memref<128xf32, #tpu.memory_space<vmem>>
      %dma_start3A_248 = tpu.memref_slice %arg6[%multiple_of3A_245] : memref<400000xf32, #tpu.memory_space<hbm>> -> memref<128xf32, #tpu.memory_space<hbm>>
      %dma_start3A_249 = tpu.memref_slice %arg6[%multiple_of3A_245] : memref<400000xf32, #tpu.memory_space<hbm>> -> memref<128xf32, #tpu.memory_space<hbm>>
      %dma_start3A_250 = tpu.memref_slice %arg11[%multiple_of3A_246] : memref<10288xf32, #tpu.memory_space<vmem>> -> memref<128xf32, #tpu.memory_space<vmem>>
      tpu.enqueue_dma source(%dma_start3A_250 : memref<128xf32, #tpu.memory_space<vmem>>) target(%dma_start3A_249 : memref<128xf32, #tpu.memory_space<hbm>>) target_semaphore(%arg17 : memref<!tpu.dma_semaphore, #tpu.memory_space<semaphore_mem>>)
      %dma_start3A_251 = tpu.memref_slice %arg12[%multiple_of3A_246] : memref<10288xf32, #tpu.memory_space<vmem>> -> memref<128xf32, #tpu.memory_space<vmem>>
      %dma_start3A_252 = tpu.memref_slice %arg7[%multiple_of3A_245] : memref<400000xf32, #tpu.memory_space<hbm>> -> memref<128xf32, #tpu.memory_space<hbm>>
      %dma_start3A_253 = tpu.memref_slice %arg7[%multiple_of3A_245] : memref<400000xf32, #tpu.memory_space<hbm>> -> memref<128xf32, #tpu.memory_space<hbm>>
      %dma_start3A_254 = tpu.memref_slice %arg12[%multiple_of3A_246] : memref<10288xf32, #tpu.memory_space<vmem>> -> memref<128xf32, #tpu.memory_space<vmem>>
      tpu.enqueue_dma source(%dma_start3A_254 : memref<128xf32, #tpu.memory_space<vmem>>) target(%dma_start3A_253 : memref<128xf32, #tpu.memory_space<hbm>>) target_semaphore(%arg18 : memref<!tpu.dma_semaphore, #tpu.memory_space<semaphore_mem>>)
      %dma_wait3A = tpu.memref_slice %arg11[%multiple_of3A_246] : memref<10288xf32, #tpu.memory_space<vmem>> -> memref<128xf32, #tpu.memory_space<vmem>>
      %dma_wait3A_255 = tpu.memref_slice %arg6[%multiple_of3A_245] : memref<400000xf32, #tpu.memory_space<hbm>> -> memref<128xf32, #tpu.memory_space<hbm>>
      %dma_wait3A_256 = tpu.memref_slice %arg6[%multiple_of3A_245] : memref<400000xf32, #tpu.memory_space<hbm>> -> memref<128xf32, #tpu.memory_space<hbm>>
      %dma_wait3A_257 = tpu.memref_slice %arg11[%multiple_of3A_246] : memref<10288xf32, #tpu.memory_space<vmem>> -> memref<128xf32, #tpu.memory_space<vmem>>
      tpu.wait_dma2 semaphore(%arg17 : memref<!tpu.dma_semaphore, #tpu.memory_space<semaphore_mem>>) src(%dma_wait3A_257 : memref<128xf32, #tpu.memory_space<vmem>>) dst(%dma_wait3A_256 : memref<128xf32, #tpu.memory_space<hbm>>)
      %dma_wait3A_258 = tpu.memref_slice %arg12[%multiple_of3A_246] : memref<10288xf32, #tpu.memory_space<vmem>> -> memref<128xf32, #tpu.memory_space<vmem>>
      %dma_wait3A_259 = tpu.memref_slice %arg7[%multiple_of3A_245] : memref<400000xf32, #tpu.memory_space<hbm>> -> memref<128xf32, #tpu.memory_space<hbm>>
      %dma_wait3A_260 = tpu.memref_slice %arg7[%multiple_of3A_245] : memref<400000xf32, #tpu.memory_space<hbm>> -> memref<128xf32, #tpu.memory_space<hbm>>
      %dma_wait3A_261 = tpu.memref_slice %arg12[%multiple_of3A_246] : memref<10288xf32, #tpu.memory_space<vmem>> -> memref<128xf32, #tpu.memory_space<vmem>>
      tpu.wait_dma2 semaphore(%arg18 : memref<!tpu.dma_semaphore, #tpu.memory_space<semaphore_mem>>) src(%dma_wait3A_261 : memref<128xf32, #tpu.memory_space<vmem>>) dst(%dma_wait3A_260 : memref<128xf32, #tpu.memory_space<hbm>>)
    } else {
    }
    %and3A_188 = arith.constant 128 : i32
    %and3A_189 = arith.andi %sub3A_136, %and3A_188 : i32
    %ne3A_190 = arith.constant 0 : i32
    %ne3A_191 = arith.cmpi ne, %and3A_189, %ne3A_190 : i32
    %jit3A_192 = arith.constant 128 : i32
    %jit3A_193 = arith.constant 0 : i32
    %select_n3A_194 = arith.select %ne3A_191, %jit3A_192, %jit3A_193 : i32
    %add3A_195 = arith.addi %add3A_180, %select_n3A_194 : i32
    %and3A_196 = arith.constant 64 : i32
    %and3A_197 = arith.andi %sub3A_136, %and3A_196 : i32
    %ne3A_198 = arith.constant 0 : i32
    %ne3A_199 = arith.cmpi ne, %and3A_197, %ne3A_198 : i32
    %convert_element_type3A_200 = arith.extui %ne3A_199 : i1 to i32
    %cond3A_201 = arith.constant 0 : i32
    %cond3A_202 = arith.cmpi ne, %convert_element_type3A_200, %cond3A_201 : i32
    scf.if %cond3A_202 {
      %mul3A_241 = arith.constant 2048 : i32
      %mul3A_242 = arith.muli %while3A_114, %mul3A_241 : i32
      %add3A_243 = arith.addi %and3A_63, %mul3A_242 : i32
      %add3A_244 = arith.addi %add3A_243, %add3A_195 : i32
      %multiple_of3A_245 = tpu.assume_multiple %add3A_244, 16 : i32
      %multiple_of3A_246 = tpu.assume_multiple %add3A_195, 16 : i32
      %dma_start3A_247 = tpu.memref_slice %arg11[%multiple_of3A_246] : memref<10288xf32, #tpu.memory_space<vmem>> -> memref<64xf32, #tpu.memory_space<vmem>>
      %dma_start3A_248 = tpu.memref_slice %arg6[%multiple_of3A_245] : memref<400000xf32, #tpu.memory_space<hbm>> -> memref<64xf32, #tpu.memory_space<hbm>>
      %dma_start3A_249 = tpu.memref_slice %arg6[%multiple_of3A_245] : memref<400000xf32, #tpu.memory_space<hbm>> -> memref<64xf32, #tpu.memory_space<hbm>>
      %dma_start3A_250 = tpu.memref_slice %arg11[%multiple_of3A_246] : memref<10288xf32, #tpu.memory_space<vmem>> -> memref<64xf32, #tpu.memory_space<vmem>>
      tpu.enqueue_dma source(%dma_start3A_250 : memref<64xf32, #tpu.memory_space<vmem>>) target(%dma_start3A_249 : memref<64xf32, #tpu.memory_space<hbm>>) target_semaphore(%arg17 : memref<!tpu.dma_semaphore, #tpu.memory_space<semaphore_mem>>)
      %dma_start3A_251 = tpu.memref_slice %arg12[%multiple_of3A_246] : memref<10288xf32, #tpu.memory_space<vmem>> -> memref<64xf32, #tpu.memory_space<vmem>>
      %dma_start3A_252 = tpu.memref_slice %arg7[%multiple_of3A_245] : memref<400000xf32, #tpu.memory_space<hbm>> -> memref<64xf32, #tpu.memory_space<hbm>>
      %dma_start3A_253 = tpu.memref_slice %arg7[%multiple_of3A_245] : memref<400000xf32, #tpu.memory_space<hbm>> -> memref<64xf32, #tpu.memory_space<hbm>>
      %dma_start3A_254 = tpu.memref_slice %arg12[%multiple_of3A_246] : memref<10288xf32, #tpu.memory_space<vmem>> -> memref<64xf32, #tpu.memory_space<vmem>>
      tpu.enqueue_dma source(%dma_start3A_254 : memref<64xf32, #tpu.memory_space<vmem>>) target(%dma_start3A_253 : memref<64xf32, #tpu.memory_space<hbm>>) target_semaphore(%arg18 : memref<!tpu.dma_semaphore, #tpu.memory_space<semaphore_mem>>)
      %dma_wait3A = tpu.memref_slice %arg11[%multiple_of3A_246] : memref<10288xf32, #tpu.memory_space<vmem>> -> memref<64xf32, #tpu.memory_space<vmem>>
      %dma_wait3A_255 = tpu.memref_slice %arg6[%multiple_of3A_245] : memref<400000xf32, #tpu.memory_space<hbm>> -> memref<64xf32, #tpu.memory_space<hbm>>
      %dma_wait3A_256 = tpu.memref_slice %arg6[%multiple_of3A_245] : memref<400000xf32, #tpu.memory_space<hbm>> -> memref<64xf32, #tpu.memory_space<hbm>>
      %dma_wait3A_257 = tpu.memref_slice %arg11[%multiple_of3A_246] : memref<10288xf32, #tpu.memory_space<vmem>> -> memref<64xf32, #tpu.memory_space<vmem>>
      tpu.wait_dma2 semaphore(%arg17 : memref<!tpu.dma_semaphore, #tpu.memory_space<semaphore_mem>>) src(%dma_wait3A_257 : memref<64xf32, #tpu.memory_space<vmem>>) dst(%dma_wait3A_256 : memref<64xf32, #tpu.memory_space<hbm>>)
      %dma_wait3A_258 = tpu.memref_slice %arg12[%multiple_of3A_246] : memref<10288xf32, #tpu.memory_space<vmem>> -> memref<64xf32, #tpu.memory_space<vmem>>
      %dma_wait3A_259 = tpu.memref_slice %arg7[%multiple_of3A_245] : memref<400000xf32, #tpu.memory_space<hbm>> -> memref<64xf32, #tpu.memory_space<hbm>>
      %dma_wait3A_260 = tpu.memref_slice %arg7[%multiple_of3A_245] : memref<400000xf32, #tpu.memory_space<hbm>> -> memref<64xf32, #tpu.memory_space<hbm>>
      %dma_wait3A_261 = tpu.memref_slice %arg12[%multiple_of3A_246] : memref<10288xf32, #tpu.memory_space<vmem>> -> memref<64xf32, #tpu.memory_space<vmem>>
      tpu.wait_dma2 semaphore(%arg18 : memref<!tpu.dma_semaphore, #tpu.memory_space<semaphore_mem>>) src(%dma_wait3A_261 : memref<64xf32, #tpu.memory_space<vmem>>) dst(%dma_wait3A_260 : memref<64xf32, #tpu.memory_space<hbm>>)
    } else {
    }
    %and3A_203 = arith.constant 64 : i32
    %and3A_204 = arith.andi %sub3A_136, %and3A_203 : i32
    %ne3A_205 = arith.constant 0 : i32
    %ne3A_206 = arith.cmpi ne, %and3A_204, %ne3A_205 : i32
    %jit3A_207 = arith.constant 64 : i32
    %jit3A_208 = arith.constant 0 : i32
    %select_n3A_209 = arith.select %ne3A_206, %jit3A_207, %jit3A_208 : i32
    %add3A_210 = arith.addi %add3A_195, %select_n3A_209 : i32
    %and3A_211 = arith.constant 32 : i32
    %and3A_212 = arith.andi %sub3A_136, %and3A_211 : i32
    %ne3A_213 = arith.constant 0 : i32
    %ne3A_214 = arith.cmpi ne, %and3A_212, %ne3A_213 : i32
    %convert_element_type3A_215 = arith.extui %ne3A_214 : i1 to i32
    %cond3A_216 = arith.constant 0 : i32
    %cond3A_217 = arith.cmpi ne, %convert_element_type3A_215, %cond3A_216 : i32
    scf.if %cond3A_217 {
      %mul3A_241 = arith.constant 2048 : i32
      %mul3A_242 = arith.muli %while3A_114, %mul3A_241 : i32
      %add3A_243 = arith.addi %and3A_63, %mul3A_242 : i32
      %add3A_244 = arith.addi %add3A_243, %add3A_210 : i32
      %multiple_of3A_245 = tpu.assume_multiple %add3A_244, 16 : i32
      %multiple_of3A_246 = tpu.assume_multiple %add3A_210, 16 : i32
      %dma_start3A_247 = tpu.memref_slice %arg11[%multiple_of3A_246] : memref<10288xf32, #tpu.memory_space<vmem>> -> memref<32xf32, #tpu.memory_space<vmem>>
      %dma_start3A_248 = tpu.memref_slice %arg6[%multiple_of3A_245] : memref<400000xf32, #tpu.memory_space<hbm>> -> memref<32xf32, #tpu.memory_space<hbm>>
      %dma_start3A_249 = tpu.memref_slice %arg6[%multiple_of3A_245] : memref<400000xf32, #tpu.memory_space<hbm>> -> memref<32xf32, #tpu.memory_space<hbm>>
      %dma_start3A_250 = tpu.memref_slice %arg11[%multiple_of3A_246] : memref<10288xf32, #tpu.memory_space<vmem>> -> memref<32xf32, #tpu.memory_space<vmem>>
      tpu.enqueue_dma source(%dma_start3A_250 : memref<32xf32, #tpu.memory_space<vmem>>) target(%dma_start3A_249 : memref<32xf32, #tpu.memory_space<hbm>>) target_semaphore(%arg17 : memref<!tpu.dma_semaphore, #tpu.memory_space<semaphore_mem>>)
      %dma_start3A_251 = tpu.memref_slice %arg12[%multiple_of3A_246] : memref<10288xf32, #tpu.memory_space<vmem>> -> memref<32xf32, #tpu.memory_space<vmem>>
      %dma_start3A_252 = tpu.memref_slice %arg7[%multiple_of3A_245] : memref<400000xf32, #tpu.memory_space<hbm>> -> memref<32xf32, #tpu.memory_space<hbm>>
      %dma_start3A_253 = tpu.memref_slice %arg7[%multiple_of3A_245] : memref<400000xf32, #tpu.memory_space<hbm>> -> memref<32xf32, #tpu.memory_space<hbm>>
      %dma_start3A_254 = tpu.memref_slice %arg12[%multiple_of3A_246] : memref<10288xf32, #tpu.memory_space<vmem>> -> memref<32xf32, #tpu.memory_space<vmem>>
      tpu.enqueue_dma source(%dma_start3A_254 : memref<32xf32, #tpu.memory_space<vmem>>) target(%dma_start3A_253 : memref<32xf32, #tpu.memory_space<hbm>>) target_semaphore(%arg18 : memref<!tpu.dma_semaphore, #tpu.memory_space<semaphore_mem>>)
      %dma_wait3A = tpu.memref_slice %arg11[%multiple_of3A_246] : memref<10288xf32, #tpu.memory_space<vmem>> -> memref<32xf32, #tpu.memory_space<vmem>>
      %dma_wait3A_255 = tpu.memref_slice %arg6[%multiple_of3A_245] : memref<400000xf32, #tpu.memory_space<hbm>> -> memref<32xf32, #tpu.memory_space<hbm>>
      %dma_wait3A_256 = tpu.memref_slice %arg6[%multiple_of3A_245] : memref<400000xf32, #tpu.memory_space<hbm>> -> memref<32xf32, #tpu.memory_space<hbm>>
      %dma_wait3A_257 = tpu.memref_slice %arg11[%multiple_of3A_246] : memref<10288xf32, #tpu.memory_space<vmem>> -> memref<32xf32, #tpu.memory_space<vmem>>
      tpu.wait_dma2 semaphore(%arg17 : memref<!tpu.dma_semaphore, #tpu.memory_space<semaphore_mem>>) src(%dma_wait3A_257 : memref<32xf32, #tpu.memory_space<vmem>>) dst(%dma_wait3A_256 : memref<32xf32, #tpu.memory_space<hbm>>)
      %dma_wait3A_258 = tpu.memref_slice %arg12[%multiple_of3A_246] : memref<10288xf32, #tpu.memory_space<vmem>> -> memref<32xf32, #tpu.memory_space<vmem>>
      %dma_wait3A_259 = tpu.memref_slice %arg7[%multiple_of3A_245] : memref<400000xf32, #tpu.memory_space<hbm>> -> memref<32xf32, #tpu.memory_space<hbm>>
      %dma_wait3A_260 = tpu.memref_slice %arg7[%multiple_of3A_245] : memref<400000xf32, #tpu.memory_space<hbm>> -> memref<32xf32, #tpu.memory_space<hbm>>
      %dma_wait3A_261 = tpu.memref_slice %arg12[%multiple_of3A_246] : memref<10288xf32, #tpu.memory_space<vmem>> -> memref<32xf32, #tpu.memory_space<vmem>>
      tpu.wait_dma2 semaphore(%arg18 : memref<!tpu.dma_semaphore, #tpu.memory_space<semaphore_mem>>) src(%dma_wait3A_261 : memref<32xf32, #tpu.memory_space<vmem>>) dst(%dma_wait3A_260 : memref<32xf32, #tpu.memory_space<hbm>>)
    } else {
    }
    %and3A_218 = arith.constant 32 : i32
    %and3A_219 = arith.andi %sub3A_136, %and3A_218 : i32
    %ne3A_220 = arith.constant 0 : i32
    %ne3A_221 = arith.cmpi ne, %and3A_219, %ne3A_220 : i32
    %jit3A_222 = arith.constant 32 : i32
    %jit3A_223 = arith.constant 0 : i32
    %select_n3A_224 = arith.select %ne3A_221, %jit3A_222, %jit3A_223 : i32
    %add3A_225 = arith.addi %add3A_210, %select_n3A_224 : i32
    %and3A_226 = arith.constant 16 : i32
    %and3A_227 = arith.andi %sub3A_136, %and3A_226 : i32
    %ne3A_228 = arith.constant 0 : i32
    %ne3A_229 = arith.cmpi ne, %and3A_227, %ne3A_228 : i32
    %convert_element_type3A_230 = arith.extui %ne3A_229 : i1 to i32
    %cond3A_231 = arith.constant 0 : i32
    %cond3A_232 = arith.cmpi ne, %convert_element_type3A_230, %cond3A_231 : i32
    scf.if %cond3A_232 {
      %mul3A_241 = arith.constant 2048 : i32
      %mul3A_242 = arith.muli %while3A_114, %mul3A_241 : i32
      %add3A_243 = arith.addi %and3A_63, %mul3A_242 : i32
      %add3A_244 = arith.addi %add3A_243, %add3A_225 : i32
      %multiple_of3A_245 = tpu.assume_multiple %add3A_244, 16 : i32
      %multiple_of3A_246 = tpu.assume_multiple %add3A_225, 16 : i32
      %dma_start3A_247 = tpu.memref_slice %arg11[%multiple_of3A_246] : memref<10288xf32, #tpu.memory_space<vmem>> -> memref<16xf32, #tpu.memory_space<vmem>>
      %dma_start3A_248 = tpu.memref_slice %arg6[%multiple_of3A_245] : memref<400000xf32, #tpu.memory_space<hbm>> -> memref<16xf32, #tpu.memory_space<hbm>>
      %dma_start3A_249 = tpu.memref_slice %arg6[%multiple_of3A_245] : memref<400000xf32, #tpu.memory_space<hbm>> -> memref<16xf32, #tpu.memory_space<hbm>>
      %dma_start3A_250 = tpu.memref_slice %arg11[%multiple_of3A_246] : memref<10288xf32, #tpu.memory_space<vmem>> -> memref<16xf32, #tpu.memory_space<vmem>>
      tpu.enqueue_dma source(%dma_start3A_250 : memref<16xf32, #tpu.memory_space<vmem>>) target(%dma_start3A_249 : memref<16xf32, #tpu.memory_space<hbm>>) target_semaphore(%arg17 : memref<!tpu.dma_semaphore, #tpu.memory_space<semaphore_mem>>)
      %dma_start3A_251 = tpu.memref_slice %arg12[%multiple_of3A_246] : memref<10288xf32, #tpu.memory_space<vmem>> -> memref<16xf32, #tpu.memory_space<vmem>>
      %dma_start3A_252 = tpu.memref_slice %arg7[%multiple_of3A_245] : memref<400000xf32, #tpu.memory_space<hbm>> -> memref<16xf32, #tpu.memory_space<hbm>>
      %dma_start3A_253 = tpu.memref_slice %arg7[%multiple_of3A_245] : memref<400000xf32, #tpu.memory_space<hbm>> -> memref<16xf32, #tpu.memory_space<hbm>>
      %dma_start3A_254 = tpu.memref_slice %arg12[%multiple_of3A_246] : memref<10288xf32, #tpu.memory_space<vmem>> -> memref<16xf32, #tpu.memory_space<vmem>>
      tpu.enqueue_dma source(%dma_start3A_254 : memref<16xf32, #tpu.memory_space<vmem>>) target(%dma_start3A_253 : memref<16xf32, #tpu.memory_space<hbm>>) target_semaphore(%arg18 : memref<!tpu.dma_semaphore, #tpu.memory_space<semaphore_mem>>)
      %dma_wait3A = tpu.memref_slice %arg11[%multiple_of3A_246] : memref<10288xf32, #tpu.memory_space<vmem>> -> memref<16xf32, #tpu.memory_space<vmem>>
      %dma_wait3A_255 = tpu.memref_slice %arg6[%multiple_of3A_245] : memref<400000xf32, #tpu.memory_space<hbm>> -> memref<16xf32, #tpu.memory_space<hbm>>
      %dma_wait3A_256 = tpu.memref_slice %arg6[%multiple_of3A_245] : memref<400000xf32, #tpu.memory_space<hbm>> -> memref<16xf32, #tpu.memory_space<hbm>>
      %dma_wait3A_257 = tpu.memref_slice %arg11[%multiple_of3A_246] : memref<10288xf32, #tpu.memory_space<vmem>> -> memref<16xf32, #tpu.memory_space<vmem>>
      tpu.wait_dma2 semaphore(%arg17 : memref<!tpu.dma_semaphore, #tpu.memory_space<semaphore_mem>>) src(%dma_wait3A_257 : memref<16xf32, #tpu.memory_space<vmem>>) dst(%dma_wait3A_256 : memref<16xf32, #tpu.memory_space<hbm>>)
      %dma_wait3A_258 = tpu.memref_slice %arg12[%multiple_of3A_246] : memref<10288xf32, #tpu.memory_space<vmem>> -> memref<16xf32, #tpu.memory_space<vmem>>
      %dma_wait3A_259 = tpu.memref_slice %arg7[%multiple_of3A_245] : memref<400000xf32, #tpu.memory_space<hbm>> -> memref<16xf32, #tpu.memory_space<hbm>>
      %dma_wait3A_260 = tpu.memref_slice %arg7[%multiple_of3A_245] : memref<400000xf32, #tpu.memory_space<hbm>> -> memref<16xf32, #tpu.memory_space<hbm>>
      %dma_wait3A_261 = tpu.memref_slice %arg12[%multiple_of3A_246] : memref<10288xf32, #tpu.memory_space<vmem>> -> memref<16xf32, #tpu.memory_space<vmem>>
      tpu.wait_dma2 semaphore(%arg18 : memref<!tpu.dma_semaphore, #tpu.memory_space<semaphore_mem>>) src(%dma_wait3A_261 : memref<16xf32, #tpu.memory_space<vmem>>) dst(%dma_wait3A_260 : memref<16xf32, #tpu.memory_space<hbm>>)
    } else {
    }
    %and3A_233 = arith.constant 16 : i32
    %and3A_234 = arith.andi %sub3A_136, %and3A_233 : i32
    %ne3A_235 = arith.constant 0 : i32
    %ne3A_236 = arith.cmpi ne, %and3A_234, %ne3A_235 : i32
    %jit3A_237 = arith.constant 16 : i32
    %jit3A_238 = arith.constant 0 : i32
    %select_n3A_239 = arith.select %ne3A_236, %jit3A_237, %jit3A_238 : i32
    %add3A_240 = arith.addi %add3A_225, %select_n3A_239 : i32
    return
  }
}

module attributes {stable_mosaic.version = 14 : i64} {
  func.func @_fft_body(%arg0: i32, %arg1: memref<1x1024x1024xf32, #tpu.memory_space<vmem>>, %arg2: memref<1x1024x513xi32, #tpu.memory_space<vmem>>, %arg3: memref<1024x640xf32, #tpu.memory_space<vmem>>, %arg4: memref<1024x640xf32, #tpu.memory_space<vmem>>, %arg5: memref<1024x1024xf32, #tpu.memory_space<vmem>>, %arg6: memref<1024x1024xf32, #tpu.memory_space<vmem>>, %arg7: memref<1024x1024xf32, #tpu.memory_space<vmem>>, %arg8: memref<1x1024x513xf32, #tpu.memory_space<vmem>>, %arg9: memref<1x1024x513xf32, #tpu.memory_space<vmem>>, %arg10: memref<1x1x8xi32, #tpu.memory_space<vmem>>) attributes {dimension_semantics = [#tpu.dimension_semantics<arbitrary>], iteration_bounds = array<i64: 8>, scalar_prefetch = 0 : i64, scratch_operands = 0 : i64, tpu.core_type = #tpu.core_type<tc>, window_params = [{transform_indices = @transform_0, window_bounds = array<i64: 1, 1024, 1024>}, {transform_indices = @transform_1, window_bounds = array<i64: 1, 1024, 513>}, {pipeline_mode = #tpu.pipeline_mode<synchronous>, transform_indices = @transform_2, window_bounds = array<i64: 1024, 640>}, {pipeline_mode = #tpu.pipeline_mode<synchronous>, transform_indices = @transform_3, window_bounds = array<i64: 1024, 640>}, {pipeline_mode = #tpu.pipeline_mode<synchronous>, transform_indices = @transform_4, window_bounds = array<i64: 1024, 1024>}, {pipeline_mode = #tpu.pipeline_mode<synchronous>, transform_indices = @transform_5, window_bounds = array<i64: 1024, 1024>}, {pipeline_mode = #tpu.pipeline_mode<synchronous>, transform_indices = @transform_6, window_bounds = array<i64: 1024, 1024>}, {transform_indices = @transform_7, window_bounds = array<i64: 1, 1024, 513>}, {transform_indices = @transform_8, window_bounds = array<i64: 1, 1024, 513>}, {transform_indices = @transform_9, window_bounds = array<i64: 1, 1, 8>}]} {
    %get3A = arith.constant 0 : index
    %get3A_0 = arith.constant 0 : index
    %get3A_1 = arith.constant 0 : index
    %get3A_2 = vector.load %arg1[%get3A, %get3A_0, %get3A_1] : memref<1x1024x1024xf32, #tpu.memory_space<vmem>>, vector<1x1024x1024xf32>
    %get3A_3 = vector.shape_cast %get3A_2 : vector<1x1024x1024xf32> to vector<1024x1024xf32>
    %get3A_4 = arith.constant 0 : index
    %get3A_5 = arith.constant 0 : index
    %get3A_6 = vector.load %arg3[%get3A_4, %get3A_5] : memref<1024x640xf32, #tpu.memory_space<vmem>>, vector<1024x640xf32>
    %dot_general3A = arith.constant dense<0.000000e+00> : vector<1024x640xf32>
    %dot_general3A_7 = tpu.matmul %get3A_3, %get3A_6, %dot_general3A {dimension_numbers = #tpu.dot_dimension_numbers<[1], [0], [0], [1], [0, 0, 1, 1], [], []>, transpose_lhs_hint = false} : vector<1024x1024xf32>, vector<1024x640xf32>, vector<1024x640xf32> -> vector<1024x640xf32>
    %get3A_8 = arith.constant 0 : index
    %get3A_9 = arith.constant 0 : index
    %get3A_10 = vector.load %arg4[%get3A_8, %get3A_9] : memref<1024x640xf32, #tpu.memory_space<vmem>>, vector<1024x640xf32>
    %dot_general3A_11 = arith.constant dense<0.000000e+00> : vector<1024x640xf32>
    %dot_general3A_12 = tpu.matmul %get3A_3, %get3A_10, %dot_general3A_11 {dimension_numbers = #tpu.dot_dimension_numbers<[1], [0], [0], [1], [0, 0, 1, 1], [], []>, transpose_lhs_hint = false} : vector<1024x1024xf32>, vector<1024x640xf32>, vector<1024x640xf32> -> vector<1024x640xf32>
    %neg3A = arith.constant 0.000000e+00 : f32
    %neg3A_13 = vector.broadcast %neg3A : f32 to vector<1024x640xf32>
    %neg3A_14 = arith.subf %neg3A_13, %dot_general3A_12 : vector<1024x640xf32>
    %get3A_15 = arith.constant 0 : index
    %get3A_16 = arith.constant 0 : index
    %get3A_17 = vector.load %arg7[%get3A_15, %get3A_16] : memref<1024x1024xf32, #tpu.memory_space<vmem>>, vector<1024x1024xf32>
    %add3A = arith.addf %dot_general3A_7, %neg3A_14 : vector<1024x640xf32>
    %dot_general3A_18 = arith.constant dense<0.000000e+00> : vector<1024x640xf32>
    %dot_general3A_19 = tpu.matmul %get3A_17, %add3A, %dot_general3A_18 {dimension_numbers = #tpu.dot_dimension_numbers<[1], [0], [0], [1], [0, 0, 1, 1], [], []>, transpose_lhs_hint = false} : vector<1024x1024xf32>, vector<1024x640xf32>, vector<1024x640xf32> -> vector<1024x640xf32>
    %get3A_20 = arith.constant 0 : index
    %get3A_21 = arith.constant 0 : index
    %get3A_22 = vector.load %arg5[%get3A_20, %get3A_21] : memref<1024x1024xf32, #tpu.memory_space<vmem>>, vector<1024x1024xf32>
    %dot_general3A_23 = arith.constant dense<0.000000e+00> : vector<1024x640xf32>
    %dot_general3A_24 = tpu.matmul %get3A_22, %neg3A_14, %dot_general3A_23 {dimension_numbers = #tpu.dot_dimension_numbers<[1], [0], [0], [1], [0, 0, 1, 1], [], []>, transpose_lhs_hint = false} : vector<1024x1024xf32>, vector<1024x640xf32>, vector<1024x640xf32> -> vector<1024x640xf32>
    %get3A_25 = arith.constant 0 : index
    %get3A_26 = arith.constant 0 : index
    %get3A_27 = vector.load %arg6[%get3A_25, %get3A_26] : memref<1024x1024xf32, #tpu.memory_space<vmem>>, vector<1024x1024xf32>
    %dot_general3A_28 = arith.constant dense<0.000000e+00> : vector<1024x640xf32>
    %dot_general3A_29 = tpu.matmul %get3A_27, %dot_general3A_7, %dot_general3A_28 {dimension_numbers = #tpu.dot_dimension_numbers<[1], [0], [0], [1], [0, 0, 1, 1], [], []>, transpose_lhs_hint = false} : vector<1024x1024xf32>, vector<1024x640xf32>, vector<1024x640xf32> -> vector<1024x640xf32>
    %sub3A = arith.subf %dot_general3A_19, %dot_general3A_24 : vector<1024x640xf32>
    %sub3A_30 = arith.subf %sub3A, %dot_general3A_29 : vector<1024x640xf32>
    %slice3A = vector.extract_strided_slice %sub3A_30 {offsets = [0, 0], sizes = [1024, 513], strides = [1, 1]} : vector<1024x640xf32> to vector<1024x513xf32>
    %mul3A = arith.constant 2.500000e-05 : f32
    %mul3A_31 = vector.broadcast %mul3A : f32 to vector<1024x513xf32>
    %mul3A_32 = arith.mulf %mul3A_31, %slice3A : vector<1024x513xf32>
    %swap3A = arith.constant 0 : index
    %swap3A_33 = arith.constant 0 : index
    %swap3A_34 = arith.constant 0 : index
    %swap3A_35 = vector.load %arg8[%swap3A, %swap3A_33, %swap3A_34] : memref<1x1024x513xf32, #tpu.memory_space<vmem>>, vector<1x1024x513xf32>
    %swap3A_36 = vector.shape_cast %swap3A_35 : vector<1x1024x513xf32> to vector<1024x513xf32>
    %swap3A_37 = vector.shape_cast %mul3A_32 : vector<1024x513xf32> to vector<1x1024x513xf32>
    tpu.vector_store %arg8[%swap3A, %swap3A_33, %swap3A_34], %swap3A_37 {strides = array<i32>} : memref<1x1024x513xf32, #tpu.memory_space<vmem>>, vector<1x1024x513xf32>,
    %sub3A_38 = arith.subf %dot_general3A_24, %dot_general3A_29 : vector<1024x640xf32>
    %slice3A_39 = vector.extract_strided_slice %sub3A_38 {offsets = [0, 0], sizes = [1024, 513], strides = [1, 1]} : vector<1024x640xf32> to vector<1024x513xf32>
    %mul3A_40 = arith.constant 2.500000e-05 : f32
    %mul3A_41 = vector.broadcast %mul3A_40 : f32 to vector<1024x513xf32>
    %mul3A_42 = arith.mulf %mul3A_41, %slice3A_39 : vector<1024x513xf32>
    %swap3A_43 = arith.constant 0 : index
    %swap3A_44 = arith.constant 0 : index
    %swap3A_45 = arith.constant 0 : index
    %swap3A_46 = vector.load %arg9[%swap3A_43, %swap3A_44, %swap3A_45] : memref<1x1024x513xf32, #tpu.memory_space<vmem>>, vector<1x1024x513xf32>
    %swap3A_47 = vector.shape_cast %swap3A_46 : vector<1x1024x513xf32> to vector<1024x513xf32>
    %swap3A_48 = vector.shape_cast %mul3A_42 : vector<1024x513xf32> to vector<1x1024x513xf32>
    tpu.vector_store %arg9[%swap3A_43, %swap3A_44, %swap3A_45], %swap3A_48 {strides = array<i32>} : memref<1x1024x513xf32, #tpu.memory_space<vmem>>, vector<1x1024x513xf32>,
    %get3A_49 = arith.constant 0 : index
    %get3A_50 = arith.constant 0 : index
    %get3A_51 = arith.constant 0 : index
    %get3A_52 = vector.load %arg2[%get3A_49, %get3A_50, %get3A_51] : memref<1x1024x513xi32, #tpu.memory_space<vmem>>, vector<1x1024x513xi32>
    %get3A_53 = vector.shape_cast %get3A_52 : vector<1x1024x513xi32> to vector<1024x513xi32>
    %reshape3A = vector.shape_cast %get3A_53 : vector<1024x513xi32> to vector<4x256x513xi32>
    %reduce_sum3A = arith.constant dense<0> : vector<4xi32>
    %reduce_sum3A_54 = vector.multi_reduction <add>, %reshape3A, %reduce_sum3A [1, 2] : vector<4x256x513xi32> to vector<4xi32>
    %broadcast_in_dim3A = arith.constant 0 : i32
    %broadcast_in_dim3A_55 = vector.broadcast %broadcast_in_dim3A : i32 to vector<4xi32>
    %concatenate3A = tpu.concatenate %reduce_sum3A_54, %broadcast_in_dim3A_55 in 0 : vector<4xi32>, vector<4xi32> -> vector<8xi32>
    %swap3A_56 = arith.constant 0 : index
    %swap3A_57 = arith.constant 0 : index
    %swap3A_58 = arith.constant 0 : index
    %swap3A_59 = vector.load %arg10[%swap3A_56, %swap3A_57, %swap3A_58] : memref<1x1x8xi32, #tpu.memory_space<vmem>>, vector<1x1x8xi32>
    %swap3A_60 = vector.shape_cast %swap3A_59 : vector<1x1x8xi32> to vector<8xi32>
    %swap3A_61 = vector.shape_cast %concatenate3A : vector<8xi32> to vector<1x1x8xi32>
    tpu.vector_store %arg10[%swap3A_56, %swap3A_57, %swap3A_58], %swap3A_61 {strides = array<i32>} : memref<1x1x8xi32, #tpu.memory_space<vmem>>, vector<1x1x8xi32>,
    return
  }
  func.func @transform_0(%arg0: i32) -> (i32, i32, i32) {
    %c0_i32 = arith.constant 0 : i32
    %c0_i32_0 = arith.constant 0 : i32
    %c0_i32_1 = arith.constant 0 : i32
    return %arg0, %c0_i32, %c0_i32_0 : i32, i32, i32
  }
  func.func @transform_1(%arg0: i32) -> (i32, i32, i32) {
    %c0_i32 = arith.constant 0 : i32
    %c0_i32_0 = arith.constant 0 : i32
    %c0_i32_1 = arith.constant 0 : i32
    return %arg0, %c0_i32, %c0_i32_0 : i32, i32, i32
  }
  func.func @transform_2(%arg0: i32) -> (i32, i32) {
    %c0_i32 = arith.constant 0 : i32
    %c0_i32_0 = arith.constant 0 : i32
    %c0_i32_1 = arith.constant 0 : i32
    return %c0_i32, %c0_i32_0 : i32, i32
  }
  func.func @transform_3(%arg0: i32) -> (i32, i32) {
    %c0_i32 = arith.constant 0 : i32
    %c0_i32_0 = arith.constant 0 : i32
    %c0_i32_1 = arith.constant 0 : i32
    return %c0_i32, %c0_i32_0 : i32, i32
  }
  func.func @transform_4(%arg0: i32) -> (i32, i32) {
    %c0_i32 = arith.constant 0 : i32
    %c0_i32_0 = arith.constant 0 : i32
    %c0_i32_1 = arith.constant 0 : i32
    return %c0_i32, %c0_i32_0 : i32, i32
  }
  func.func @transform_5(%arg0: i32) -> (i32, i32) {
    %c0_i32 = arith.constant 0 : i32
    %c0_i32_0 = arith.constant 0 : i32
    %c0_i32_1 = arith.constant 0 : i32
    return %c0_i32, %c0_i32_0 : i32, i32
  }
  func.func @transform_6(%arg0: i32) -> (i32, i32) {
    %c0_i32 = arith.constant 0 : i32
    %c0_i32_0 = arith.constant 0 : i32
    %c0_i32_1 = arith.constant 0 : i32
    return %c0_i32, %c0_i32_0 : i32, i32
  }
  func.func @transform_7(%arg0: i32) -> (i32, i32, i32) {
    %c0_i32 = arith.constant 0 : i32
    %c0_i32_0 = arith.constant 0 : i32
    %c0_i32_1 = arith.constant 0 : i32
    return %arg0, %c0_i32, %c0_i32_0 : i32, i32, i32
  }
  func.func @transform_8(%arg0: i32) -> (i32, i32, i32) {
    %c0_i32 = arith.constant 0 : i32
    %c0_i32_0 = arith.constant 0 : i32
    %c0_i32_1 = arith.constant 0 : i32
    return %arg0, %c0_i32, %c0_i32_0 : i32, i32, i32
  }
  func.func @transform_9(%arg0: i32) -> (i32, i32, i32) {
    %c0_i32 = arith.constant 0 : i32
    %c0_i32_0 = arith.constant 0 : i32
    %c0_i32_1 = arith.constant 0 : i32
    return %arg0, %c0_i32, %c0_i32_0 : i32, i32, i32
  }
}

</mosaic_0001>

<sc_bundles>
// kernel: kernel.4.cloned.1.call-start
scs
__scs_entry_jumppad:
0x0: {  	(pc) =	sbr.rel $0x88, $3  }
0x1: {  	(tag) =	ssettag $0x0;
	lr =	simm.s32 $0x1  }
0x2: {  	[smem:$0x3F9F] =	sst lr;
	_ =	strace $0xD0000000  }
0x3: {  	_ = 	snop  }
0x4: {  	_ = 	snop  }
0x5: {  	_ = 	snop  }
0x6: {  	_ = 	snop  }
0x7: {  	_ = 	snop  }
__scs_overlays_trampoline_lowered:
0x8: {  	[smem:$0x3FAE] =	sst s0  }
0x9: {  	[smem:$0x3FAF] =	sst s1  }
0xa: {  	[smem:$0x3FB0] =	sst s2  }
0xb: {  	[smem:$0x3FB1] =	sst s3  }
0xc: {  	[smem:$0x3FB2] =	sst s4  }
0xd: {  	[smem:$0x3FB3] =	sst s5  }
0xe: {  	[smem:$0x3FB4] =	sst s6  }
0xf: {  	[smem:$0x3FB5] =	sst s7  }
0x10: {  	[smem:$0x3FB6] =	sst s8  }
0x11: {  	[smem:$0x3FB7] =	sst s9;
	s0 =	simm.s32 @!p0 $0x0  }
0x12: {  	s1 =	sld [smem:$0x3F9D];
	s0 =	simm.s32 @p0 $0x1  }
0x13: {  	[smem:$0x3FB8] =	sst s0;
	s0 =	simm.s32 @!p1 $0x0  }
0x14: {  	s2 =	sld [smem:$0x3F9C];
	s0 =	simm.s32 @p1 $0x1  }
0x15: {  	[smem:$0x3FB9] =	sst s0;
	s0 =	simm.s32 @!p2 $0x0  }
0x16: {  	s3 =	sld [smem:$0x3FDB];
	s0 =	simm.s32 @p2 $0x1  }
0x17: {  	s4 =	simm.s32 $0x1BF5;
	[smem:$0x3FBB] =	sst s0  }
0x18: {  	s0 =	sld [smem:$0x3F9E];
	_ =	swait.ge [sflag:s4], $0x0  }
0x19: {  	s7 =	sld [smem:$0x3F9F]  }
0x1a: {  	s8 =	sadd.s32 $0xFFFFE003, lr  }
0x1b: {  	s9 =	sadd.s32 $0xFFFFFEF7, lr;
	s5 =	simm.s32 $0xFFFFFFFF;
	p2 =	slt.u32 s8, $0xFFFFF086  }
0x1c: {  	p1 =	slt.u32 s9, $0xF7A;
	s5 =	simm.s32 @!p2 $0x0  }
0x1d: {  	s5 =	simm.s32 @p1 $0x1;
	p0 =	seq.s32 s7, s2  }
0x1e: {  	s7 =	smul.u32 @!p0 $0xF7A, s2;
	p2 =	seq.s32 @!p0 s5, $0x0  }
0x1f: {  	s9 =	smul.u32 $0xF7A, s1;
	s8 =	simm.s32 @!p0 $0x1BF5;
	p2 =	por !p2, p0  }
0x20: {  	[sflag:s8] =	ssyncset.s32 @!p0 $0xFFFFF086;
	s6 =	sadd.s32 @!p0 s3, s7;
	s7 =	simm.s32 @!p0 $0x108  }
0x21: {  	s3 =	sadd.s32 s3, s9;
	s6 =	sadd.s32 @!p0 $0x88, s6;
	s7 =	simm.s32 @p2 $0x1082  }
0x22: {  	[simem:s7], [sflag:s8] =	dma.local @!p0 [hbm:s6], $0xF7A  }
0x23: {  	s9 =	sor.u32 $0xD0000000, s2;
	s6 =	simm.s32 $0x108;
	_ =	swait.ge @!p0 [sflag:s8], $0x0  }
0x24: {  	s3 =	sadd.s32 $0x88, s3;
	s6 =	simm.s32 @!p1 $0x1082;
	[sflag:s4] =	ssyncset.s32 $0xFFFFF086  }
0x25: {  	[simem:s6], [sflag:s4] =	dma.local [hbm:s3], $0xF7A  }
0x26: {  	[smem:$0x3F9F] =	sst s1;
	(tag) =	ssettag s2;
	_ =	strace s9  }
0x27: {  	s1 =	sld [smem:$0x3FAF]  }
0x28: {  	s2 =	sld [smem:$0x3FB0]  }
0x29: {  	s4 =	sld [smem:$0x3FB2]  }
0x2a: {  	p0 =	seq.s32 s5, $0x0;
	s5 =	sld [smem:$0x3FB3]  }
0x2b: {  	s6 =	sld [smem:$0x3FB4]  }
0x2c: {  	s7 =	sld [smem:$0x3FB5]  }
0x2d: {  	s3 =	simm.s32 $0x108;
	s8 =	sld [smem:$0x3FB6]  }
0x2e: {  	s3 =	simm.s32 @!p0 $0x1082;
	s9 =	sld [smem:$0x3FB7]  }
0x2f: {  	lr =	sadd.s32 s0, s3;
	s0 =	sld [smem:$0x3FAE]  }
0x30: {  	s3 =	sld [smem:$0x3FB1]  }
0x31: {  	[smem:$0x3FBA] =	sst s10  }
0x32: {  	s10 =	sld [smem:$0x3FB8];
	_ =	sdelay $0x3  }
0x33: {  	p0 =	seq.s32 s10, $0x1;
	s10 =	sld [smem:$0x3FBA];
	_ =	sdelay $0x3  }
0x34: {  	[smem:$0x3FBA] =	sst s10  }
0x35: {  	s10 =	sld [smem:$0x3FB9];
	_ =	sdelay $0x3  }
0x36: {  	p1 =	seq.s32 s10, $0x1;
	s10 =	sld [smem:$0x3FBA];
	_ =	sdelay $0x3  }
0x37: {  	[smem:$0x3FBA] =	sst s10  }
0x38: {  	s10 =	sld [smem:$0x3FBB]  }
0x39: {  	_ = 	snop;
	(pc) =	sbr.ind lr, $3  }
0x3a: {  	_ = 	snop  }
0x3b: {  	_ = 	snop  }
0x3c: {  	p2 =	seq.s32 s10, $0x1;
	s10 =	sld [smem:$0x3FBA]  }
0x3d: {  	_ =	shalt  }
0x3e: {  	_ =	shalt  }
0x3f: {  	_ =	shalt  }
0x40: {  	_ =	shalt  }
0x41: {  	_ =	shalt  }
0x42: {  	_ =	shalt  }
0x43: {  	_ =	shalt  }
0x44: {  	_ =	shalt  }
0x45: {  	_ =	shalt  }
0x46: {  	_ =	shalt  }
0x47: {  	_ =	shalt  }
0x48: {  	_ =	shalt  }
0x49: {  	_ =	shalt  }
0x4a: {  	_ =	shalt  }
0x4b: {  	_ =	shalt  }
0x4c: {  	_ =	shalt  }
0x4d: {  	_ =	shalt  }
0x4e: {  	_ =	shalt  }
0x4f: {  	_ =	shalt  }
0x50: {  	_ =	shalt  }
0x51: {  	_ =	shalt  }
0x52: {  	_ =	shalt  }
0x53: {  	_ =	shalt  }
0x54: {  	_ =	shalt  }
0x55: {  	_ =	shalt  }
0x56: {  	_ =	shalt  }
0x57: {  	_ =	shalt  }
0x58: {  	_ =	shalt  }
0x59: {  	_ =	shalt  }
0x5a: {  	_ =	shalt  }
0x5b: {  	_ =	shalt  }
0x5c: {  	_ =	shalt  }
0x5d: {  	_ =	shalt  }
0x5e: {  	_ =	shalt  }
0x5f: {  	_ =	shalt  }
0x60: {  	_ =	shalt  }
0x61: {  	_ =	shalt  }
0x62: {  	_ =	shalt  }
0x63: {  	_ =	shalt  }
0x64: {  	_ =	shalt  }
0x65: {  	_ =	shalt  }
0x66: {  	_ =	shalt  }
0x67: {  	_ =	shalt  }
0x68: {  	_ =	shalt  }
0x69: {  	_ =	shalt  }
0x6a: {  	_ =	shalt  }
0x6b: {  	_ =	shalt  }
0x6c: {  	_ =	shalt  }
0x6d: {  	_ =	shalt  }
0x6e: {  	_ =	shalt  }
0x6f: {  	_ =	shalt  }
0x70: {  	_ =	shalt  }
0x71: {  	_ =	shalt  }
0x72: {  	_ =	shalt  }
0x73: {  	_ =	shalt  }
0x74: {  	_ =	shalt  }
0x75: {  	_ =	shalt  }
0x76: {  	_ =	shalt  }
0x77: {  	_ =	shalt  }
0x78: {  	_ =	shalt  }
0x79: {  	_ =	shalt  }
0x7a: {  	_ =	shalt  }
0x7b: {  	_ =	shalt  }
0x7c: {  	_ =	shalt  }
0x7d: {  	_ =	shalt  }
0x7e: {  	_ =	shalt  }
0x7f: {  	_ =	shalt  }
0x80: {  	_ =	shalt  }
0x81: {  	_ =	shalt  }
0x82: {  	_ =	shalt  }
0x83: {  	_ =	shalt  }
0x84: {  	_ =	shalt  }
0x85: {  	_ =	shalt  }
0x86: {  	_ =	shalt  }
0x87: {  	_ =	shalt  }
.Lfunc_end0:
.L_simem_size_0:
called_computation_lowered:
.L_overlay_start_0:
0x88: {  	s2 =	sld [smem:$0x3FD9]  }
0x89: {  	s3 =	sld [smem:$0x3FFE];
	_ =	sdelay $0x1  }
0x8a: {  	s1 =	srdreg.scid  }
0x8b: {  	s0 =	sand.u32 $0x1, s1  }
0x8c: {  	s14 =	sshll.u32 s0, $0xA;
	s2 =	sadd.s32 s3, s2  }
0x8d: {  	s2 =	sadd.s32 s2, s14  }
0x8e: {  	[smem:$0x3FC6] =	sst s2  }
0x8f: {  	_ = 	snop  }
0x90: {  	s2 =	sld [smem:$0x3FD0];
	_ =	sdelay $0x2  }
0x91: {  	s15 =	simm.s32 $0xA;
	s4 =	simm.s32 $0x10  }
0x92: {  	[smem:s4], [sflag:s15] =	dma.local [hbm:s2], $0x1  }
0x93: {  	_ =	swait.eq [sflag:s15], $0x1  }
0x94: {  	[sflag:s15] =	ssyncset.done $0x0  }
0x95: {  	s16 =	sld [smem:$0x10];
	[sflag:s15] =	ssyncadd.s32 $0xFFFFFFFF  }
0x96: {  	s17 =	sld [smem:$0x11];
	(tm) =	ssettm $0x1  }
0x97: {  	s18 =	sld [smem:$0x3FFB];
	_ =	sdelay $0x3  }
0x98: {  	_ =	strace s18  }
0x99: {  	s4 =	sld [smem:$0x3FFC];
	_ =	sdelay $0x3  }
0x9a: {  	_ =	strace s4  }
0x9b: {  	s4 =	sld [smem:$0x3FFD];
	_ =	sdelay $0x3  }
0x9c: {  	_ =	strace s4  }
0x9d: {  	_ =	strace $0x8FFFFFFF  }
0x9e: {  	s19 =	sld [smem:$0x3FDB];
	_ =	sdelay $0x1  }
0x9f: {  	s5 =	simm.s32 $_scs_section_size  }
0xa0: {  	s6 =	simm.s32 $_size__tile_overlayer_lowered;
	s7 =	simm.s32 $_tile_overlayer_lowered  }
0xa1: {  	s22 =	simm.s32 $0x1BFF;
	s21 =	sshll.u32 s7, $0x1;
	s4 =	sadd.s32 s5, s19  }
0xa2: {  	s8 =	simm.s32 $0x0;
	s20 =	sshll.u32 s6, $0x1;
	s6 =	sadd.s32 s21, s4  }
0xa3: {  	[timem:s8], [sflag:s22] =	dma.local [hbm:s6], s20  }
0xa4: {  	_ =	swait.ge [sflag:s22], s20  }
0xa5: {  	s5 =	ssub.s32 $0x0, s20;
	[sflag:s22] =	ssyncset.done $0x0  }
0xa6: {  	[sflag:s22] =	ssyncadd.s32 s5;
	_ =	sdelay $0x1  }
0xa7: {  	s23 =	simm.s32 $0x1B8B  }
0xa8: {  	_ =	swait.ge [sflag:s23], $0x1  }
0xa9: {  	[sflag:s23] =	ssyncset.done $0x0  }
0xaa: {  	s25 =	simm.s32 $0x1B8E;
	s24 =	sld [smem:$0x3FFE];
	[sflag:s23] =	ssyncadd.s32 $0xFFFFFFFF  }
0xab: {  	s26 =	simm.s32 $execute0_lowered;
	[smem:$0x3FD2] =	sst s25  }
0xac: {  	s6 =	sshll.u32 s26, $0x1;
	_ =	strace $0x80000046;
	[dreg:$0x1] =	wrdreg $0xFFFFFFFF  }
0xad: {  	s28 =	simm.s32 $_size_execute0_lowered;
	s4 =	sadd.s32 s4, s6;
	[dreg:$0x0] =	wrdreg $0x0  }
0xae: {  	s6 =	sshll.u32 s28, $0x1;
	[dreg:$0x2] =	wrdreg s4  }
0xaf: {  	[dreg:$0x3] =	wrdreg s6  }
0xb0: {  	[dreg:$0x4] =	wrdreg $0xC0  }
0xb1: {  	_ =	task [dreg:s8], $0x5FFFF  }
0xb2: {  	[dreg:$0x1] =	wrdreg $0xFFFFFFFF  }
0xb3: {  	[dreg:$0x0] =	wrdreg $0x60  }
0xb4: {  	[dreg:$0x2] =	wrdreg s24  }
0xb5: {  	[dreg:$0x3] =	wrdreg s16  }
0xb6: {  	[dreg:$0x4] =	wrdreg s17  }
0xb7: {  	[dreg:$0x5] =	wrdreg $0x9  }
0xb8: {  	_ =	task.clear_ibuf [dreg:s8], $0x6FFFF;
	_ =	strace $0x90000046  }
0xb9: {  	s29 =	simm.s32 $0x9;
	_ =	strace $0x80000048  }
0xba: {  	_ =	swait.ge [sflag:s29], $0x1  }
0xbb: {  	[sflag:s29] =	ssyncadd.s32 $0xFFFFFFFF  }
0xbc: {  	_ =	strace $0x90000048  }
0xbd: {  	_ =	sfence  }
0xbe: {  	s30 =	sld [smem:$0x0];
	_ =	sdelay $0x2  }
0xbf: {  	s31 =	sshll.u32 s1, $0xD;
	s1 =	sshrl.u32 s1, $0x2  }
0xc0: {  	s3 =	sand.u32 $0x4000, s31;
	s1 =	sadd.s32 s1, s30  }
0xc1: {  	s0 =	sor.u32 s3, s0;
	s1 =	sshll.u32 s1, $0x11  }
0xc2: {  	s0 =	sor.u32 s1, s0  }
0xc3: {  	s0 =	sadd.s32 $0x8F2B, s0  }
0xc4: {  	[sflag:s0] =	ssyncadd.remote.s32 $0x1  }
0xc5: {  	_ =	sfence.sel $0xFFFF  }
0xc6: {  	[dreg:$0x0] =	wrdreg $0xFFFFFFFF;
	(pc) =	sbr.abs _section_cstart, $3  }
0xc7: {  	[dreg:$0x1] =	wrdreg $0xFFFFFFFF  }
0xc8: {  	_ =	task.clear_ibuf [dreg:s8], $0x2FFFF;
	_ =	strace $0x9FFFFFFF  }
0xc9: {  	(tm) =	ssettm $0x7FFFFFFF  }
tec
execute0_lowered:
.L_overlay_start_1:
0x0: {  	(tag) =	ssettag $0x1  }
0x1: {  	s0 =	rddreg [dreg:$0x0]  }
0x2: {  	s1 =	rddreg [dreg:$0x1]  }
0x3: {  	s2 =	rddreg [dreg:$0x2];
	s4 =	simm.s32 $0x0;
	s3 =	srdreg.scid  }
0x4: {  	s9 =	stileid.u32;
	s18 =	simm.s32 $0x4080;
	s19 =	simm.s32 $0x8100  }
0x5: {  	s20 =	simm.s32 $0x1;
	s21 =	simm.s32 $0x2;
	s22 =	simm.s32 $0x3  }
0x6: {  	[smem:$0x7FF] =	sst s4;
	s5 =	sadd.s32 $0x1C00, s0;
	s3 =	sand.u32 $0x1, s3  }
0x7: {  	s8 =	sshll.u32 s9, $0x1;
	s6 =	sadd.s32 $0x122000, s0;
	s7 =	sadd.s32 $0xA1C00, s0  }
0x8: {  	s0 =	sadd.s32 $0x82000, s0;
	_ =	strace $0x80000047;
	s8 =	sor.u32 s3, s8  }
0x9: {  	[dreg:$0x5] =	wrdreg s0;
	s26 =	ssub.s32 $0x2, s3;
	s10 =	smul.u32 $0x20100, s8  }
0xa: {  	p0 =	slt.u32 s9, $0x8;
	s3 =	sshrl.u32 s26, $0x1;
	[dreg:$0x4] =	wrdreg s8  }
0xb: {  	s0 =	ssub.s32 s26, s3;
	s28 =	sshrl.u32 s10, $0x3;
	s31 =	sadd.s32 $0x20100, s10  }
.Ltmp0:
0xc: {  	s0 =	smax.u32 s0, $0x1;
	[dreg:$0x9] =	wrdreg s31;
	(pc) =	sbr.rel .LBB2_1-.Ltmp0, $4  }
0xd: {  	s9 =	sadd.s32 $0xFFFFFFF0, s8;
	s29 =	sadd.s32 s7, s28;
	[dreg:$0xa] =	wrdreg s0  }
0xe: {  	s9 =	smov.u32 @p0 s8;
	s30 =	sadd.s32 s5, s28;
	[dreg:$0x6] =	wrdreg s29  }
0xf: {  	v1 =	vlaneseq.u32;
	s23 =	simm.s32 $0x4;
	v0 =	vmov s9;
	s3 =	sadd.s32 s6, s28;
	[dreg:$0x7] =	wrdreg s30  }
0x10: {  	s24 =	simm.s32 $0x5;
	s25 =	simm.s32 $0x0;
	vm0 =	veq.s32 v0, v1;
	[dreg:$0x8] =	wrdreg s3  }
.LBB2_44:
0x11: {  	s12 =	simm.s32 $0xEA00;
	s14 =	simm.s32 $0xC180  }
.LBB2_48:
0x12: {  	s8 =	sand.u32 $0xFFFFFF80, s15;
	s9 =	sand.u32 $0x70, s11  }
0x13: {  	[tilespmem:s12+$0x0] =	vst @p1 v0;
	s8 =	sor.u32 s9, s8  }
0x14: {  	v0 =	vld [tilespmem:s8+$0xC180];
	_ =	sdelay $0x2  }
0x15: {  	s9 =	sadd.s32 @p1 $0x10, s14  }
0x16: {  	s3 =	smov.u32 @p1 s9  }
0x17: {  	[tilespmem:s3+$0x0] =	vst v0  }
0x18: {  	v0 =	vld [tilespmem:s8+$0xEA00];
	_ =	sdelay $0x2  }
0x19: {  	s3 =	sadd.s32 @p1 $0x10, s12  }
0x1a: {  	s0 =	smov.u32 @p1 s3  }
0x1b: {  	[tilespmem:s0+$0x0] =	vst v0  }
.LBB2_49:
0x1c: {  	s3 =	sand.u32 $0x400, s31  }
0x1d: {  	s0 =	sshll.u32 s30, $0xB;
	p1 =	seq.s32 s3, $0x0  }
0x1e: {  	s8 =	sadd.s32 @!p1 s26, s0  }
0x1f: {  	s8 =	sshrl.u32 @!p1 s8, $0x3  }
0x20: {  	s11 =	simm.s32 @!p1 $0x0;
	s12 =	simm.s32 @!p1 $0xC180;
	s9 =	sadd.s32 @!p1 s1, s8  }
0x21: {  	[hbm4b:s9+s11] =	stream.linear.scatter @!p1 [tilespmem:s12], [sflag:$0x4], $0x400, $0x38;
	[tilespmem:$0x11300] =	vst v63  }
0x22: {  	s8 =	sadd.s32 @!p1 s2, s8;
	s9 =	simm.s32 @!p1 $0xEA00  }
0x23: {  	[hbm4b:s8+s11] =	stream.linear.scatter @!p1 [tilespmem:s9], [sflag:$0x5], $0x400, $0x38;
	[tilespmem:$0x11300] =	vst v63  }
0x24: {  	s8 =	simm.s32 @!p1 $0x4  }
0x25: {  	_ =	swait.ge @!p1 [sflag:s8], $0x400  }
0x26: {  	s15 =	sand.u32 $0x200, s31;
	[sflag:s8] =	ssyncset.done @!p1 $0x0  }
0x27: {  	p2 =	seq.s32 s15, $0x0;
	[sflag:s8] =	ssyncadd.s32 @!p1 $0xFFFFFC00;
	s8 =	simm.s32 @!p1 $0x5  }
0x28: {  	s9 =	sadd.s32 @!p2 s26, s0;
	_ =	swait.ge @!p1 [sflag:s8], $0x400  }
0x29: {  	s9 =	sadd.s32 @!p2 s3, s9;
	[sflag:s8] =	ssyncset.done @!p1 $0x0  }
0x2a: {  	[sflag:s8] =	ssyncadd.s32 @!p1 $0xFFFFFC00;
	s8 =	sshrl.u32 @!p2 s9, $0x3  }
0x2b: {  	s12 =	simm.s32 @!p2 $0x0;
	s11 =	sadd.s32 @!p2 $0xC180, s3;
	s9 =	sadd.s32 @!p2 s1, s8  }
0x2c: {  	[hbm4b:s9+s12] =	stream.linear.scatter @!p2 [tilespmem:s11], [sflag:$0x4], $0x200, $0x38;
	[tilespmem:$0x11300] =	vst v63  }
0x2d: {  	s3 =	sadd.s32 @!p2 $0xEA00, s3;
	s8 =	sadd.s32 @!p2 s2, s8  }
0x2e: {  	[hbm4b:s8+s12] =	stream.linear.scatter @!p2 [tilespmem:s3], [sflag:$0x5], $0x200, $0x38;
	[tilespmem:$0x11300] =	vst v63  }
0x2f: {  	s3 =	simm.s32 @!p2 $0x4  }
0x30: {  	s16 =	sand.u32 $0x100, s31;
	_ =	swait.ge @!p2 [sflag:s3], $0x200  }
0x31: {  	p1 =	seq.s32 s16, $0x0;
	[sflag:s3] =	ssyncset.done @!p2 $0x0  }
0x32: {  	s8 =	sand.u32 @!p1 $0x600, s31;
	[sflag:s3] =	ssyncadd.s32 @!p2 $0xFFFFFE00;
	s3 =	simm.s32 @!p2 $0x5  }
0x33: {  	s9 =	sadd.s32 @!p1 s26, s8;
	_ =	swait.ge @!p2 [sflag:s3], $0x200  }
0x34: {  	s9 =	sadd.s32 @!p1 s0, s9;
	[sflag:s3] =	ssyncset.done @!p2 $0x0  }
0x35: {  	[sflag:s3] =	ssyncadd.s32 @!p2 $0xFFFFFE00;
	s3 =	sshrl.u32 @!p1 s9, $0x3  }
0x36: {  	s12 =	simm.s32 @!p1 $0x0;
	s11 =	sor.u32 @!p1 $0xC180, s8;
	s9 =	sadd.s32 @!p1 s1, s3  }
0x37: {  	[hbm4b:s9+s12] =	stream.linear.scatter @!p1 [tilespmem:s11], [sflag:$0x4], $0x100, $0x38;
	[tilespmem:$0x11300] =	vst v63  }
0x38: {  	s8 =	sadd.s32 @!p1 $0xEA00, s8;
	s3 =	sadd.s32 @!p1 s2, s3  }
0x39: {  	[hbm4b:s3+s12] =	stream.linear.scatter @!p1 [tilespmem:s8], [sflag:$0x5], $0x100, $0x38;
	[tilespmem:$0x11300] =	vst v63  }
0x3a: {  	s3 =	simm.s32 @!p1 $0x4  }
0x3b: {  	s17 =	sand.u32 $0x80, s31;
	_ =	swait.ge @!p1 [sflag:s3], $0x100  }
0x3c: {  	p2 =	seq.s32 s17, $0x0;
	[sflag:s3] =	ssyncset.done @!p1 $0x0  }
0x3d: {  	s8 =	sand.u32 @!p2 $0x700, s31;
	[sflag:s3] =	ssyncadd.s32 @!p1 $0xFFFFFF00;
	s3 =	simm.s32 @!p1 $0x5  }
0x3e: {  	s9 =	sadd.s32 @!p2 s26, s8;
	_ =	swait.ge @!p1 [sflag:s3], $0x100  }
0x3f: {  	s9 =	sadd.s32 @!p2 s0, s9;
	[sflag:s3] =	ssyncset.done @!p1 $0x0  }
0x40: {  	[sflag:s3] =	ssyncadd.s32 @!p1 $0xFFFFFF00;
	s3 =	sshrl.u32 @!p2 s9, $0x3  }
0x41: {  	s12 =	simm.s32 @!p2 $0x0;
	s11 =	sadd.s32 @!p2 $0xC180, s8;
	s9 =	sadd.s32 @!p2 s1, s3  }
0x42: {  	[hbm4b:s9+s12] =	stream.linear.scatter @!p2 [tilespmem:s11], [sflag:$0x4], $0x80, $0x38;
	[tilespmem:$0x11300] =	vst v63  }
0x43: {  	s8 =	sadd.s32 @!p2 $0xEA00, s8;
	s3 =	sadd.s32 @!p2 s2, s3  }
0x44: {  	[hbm4b:s3+s12] =	stream.linear.scatter @!p2 [tilespmem:s8], [sflag:$0x5], $0x80, $0x38;
	[tilespmem:$0x11300] =	vst v63  }
0x45: {  	s3 =	simm.s32 @!p2 $0x4  }
0x46: {  	s28 =	sand.u32 $0x40, s31;
	_ =	swait.ge @!p2 [sflag:s3], $0x80  }
0x47: {  	p1 =	seq.s32 s28, $0x0;
	[sflag:s3] =	ssyncset.done @!p2 $0x0  }
0x48: {  	s8 =	sand.u32 @!p1 $0x780, s31;
	[sflag:s3] =	ssyncadd.s32 @!p2 $0xFFFFFF80;
	s3 =	simm.s32 @!p2 $0x5  }
0x49: {  	s9 =	sadd.s32 @!p1 s26, s8;
	_ =	swait.ge @!p2 [sflag:s3], $0x80  }
0x4a: {  	s9 =	sadd.s32 @!p1 s0, s9;
	[sflag:s3] =	ssyncset.done @!p2 $0x0  }
0x4b: {  	[sflag:s3] =	ssyncadd.s32 @!p2 $0xFFFFFF80;
	s3 =	sshrl.u32 @!p1 s9, $0x3  }
0x4c: {  	s12 =	simm.s32 @!p1 $0x0;
	s11 =	sadd.s32 @!p1 $0xC180, s8;
	s9 =	sadd.s32 @!p1 s1, s3  }
0x4d: {  	[hbm4b:s9+s12] =	stream.linear.scatter @!p1 [tilespmem:s11], [sflag:$0x4], $0x40, $0x38;
	[tilespmem:$0x11300] =	vst v63  }
0x4e: {  	s8 =	sadd.s32 @!p1 $0xEA00, s8;
	s3 =	sadd.s32 @!p1 s2, s3  }
0x4f: {  	[hbm4b:s3+s12] =	stream.linear.scatter @!p1 [tilespmem:s8], [sflag:$0x5], $0x40, $0x38;
	[tilespmem:$0x11300] =	vst v63  }
0x50: {  	s3 =	simm.s32 @!p1 $0x4  }
0x51: {  	s29 =	sand.u32 $0x20, s31;
	_ =	swait.ge @!p1 [sflag:s3], $0x40  }
0x52: {  	p2 =	seq.s32 s29, $0x0;
	[sflag:s3] =	ssyncset.done @!p1 $0x0  }
0x53: {  	s8 =	sand.u32 @!p2 $0x7C0, s31;
	[sflag:s3] =	ssyncadd.s32 @!p1 $0xFFFFFFC0;
	s3 =	simm.s32 @!p1 $0x5  }
0x54: {  	s9 =	sadd.s32 @!p2 s26, s8;
	_ =	swait.ge @!p1 [sflag:s3], $0x40  }
0x55: {  	s9 =	sadd.s32 @!p2 s0, s9;
	[sflag:s3] =	ssyncset.done @!p1 $0x0  }
0x56: {  	[sflag:s3] =	ssyncadd.s32 @!p1 $0xFFFFFFC0;
	s3 =	sshrl.u32 @!p2 s9, $0x3  }
0x57: {  	s12 =	simm.s32 @!p2 $0x0;
	s11 =	sadd.s32 @!p2 $0xC180, s8;
	s9 =	sadd.s32 @!p2 s1, s3  }
0x58: {  	[hbm4b:s9+s12] =	stream.linear.scatter @!p2 [tilespmem:s11], [sflag:$0x4], $0x20, $0x38;
	[tilespmem:$0x11300] =	vst v63  }
0x59: {  	s8 =	sadd.s32 @!p2 $0xEA00, s8;
	s3 =	sadd.s32 @!p2 s2, s3  }
0x5a: {  	[hbm4b:s3+s12] =	stream.linear.scatter @!p2 [tilespmem:s8], [sflag:$0x5], $0x20, $0x38;
	[tilespmem:$0x11300] =	vst v63  }
0x5b: {  	s30 =	sand.u32 $0x10, s31;
	s3 =	simm.s32 @!p2 $0x4  }
0x5c: {  	p1 =	seq.s32 s30, $0x0;
	_ =	swait.ge @!p2 [sflag:s3], $0x20  }
0x5d: {  	s8 =	sand.u32 @!p1 $0x7E0, s31;
	[sflag:s3] =	ssyncset.done @!p2 $0x0  }
0x5e: {  	s9 =	sadd.s32 @!p1 s26, s8;
	[sflag:s3] =	ssyncadd.s32 @!p2 $0xFFFFFFE0;
	s3 =	simm.s32 @!p2 $0x5  }
0x5f: {  	s0 =	sadd.s32 @!p1 s0, s9;
	_ =	swait.ge @!p2 [sflag:s3], $0x20  }
0x60: {  	s11 =	simm.s32 @!p1 $0x0;
	s0 =	sshrl.u32 @!p1 s0, $0x3;
	[sflag:s3] =	ssyncset.done @!p2 $0x0  }
0x61: {  	s9 =	sadd.s32 @!p1 $0xC180, s8;
	[sflag:s3] =	ssyncadd.s32 @!p2 $0xFFFFFFE0;
	s3 =	sadd.s32 @!p1 s1, s0  }
0x62: {  	[hbm4b:s3+s11] =	stream.linear.scatter @!p1 [tilespmem:s9], [sflag:$0x4], $0x10, $0x38;
	[tilespmem:$0x11300] =	vst v63  }
0x63: {  	s0 =	sadd.s32 @!p1 s2, s0;
	s3 =	sadd.s32 @!p1 $0xEA00, s8  }
0x64: {  	[hbm4b:s0+s11] =	stream.linear.scatter @!p1 [tilespmem:s3], [sflag:$0x5], $0x10, $0x38;
	[tilespmem:$0x11300] =	vst v63  }
0x65: {  	s0 =	simm.s32 @!p1 $0x4  }
0x66: {  	_ =	swait.ge @!p1 [sflag:s0], $0x10  }
0x67: {  	[sflag:s0] =	ssyncset.done @!p1 $0x0  }
0x68: {  	[sflag:s0] =	ssyncadd.s32 @!p1 $0xFFFFFFF0;
	s0 =	simm.s32 @!p1 $0x5  }
0x69: {  	_ =	swait.ge @!p1 [sflag:s0], $0x10  }
0x6a: {  	s25 =	sadd.s32 $0x1, s25;
	s31 =	rddreg [dreg:$0xa]  }
0x6b: {  	p2 =	sne.s32 s25, s31  }
.Ltmp1:
0x6c: {  	_ = 	snop;
	(pc) =	sbr.rel @!p2 .LBB2_50-.Ltmp1, $3  }
0x6d: {  	_ =	sdelay $0x1  }
0x6e: {  	[sflag:s0] =	ssyncset.done @!p1 $0x0  }
0x6f: {  	[sflag:s0] =	ssyncadd.s32 @!p1 $0xFFFFFFF0  }
.LBB2_1:
0x70: {  	s0 =	rddreg [dreg:$0x5];
	s3 =	simm.s32 $0x11280;
	s16 =	simm.s32 $0x6  }
0x71: {  	[tilespmem:s3], [sflag:$0x6] =	stream.linear.gather [hbm4b:s0+s4], $0x80, $0x38;
	[tilespmem:$0x11300] =	vst v63  }
0x72: {  	_ =	swait.ge [sflag:s16], $0x80  }
0x73: {  	[sflag:s16] =	ssyncset.done $0x0  }
0x74: {  	[sflag:s16] =	ssyncadd.s32 $0xFFFFFF80  }
0x75: {  	v0 =	vld [tilespmem:$0x11280];
	_ =	sdelay $0x1  }
0x76: {  	v1 =	vld [tilespmem:$0x11290];
	_ =	sdelay $0x2  }
0x77: {  	(xrf0) =	vadd.scan.msk.s32 $0xffff, v0;
	_ =	sdelay $0x1  }
0x78: {  	(xrf0) =	vadd.scan.msk.s32 $0xffff, v1;
	_ =	sdelay $0x3  }
0x79: {  	v2, _, _ =	vpop (xrf0)  }
0x7a: {  	v3 =	vbroadcast v2, $0xF  }
0x7b: {  	v4, _, _ =	vpop (xrf0)  }
0x7c: {  	v2 =	vnsel vm0, $0x0, v2;
	v3 =	vadd.s32 v3, v4  }
0x7d: {  	(xrf0) =	vadd.scan.msk.s32 $0xffff, v2;
	v58 =	vnsel vm0, $0x0, v3  }
0x7e: {  	v0 =	vnsel vm0, $0x0, v0;
	(xrf0) =	vadd.scan.msk.s32 $0xffff, v58  }
0x7f: {  	v59 =	vnsel vm0, $0x0, v1;
	(xrf0) =	vadd.scan.msk.s32 $0xffff, v0  }
0x80: {  	(xrf0) =	vadd.scan.msk.s32 $0xffff, v59;
	_ =	sdelay $0x2  }
0x81: {  	v60, _, _ =	vpop (xrf0)  }
0x82: {  	(v2sf) =	vpush v60, $0xF;
	v61, _, _ =	vpop (xrf0)  }
0x83: {  	v62, _, _ =	vpop (xrf0);
	(v2sf) =	vpush v61, $0xF  }
0x84: {  	(v2sf) =	vpush v62, $0xF;
	v63, _, _ =	vpop (xrf0)  }
0x85: {  	(v2sf) =	vpush v63, $0xF;
	_ =	sdelay $0x5  }
0x86: {  	s17 =	rddreg [dreg:$0x6]  }
0x87: {  	[tilespmem:s4], [sflag:$0x1] =	stream.linear.gather [hbm4b:s17+s4], $0x2010, $0x38;
	[tilespmem:$0x11300] =	vst v63  }
0x88: {  	s8 =	rddreg [dreg:$0x7]  }
0x89: {  	[tilespmem:s18], [sflag:$0x2] =	stream.linear.gather [hbm4b:s8+s4], $0x2010, $0x38;
	[tilespmem:$0x11300] =	vst v63  }
0x8a: {  	s28 =	rddreg [dreg:$0x8]  }
0x8b: {  	[tilespmem:s19], [sflag:$0x3] =	stream.linear.gather [hbm4b:s28+s4], $0x2010, $0x38;
	[tilespmem:$0x11300] =	vst v63  }
0x8c: {  	s0 =	spop (v2sf)  }
0x8d: {  	s31 =	spop (v2sf)  }
0x8e: {  	s3 =	spop (v2sf)  }
0x8f: {  	s9 =	spop (v2sf)  }
.Ltmp2:
0x90: {  	s31 =	smov.u32 @p0 s0;
	s9 =	smov.u32 @p0 s3;
	(pc) =	sbr.rel .LBB2_3-.Ltmp2, $4  }
0x91: {  	s0 =	ssub.s32 s31, s9  }
0x92: {  	s26 =	sadd.s32 $0xF, s0  }
0x93: {  	s30 =	simm.s32 $0x0;
	s26 =	sand.u32 $0xFFFFFFF0, s26  }
0x94: {  	s16 =	simm.s32 $0x0;
	s29 =	ssub.s32 s26, s0;
	s0 =	simm.s32 $0x0  }
.LBB2_19:
0x95: {  	s14 =	simm.s32 $0xEA00  }
.LBB2_23:
0x96: {  	s8 =	sadd.s32 @p1 $0x10, s14  }
0x97: {  	s11 =	smov.u32 @p1 s8  }
0x98: {  	[tilespmem:s11+$0x0] =	vst v0  }
.LBB2_2:
0x99: {  	p1 =	seq.s32 s0, $0x10  }
.Ltmp3:
0x9a: {  	_ = 	snop;
	(pc) =	sbr.rel @p1 .LBB2_24-.Ltmp3, $1  }
0x9b: {  	_ =	sdelay $0x3  }
.LBB2_3:
0x9c: {  	_ =	swait.ge [sflag:s20], $0x2010  }
0x9d: {  	[sflag:s20] =	ssyncset.done $0x0  }
0x9e: {  	s3 =	smov.u32 s0;
	[sflag:s20] =	ssyncadd.s32 $0xFFFFDFF0  }
0x9f: {  	s0 =	sadd.s32 $0x1, s0;
	p1 =	seq.s32 s3, $0xF;
	_ =	swait.ge [sflag:s21], $0x2010  }
0xa0: {  	s9 =	smul.u32 @!p1 $0x2010, s0;
	s11 =	sand.u32 @!p1 $0x1, s0;
	[sflag:s21] =	ssyncset.done $0x0  }
0xa1: {  	s13 =	simm.s32 @!p1 $0x0;
	p2 =	seq.s32 @!p1 s11, $0x1;
	[sflag:s21] =	ssyncadd.s32 $0xFFFFDFF0  }
0xa2: {  	s11 =	simm.s32 @!p1 $0x2010;
	s9 =	sadd.s32 @!p1 s10, s9;
	_ =	swait.ge [sflag:s22], $0x2010  }
0xa3: {  	p2 =	por !p2, p1;
	s9 =	sshrl.u32 @!p1 s9, $0x3;
	[sflag:s22] =	ssyncset.done $0x0  }
0xa4: {  	s11 =	simm.s32 @p2 $0x0;
	s12 =	sadd.s32 @!p1 s7, s9;
	[sflag:s22] =	ssyncadd.s32 $0xFFFFDFF0  }
0xa5: {  	[tilespmem:s11], [sflag:$0x1] =	stream.linear.gather @!p1 [hbm4b:s12+s13], $0x2010, $0x38;
	[tilespmem:$0x11300] =	vst v63  }
0xa6: {  	p2 =	slt.s32 s29, $0x1;
	s14 =	sadd.s32 @!p1 s5, s9;
	s12 =	sor.u32 @!p1 $0x4080, s11  }
0xa7: {  	[tilespmem:s12], [sflag:$0x2] =	stream.linear.gather @!p1 [hbm4b:s14+s13], $0x2010, $0x38;
	[tilespmem:$0x11300] =	vst v63  }
.Ltmp4:
0xa8: {  	_ = 	snop;
	(pc) =	sbr.rel @p2 .LBB2_7-.Ltmp4, $4  }
0xa9: {  	s3 =	sand.u32 $0x1, s3;
	s9 =	sadd.s32 @!p1 s6, s9;
	s11 =	sor.u32 @!p1 $0x8100, s11  }
0xaa: {  	[tilespmem:s11], [sflag:$0x3] =	stream.linear.gather @!p1 [hbm4b:s9+s13], $0x2010, $0x38;
	[tilespmem:$0x11300] =	vst v63  }
0xab: {  	p1 =	seq.s32 s3, $0x1;
	s3 =	simm.s32 $0x2010  }
0xac: {  	s28 =	smov.u32 s30;
	s3 =	simm.s32 @!p1 $0x0  }
0xad: {  	v2 =	vmov s3;
	_ =	sdelay $0x3  }
0xae: {  	s30 =	simm.s32 $0x0  }
0xaf: {  	v3 =	vld.idx.msk [tilespmem:v2+s30+$0x0 ss:$0x1], $0xffff;
	_ =	sdelay $0x3  }
0xb0: {  	s9 =	sadd.s32 $0x4080, s3  }
0xb1: {  	v1 =	vmov s9;
	(xrf0) =	vadd.scan.msk.s32 $0xffff, v3;
	_ =	sdelay $0x4  }
0xb2: {  	s11 =	sadd.s32 $0x8100, s3;
	v4 =	vld.idx.msk [tilespmem:v1+s30+$0x0 ss:$0x1], $0xffff  }
0xb3: {  	v0 =	vmov s11;
	v5, _, _ =	vpop (xrf0)  }
0xb4: {  	(v2sf) =	vpush v5, $0xF  }
0xb5: {  	vm1 =	vgt.s32 v3, $0x0;
	vm2 =	vgt.s32 v5, s29  }
0xb6: {  	vm1 =	vmand vm1, vm2  }
0xb7: {  	[tilespmem:s16+$0xC180] =	vst.msk vm1, v4  }
0xb8: {  	v3 =	vld.idx.msk [tilespmem:v0+s30+$0x0 ss:$0x1], $0xffff;
	_ =	sdelay $0x4  }
0xb9: {  	s3 =	simm.s32 $0x10;
	s9 =	simm.s32 $0x80;
	[tilespmem:s16+$0xEA00] =	vst.msk vm1, v3  }
.LBB2_5:
0xba: {  	p1 =	seq.s32 s9, $0x8000;
	v3 =	vld.idx.msk [tilespmem:v2+s3+$0x0 ss:$0x1], $0xffff  }
0xbb: {  	v4 =	vld.idx.msk [tilespmem:v1+s3+$0x0 ss:$0x1], $0xffff;
	_ =	sdelay $0x3  }
0xbc: {  	s11 =	spop (v2sf)  }
0xbd: {  	vm1 =	vgt.s32 v3, $0x0;
	(xrf0) =	vadd.scan.msk.s32 $0xffff, v3;
	p2 =	slt.s32 s29, s11;
	s12 =	sadd.s32 s16, s11  }
0xbe: {  	s11 =	smov.u32 @p2 s29  }
0xbf: {  	s16 =	ssub.s32 s12, s11;
	s29 =	ssub.s32 s29, s11;
	_ =	sdelay $0x3  }
0xc0: {  	v3, _, _ =	vpop (xrf0)  }
0xc1: {  	vm2 =	vgt.s32 v3, s29;
	(v2sf) =	vpush v3, $0xF  }
0xc2: {  	vm1 =	vmand vm1, vm2  }
0xc3: {  	[tilespmem:s16+$0xC180] =	vst.msk vm1, v4  }
0xc4: {  	v3 =	vld.idx.msk [tilespmem:v0+s3+$0x0 ss:$0x1], $0xffff;
	_ =	sdelay $0x1  }
.Ltmp5:
0xc5: {  	(pc) =	sbr.rel @!p1 .LBB2_5-.Ltmp5, $2  }
0xc6: {  	_ =	sdelay $0x2  }
0xc7: {  	s3 =	sshra.s32 s9, $0x2;
	s9 =	sadd.s32 $0x40, s9;
	[tilespmem:s16+$0xEA00] =	vst.msk vm1, v3  }
0xc8: {  	_ =	sdelay $0x3  }
0xc9: {  	v2 =	vld.idx.msk [tilespmem:v2+s3+$0x0 ss:$0x1], $0xffff;
	_ =	sdelay $0x4  }
0xca: {  	(xrf0) =	vadd.scan.msk.s32 $0xffff, v2;
	_ =	sdelay $0x5  }
0xcb: {  	v3, _, _ =	vpop (xrf0)  }
0xcc: {  	(v2sf) =	vpush v3, $0xF;
	_ =	sdelay $0x5  }
0xcd: {  	s9 =	spop (v2sf)  }
0xce: {  	v1 =	vld.idx.msk [tilespmem:v1+s3+$0x0 ss:$0x1], $0xffff;
	p1 =	slt.s32 s29, s9  }
0xcf: {  	s11 =	sadd.s32 s16, s9;
	s9 =	smov.u32 @p1 s29  }
0xd0: {  	s12 =	ssub.s32 s29, s9  }
0xd1: {  	vm1 =	vgt.s32 v2, $0x0;
	vm2 =	vgt.s32 v3, s12  }
0xd2: {  	s9 =	ssub.s32 s11, s9;
	vm1 =	vmand vm1, vm2  }
0xd3: {  	[tilespmem:s9+$0xC180] =	vst.msk vm1, v1  }
0xd4: {  	v0 =	vld.idx.msk [tilespmem:v0+s3+$0x0 ss:$0x1], $0xffff  }
.Ltmp6:
0xd5: {  	_ = 	snop;
	(pc) =	sbr.rel .LBB2_10-.Ltmp6, $4  }
0xd6: {  	s3 =	spop (v2sf)  }
0xd7: {  	p1 =	slt.s32 s12, s3  }
0xd8: {  	s11 =	sadd.s32 s9, s3;
	s3 =	smov.u32 @p1 s12  }
0xd9: {  	[tilespmem:s9+$0xEA00] =	vst.msk vm1, v0;
	s9 =	ssub.s32 s11, s3;
	s29 =	ssub.s32 s12, s3  }
.LBB2_7:
0xda: {  	s12 =	sadd.s32 $0x70, s3  }
0xdb: {  	v5 =	vmov s12;
	_ =	sdelay $0x1  }
0xdc: {  	s9 =	sand.u32 $0x3F90, s3  }
0xdd: {  	s13 =	sor.u32 $0x40, s9;
	s30 =	sadd.s32 $0x8140, s9;
	s9 =	sadd.s32 $0x40C0, s9  }
0xde: {  	v3 =	vmov s9;
	s9 =	simm.s32 $0x0  }
0xdf: {  	v6 =	vld.idx.msk [tilespmem:v5+s9+$0xFFFFFF90 ss:$0x1], $0xffff  }
0xe0: {  	s11 =	sadd.s32 $0x40F0, s3  }
0xe1: {  	v1 =	vmov s11  }
0xe2: {  	v4 =	vmov s13;
	_ =	sdelay $0x1  }
0xe3: {  	(xrf0) =	vadd.scan.msk.s32 $0xffff, v6  }
0xe4: {  	v7 =	vld.idx.msk [tilespmem:v5+s9+$0x0 ss:$0x1], $0xffff  }
0xe5: {  	v9 =	vld.idx.msk [tilespmem:v1+s9+$0xFFFFFF90 ss:$0x1], $0xffff  }
0xe6: {  	v8 =	vld.idx.msk [tilespmem:v4+s9+$0x20 ss:$0x1], $0xffff  }
0xe7: {  	v10 =	vld.idx.msk [tilespmem:v5+s9+$0xFFFFFFE0 ss:$0x1], $0xffff  }
0xe8: {  	v11 =	vld.idx.msk [tilespmem:v4+s9+$0x0 ss:$0x1], $0xffff  }
0xe9: {  	v13 =	vld.idx.msk [tilespmem:v5+s9+$0xFFFFFFC0 ss:$0x1], $0xffff;
	v12, _, _ =	vpop (xrf0)  }
0xea: {  	s15 =	sadd.s32 $0x8170, s3;
	v60 =	vld.idx.msk [tilespmem:v5+s9+$0xFFFFFFA0 ss:$0x1], $0xffff;
	(xrf0) =	vadd.scan.msk.s32 $0xffff, v7;
	(v2sf) =	vpush v12, $0xF  }
0xeb: {  	v0 =	vmov s15;
	(xrf0) =	vadd.scan.msk.s32 $0xffff, v8  }
0xec: {  	(xrf0) =	vadd.scan.msk.s32 $0xffff, v10  }
0xed: {  	(xrf0) =	vadd.scan.msk.s32 $0xffff, v11  }
0xee: {  	vm1 =	vgt.s32 v6, $0x0;
	(xrf0) =	vadd.scan.msk.s32 $0xffff, v13  }
0xef: {  	v6 =	vld.idx.msk [tilespmem:v4+s9+$0xFFFFFFE0 ss:$0x1], $0xffff;
	[tilespmem:s16+$0xC180] =	vst.msk vm1, v9;
	(xrf0) =	vadd.scan.msk.s32 $0xffff, v60  }
0xf0: {  	v9 =	vld.idx.msk [tilespmem:v0+s9+$0xFFFFFF90 ss:$0x1], $0xffff;
	v14, _, _ =	vpop (xrf0)  }
0xf1: {  	v15, _, _ =	vpop (xrf0)  }
0xf2: {  	v16, _, _ =	vpop (xrf0)  }
0xf3: {  	v17, _, _ =	vpop (xrf0)  }
0xf4: {  	v18, _, _ =	vpop (xrf0)  }
0xf5: {  	[tilespmem:s16+$0xEA00] =	vst.msk vm1, v9;
	v61, _, _ =	vpop (xrf0)  }
0xf6: {  	v19 =	vld.idx.msk [tilespmem:v1+s9+$0xFFFFFFA0 ss:$0x1], $0xffff;
	(v2sf) =	vpush v61, $0xF;
	_ =	sdelay $0x2  }
0xf7: {  	s15 =	spop (v2sf)  }
0xf8: {  	vm1 =	vgt.s32 v60, $0x0;
	s11 =	sadd.s32 s16, s15  }
0xf9: {  	(xrf0) =	vadd.scan.msk.s32 $0xffff, v6;
	[tilespmem:s11+$0xC180] =	vst.msk vm1, v19  }
0xfa: {  	v62 =	vld.idx.msk [tilespmem:v0+s9+$0xFFFFFFA0 ss:$0x1], $0xffff;
	_ =	sdelay $0x4  }
0xfb: {  	v63, _, _ =	vpop (xrf0);
	[tilespmem:s11+$0xEA00] =	vst.msk vm1, v62  }
0xfc: {  	(v2sf) =	vpush v63, $0xF;
	v9 =	vld.idx.msk [tilespmem:v3+s9+$0xFFFFFFE0 ss:$0x1], $0xffff  }
0xfd: {  	v2 =	vmov s30;
	_ =	sdelay $0x1  }
0xfe: {  	s16 =	spop (v2sf)  }
0xff: {  	vm1 =	vgt.s32 v6, $0x0;
	s11 =	sadd.s32 s16, s11  }
0x100: {  	[tilespmem:s11+$0xC180] =	vst.msk vm1, v9  }
0x101: {  	v6 =	vld.idx.msk [tilespmem:v2+s9+$0xFFFFFFE0 ss:$0x1], $0xffff;
	_ =	sdelay $0x4  }
0x102: {  	[tilespmem:s11+$0xEA00] =	vst.msk vm1, v6  }
0x103: {  	(v2sf) =	vpush v18, $0xF;
	v6 =	vld.idx.msk [tilespmem:v1+s9+$0xFFFFFFC0 ss:$0x1], $0xffff;
	_ =	sdelay $0x2  }
0x104: {  	s17 =	spop (v2sf)  }
0x105: {  	vm1 =	vgt.s32 v13, $0x0;
	s11 =	sadd.s32 s17, s11  }
0x106: {  	[tilespmem:s11+$0xC180] =	vst.msk vm1, v6  }
0x107: {  	v6 =	vld.idx.msk [tilespmem:v0+s9+$0xFFFFFFC0 ss:$0x1], $0xffff;
	_ =	sdelay $0x4  }
0x108: {  	[tilespmem:s11+$0xEA00] =	vst.msk vm1, v6  }
0x109: {  	(v2sf) =	vpush v17, $0xF;
	v6 =	vld.idx.msk [tilespmem:v3+s9+$0x0 ss:$0x1], $0xffff;
	_ =	sdelay $0x2  }
0x10a: {  	s8 =	spop (v2sf)  }
0x10b: {  	vm1 =	vgt.s32 v11, $0x0;
	s11 =	sadd.s32 s8, s11  }
0x10c: {  	[tilespmem:s11+$0xC180] =	vst.msk vm1, v6  }
0x10d: {  	v6 =	vld.idx.msk [tilespmem:v2+s9+$0x0 ss:$0x1], $0xffff;
	_ =	sdelay $0x4  }
0x10e: {  	[tilespmem:s11+$0xEA00] =	vst.msk vm1, v6  }
0x10f: {  	(v2sf) =	vpush v16, $0xF;
	v6 =	vld.idx.msk [tilespmem:v1+s9+$0xFFFFFFE0 ss:$0x1], $0xffff;
	_ =	sdelay $0x2  }
0x110: {  	s13 =	spop (v2sf)  }
0x111: {  	vm1 =	vgt.s32 v10, $0x0;
	s11 =	sadd.s32 s13, s11  }
0x112: {  	[tilespmem:s11+$0xC180] =	vst.msk vm1, v6  }
0x113: {  	v6 =	vld.idx.msk [tilespmem:v0+s9+$0xFFFFFFE0 ss:$0x1], $0xffff;
	_ =	sdelay $0x4  }
0x114: {  	[tilespmem:s11+$0xEA00] =	vst.msk vm1, v6  }
0x115: {  	(v2sf) =	vpush v15, $0xF;
	v6 =	vld.idx.msk [tilespmem:v3+s9+$0x20 ss:$0x1], $0xffff;
	_ =	sdelay $0x1  }
0x116: {  	(v2sf) =	vpush v14, $0xF  }
0x117: {  	s15 =	spop (v2sf)  }
0x118: {  	vm1 =	vgt.s32 v8, $0x0;
	s11 =	sadd.s32 s15, s11  }
0x119: {  	[tilespmem:s11+$0xC180] =	vst.msk vm1, v6  }
0x11a: {  	v6 =	vld.idx.msk [tilespmem:v2+s9+$0x20 ss:$0x1], $0xffff;
	_ =	sdelay $0x4  }
0x11b: {  	[tilespmem:s11+$0xEA00] =	vst.msk vm1, v6  }
0x11c: {  	v6 =	vld.idx.msk [tilespmem:v1+s9+$0x0 ss:$0x1], $0xffff;
	_ =	sdelay $0x2  }
0x11d: {  	s16 =	spop (v2sf)  }
0x11e: {  	s12 =	sadd.s32 s16, s11;
	vm1 =	vgt.s32 v7, $0x0  }
0x11f: {  	s14 =	sand.u32 $0x10, s3;
	s17 =	spop (v2sf);
	[tilespmem:s12+$0xC180] =	vst.msk vm1, v6  }
0x120: {  	s30 =	simm.s32 $0x400;
	s16 =	simm.s32 $0x200;
	s11 =	sadd.s32 s17, s12;
	v6 =	vld.idx.msk [tilespmem:v0+s9+$0x0 ss:$0x1], $0xffff  }
.LBB2_8:
0x121: {  	_ =	sdelay $0x2  }
0x122: {  	p1 =	sne.s32 s30, $0x7E00  }
0x123: {  	s9 =	sshra.s32 s16, $0x2;
	s16 =	smov.u32 s30;
	s30 =	sadd.s32 $0x200, s30;
	[tilespmem:s12+$0xEA00] =	vst.msk vm1, v6  }
0x124: {  	v6 =	vld.idx.msk [tilespmem:v5+s9+$0xFFFFFF90 ss:$0x1], $0xffff;
	_ =	sdelay $0x5  }
0x125: {  	vm1 =	vgt.s32 v6, $0x0;
	(xrf0) =	vadd.scan.msk.s32 $0xffff, v6;
	_ =	sdelay $0x1  }
0x126: {  	v6 =	vld.idx.msk [tilespmem:v5+s9+$0x0 ss:$0x1], $0xffff  }
0x127: {  	v7 =	vld.idx.msk [tilespmem:v4+s9+$0x20 ss:$0x1], $0xffff  }
0x128: {  	v9 =	vld.idx.msk [tilespmem:v1+s9+$0xFFFFFF90 ss:$0x1], $0xffff  }
0x129: {  	v8 =	vld.idx.msk [tilespmem:v5+s9+$0xFFFFFFE0 ss:$0x1], $0xffff  }
0x12a: {  	v10 =	vld.idx.msk [tilespmem:v4+s9+$0x0 ss:$0x1], $0xffff;
	v11, _, _ =	vpop (xrf0)  }
0x12b: {  	v12 =	vld.idx.msk [tilespmem:v5+s9+$0xFFFFFFC0 ss:$0x1], $0xffff;
	(v2sf) =	vpush v11, $0xF  }
0x12c: {  	v11 =	vld.idx.msk [tilespmem:v5+s9+$0xFFFFFFA0 ss:$0x1], $0xffff;
	(xrf0) =	vadd.scan.msk.s32 $0xffff, v6  }
0x12d: {  	v13 =	vld.idx.msk [tilespmem:v4+s9+$0xFFFFFFE0 ss:$0x1], $0xffff;
	(xrf0) =	vadd.scan.msk.s32 $0xffff, v7  }
0x12e: {  	[tilespmem:s11+$0xC180] =	vst.msk vm1, v9  }
0x12f: {  	v9 =	vld.idx.msk [tilespmem:v0+s9+$0xFFFFFF90 ss:$0x1], $0xffff;
	(xrf0) =	vadd.scan.msk.s32 $0xffff, v8  }
0x130: {  	(xrf0) =	vadd.scan.msk.s32 $0xffff, v10  }
0x131: {  	(xrf0) =	vadd.scan.msk.s32 $0xffff, v12  }
0x132: {  	(xrf0) =	vadd.scan.msk.s32 $0xffff, v11;
	v14, _, _ =	vpop (xrf0)  }
0x133: {  	(xrf0) =	vadd.scan.msk.s32 $0xffff, v13;
	v15, _, _ =	vpop (xrf0);
	_ =	sdelay $0x1  }
0x134: {  	[tilespmem:s11+$0xEA00] =	vst.msk vm1, v9;
	v9, _, _ =	vpop (xrf0)  }
0x135: {  	v16 =	vld.idx.msk [tilespmem:v1+s9+$0xFFFFFFA0 ss:$0x1], $0xffff;
	v17, _, _ =	vpop (xrf0)  }
0x136: {  	v18, _, _ =	vpop (xrf0)  }
0x137: {  	v19, _, _ =	vpop (xrf0)  }
0x138: {  	(v2sf) =	vpush v19, $0xF;
	v19, _, _ =	vpop (xrf0)  }
0x139: {  	s12 =	spop (v2sf)  }
0x13a: {  	vm1 =	vgt.s32 v11, $0x0;
	s11 =	sadd.s32 s11, s12  }
0x13b: {  	[tilespmem:s11+$0xC180] =	vst.msk vm1, v16  }
0x13c: {  	v11 =	vld.idx.msk [tilespmem:v0+s9+$0xFFFFFFA0 ss:$0x1], $0xffff;
	_ =	sdelay $0x5  }
0x13d: {  	[tilespmem:s11+$0xEA00] =	vst.msk vm1, v11  }
0x13e: {  	v11 =	vld.idx.msk [tilespmem:v3+s9+$0xFFFFFFE0 ss:$0x1], $0xffff;
	_ =	sdelay $0x2  }
0x13f: {  	(v2sf) =	vpush v19, $0xF  }
0x140: {  	s12 =	spop (v2sf)  }
0x141: {  	vm1 =	vgt.s32 v13, $0x0;
	s11 =	sadd.s32 s12, s11  }
0x142: {  	[tilespmem:s11+$0xC180] =	vst.msk vm1, v11  }
0x143: {  	v11 =	vld.idx.msk [tilespmem:v2+s9+$0xFFFFFFE0 ss:$0x1], $0xffff;
	_ =	sdelay $0x5  }
0x144: {  	[tilespmem:s11+$0xEA00] =	vst.msk vm1, v11  }
0x145: {  	v11 =	vld.idx.msk [tilespmem:v1+s9+$0xFFFFFFC0 ss:$0x1], $0xffff;
	_ =	sdelay $0x2  }
0x146: {  	(v2sf) =	vpush v18, $0xF  }
0x147: {  	s12 =	spop (v2sf)  }
0x148: {  	vm1 =	vgt.s32 v12, $0x0;
	s11 =	sadd.s32 s12, s11  }
0x149: {  	[tilespmem:s11+$0xC180] =	vst.msk vm1, v11  }
0x14a: {  	v11 =	vld.idx.msk [tilespmem:v0+s9+$0xFFFFFFC0 ss:$0x1], $0xffff;
	_ =	sdelay $0x5  }
0x14b: {  	[tilespmem:s11+$0xEA00] =	vst.msk vm1, v11  }
0x14c: {  	v11 =	vld.idx.msk [tilespmem:v3+s9+$0x0 ss:$0x1], $0xffff;
	_ =	sdelay $0x2  }
0x14d: {  	(v2sf) =	vpush v17, $0xF  }
0x14e: {  	s12 =	spop (v2sf)  }
0x14f: {  	vm1 =	vgt.s32 v10, $0x0;
	s11 =	sadd.s32 s12, s11  }
0x150: {  	[tilespmem:s11+$0xC180] =	vst.msk vm1, v11  }
0x151: {  	v10 =	vld.idx.msk [tilespmem:v2+s9+$0x0 ss:$0x1], $0xffff;
	_ =	sdelay $0x5  }
0x152: {  	[tilespmem:s11+$0xEA00] =	vst.msk vm1, v10  }
0x153: {  	v10 =	vld.idx.msk [tilespmem:v1+s9+$0xFFFFFFE0 ss:$0x1], $0xffff;
	_ =	sdelay $0x2  }
0x154: {  	(v2sf) =	vpush v9, $0xF  }
0x155: {  	s12 =	spop (v2sf);
	(v2sf) =	vpush v15, $0xF  }
0x156: {  	vm1 =	vgt.s32 v8, $0x0;
	s11 =	sadd.s32 s12, s11;
	(v2sf) =	vpush v14, $0xF  }
0x157: {  	[tilespmem:s11+$0xC180] =	vst.msk vm1, v10  }
0x158: {  	v8 =	vld.idx.msk [tilespmem:v0+s9+$0xFFFFFFE0 ss:$0x1], $0xffff;
	_ =	sdelay $0x5  }
0x159: {  	[tilespmem:s11+$0xEA00] =	vst.msk vm1, v8  }
0x15a: {  	v8 =	vld.idx.msk [tilespmem:v3+s9+$0x20 ss:$0x1], $0xffff;
	_ =	sdelay $0x3  }
0x15b: {  	s12 =	spop (v2sf)  }
0x15c: {  	vm1 =	vgt.s32 v7, $0x0;
	s13 =	sadd.s32 s12, s11;
	s11 =	spop (v2sf)  }
0x15d: {  	[tilespmem:s13+$0xC180] =	vst.msk vm1, v8;
	s12 =	sadd.s32 s11, s13;
	s11 =	spop (v2sf)  }
0x15e: {  	v7 =	vld.idx.msk [tilespmem:v2+s9+$0x20 ss:$0x1], $0xffff;
	s11 =	sadd.s32 s11, s12;
	_ =	sdelay $0x5  }
0x15f: {  	[tilespmem:s13+$0xEA00] =	vst.msk vm1, v7  }
0x160: {  	v7 =	vld.idx.msk [tilespmem:v1+s9+$0x0 ss:$0x1], $0xffff;
	_ =	sdelay $0x2  }
.Ltmp7:
0x161: {  	(pc) =	sbr.rel @p1 .LBB2_8-.Ltmp7, $4  }
0x162: {  	_ = 	snop  }
0x163: {  	vm1 =	vgt.s32 v6, $0x0  }
0x164: {  	[tilespmem:s12+$0xC180] =	vst.msk vm1, v7  }
0x165: {  	v6 =	vld.idx.msk [tilespmem:v0+s9+$0x0 ss:$0x1], $0xffff  }
0x166: {  	_ =	sdelay $0x3  }
0x167: {  	s9 =	sshra.s32 s16, $0x2;
	[tilespmem:s12+$0xEA00] =	vst.msk vm1, v6  }
0x168: {  	v6 =	vld.idx.msk [tilespmem:v5+s9+$0xFFFFFF90 ss:$0x1], $0xffff;
	_ =	sdelay $0x4  }
0x169: {  	(xrf0) =	vadd.scan.msk.s32 $0xffff, v6  }
0x16a: {  	v7 =	vld.idx.msk [tilespmem:v5+s9+$0x0 ss:$0x1], $0xffff  }
0x16b: {  	v8 =	vld.idx.msk [tilespmem:v4+s9+$0x20 ss:$0x1], $0xffff  }
0x16c: {  	v9 =	vld.idx.msk [tilespmem:v1+s9+$0xFFFFFF90 ss:$0x1], $0xffff  }
0x16d: {  	v10 =	vld.idx.msk [tilespmem:v5+s9+$0xFFFFFFE0 ss:$0x1], $0xffff  }
0x16e: {  	v11 =	vld.idx.msk [tilespmem:v4+s9+$0x0 ss:$0x1], $0xffff  }
0x16f: {  	v13 =	vld.idx.msk [tilespmem:v5+s9+$0xFFFFFFC0 ss:$0x1], $0xffff;
	v12, _, _ =	vpop (xrf0)  }
0x170: {  	v48 =	vld.idx.msk [tilespmem:v5+s9+$0xFFFFFFA0 ss:$0x1], $0xffff;
	(xrf0) =	vadd.scan.msk.s32 $0xffff, v7;
	(v2sf) =	vpush v12, $0xF  }
0x171: {  	(xrf0) =	vadd.scan.msk.s32 $0xffff, v8  }
0x172: {  	(xrf0) =	vadd.scan.msk.s32 $0xffff, v10  }
0x173: {  	(xrf0) =	vadd.scan.msk.s32 $0xffff, v11  }
0x174: {  	vm1 =	vgt.s32 v6, $0x0;
	(xrf0) =	vadd.scan.msk.s32 $0xffff, v13  }
0x175: {  	v49 =	vld.idx.msk [tilespmem:v4+s9+$0xFFFFFFE0 ss:$0x1], $0xffff;
	[tilespmem:s11+$0xC180] =	vst.msk vm1, v9;
	(xrf0) =	vadd.scan.msk.s32 $0xffff, v48  }
0x176: {  	v50 =	vld.idx.msk [tilespmem:v0+s9+$0xFFFFFF90 ss:$0x1], $0xffff;
	v51, _, _ =	vpop (xrf0)  }
0x177: {  	v52, _, _ =	vpop (xrf0)  }
0x178: {  	v14, _, _ =	vpop (xrf0)  }
0x179: {  	v15, _, _ =	vpop (xrf0)  }
0x17a: {  	v16, _, _ =	vpop (xrf0)  }
0x17b: {  	[tilespmem:s11+$0xEA00] =	vst.msk vm1, v50;
	v53, _, _ =	vpop (xrf0)  }
0x17c: {  	v17 =	vld.idx.msk [tilespmem:v1+s9+$0xFFFFFFA0 ss:$0x1], $0xffff;
	(v2sf) =	vpush v53, $0xF;
	_ =	sdelay $0x2  }
0x17d: {  	s15 =	spop (v2sf)  }
0x17e: {  	vm1 =	vgt.s32 v48, $0x0;
	s16 =	sadd.s32 s11, s15  }
0x17f: {  	(xrf0) =	vadd.scan.msk.s32 $0xffff, v49;
	[tilespmem:s16+$0xC180] =	vst.msk vm1, v17  }
0x180: {  	v54 =	vld.idx.msk [tilespmem:v0+s9+$0xFFFFFFA0 ss:$0x1], $0xffff;
	_ =	sdelay $0x4  }
0x181: {  	v55, _, _ =	vpop (xrf0);
	[tilespmem:s16+$0xEA00] =	vst.msk vm1, v54  }
0x182: {  	(v2sf) =	vpush v55, $0xF;
	v5 =	vld.idx.msk [tilespmem:v3+s9+$0xFFFFFFE0 ss:$0x1], $0xffff;
	_ =	sdelay $0x2  }
0x183: {  	s17 =	spop (v2sf)  }
0x184: {  	vm1 =	vgt.s32 v49, $0x0;
	s11 =	sadd.s32 s17, s16  }
0x185: {  	[tilespmem:s11+$0xC180] =	vst.msk vm1, v5  }
0x186: {  	v56 =	vld.idx.msk [tilespmem:v2+s9+$0xFFFFFFE0 ss:$0x1], $0xffff;
	_ =	sdelay $0x4  }
0x187: {  	[tilespmem:s11+$0xEA00] =	vst.msk vm1, v56  }
0x188: {  	(v2sf) =	vpush v16, $0xF;
	v4 =	vld.idx.msk [tilespmem:v1+s9+$0xFFFFFFC0 ss:$0x1], $0xffff;
	_ =	sdelay $0x2  }
0x189: {  	s30 =	spop (v2sf)  }
0x18a: {  	vm1 =	vgt.s32 v13, $0x0;
	s11 =	sadd.s32 s30, s11  }
0x18b: {  	[tilespmem:s11+$0xC180] =	vst.msk vm1, v4  }
0x18c: {  	v4 =	vld.idx.msk [tilespmem:v0+s9+$0xFFFFFFC0 ss:$0x1], $0xffff;
	_ =	sdelay $0x4  }
0x18d: {  	[tilespmem:s11+$0xEA00] =	vst.msk vm1, v4  }
0x18e: {  	(v2sf) =	vpush v15, $0xF;
	v4 =	vld.idx.msk [tilespmem:v3+s9+$0x0 ss:$0x1], $0xffff;
	_ =	sdelay $0x2  }
0x18f: {  	s8 =	spop (v2sf)  }
0x190: {  	vm1 =	vgt.s32 v11, $0x0;
	s11 =	sadd.s32 s8, s11  }
0x191: {  	[tilespmem:s11+$0xC180] =	vst.msk vm1, v4  }
0x192: {  	v4 =	vld.idx.msk [tilespmem:v2+s9+$0x0 ss:$0x1], $0xffff;
	_ =	sdelay $0x4  }
0x193: {  	[tilespmem:s11+$0xEA00] =	vst.msk vm1, v4  }
0x194: {  	(v2sf) =	vpush v14, $0xF;
	v4 =	vld.idx.msk [tilespmem:v1+s9+$0xFFFFFFE0 ss:$0x1], $0xffff;
	_ =	sdelay $0x2  }
0x195: {  	s13 =	spop (v2sf)  }
0x196: {  	vm1 =	vgt.s32 v10, $0x0;
	s11 =	sadd.s32 s13, s11  }
0x197: {  	[tilespmem:s11+$0xC180] =	vst.msk vm1, v4  }
0x198: {  	v4 =	vld.idx.msk [tilespmem:v0+s9+$0xFFFFFFE0 ss:$0x1], $0xffff;
	_ =	sdelay $0x4  }
0x199: {  	[tilespmem:s11+$0xEA00] =	vst.msk vm1, v4  }
0x19a: {  	(v2sf) =	vpush v52, $0xF;
	v57 =	vld.idx.msk [tilespmem:v3+s9+$0x20 ss:$0x1], $0xffff;
	_ =	sdelay $0x2  }
0x19b: {  	s15 =	spop (v2sf)  }
0x19c: {  	vm1 =	vgt.s32 v8, $0x0;
	s11 =	sadd.s32 s15, s11  }
0x19d: {  	[tilespmem:s11+$0xC180] =	vst.msk vm1, v57  }
0x19e: {  	v58 =	vld.idx.msk [tilespmem:v2+s9+$0x20 ss:$0x1], $0xffff;
	_ =	sdelay $0x4  }
0x19f: {  	[tilespmem:s11+$0xEA00] =	vst.msk vm1, v58  }
0x1a0: {  	v59 =	vld.idx.msk [tilespmem:v1+s9+$0x0 ss:$0x1], $0xffff;
	_ =	sdelay $0x2  }
0x1a1: {  	s16 =	spop (v2sf)  }
0x1a2: {  	s11 =	sadd.s32 s16, s11;
	vm1 =	vgt.s32 v7, $0x0  }
0x1a3: {  	[tilespmem:s11+$0xC180] =	vst.msk vm1, v59  }
0x1a4: {  	v60 =	vld.idx.msk [tilespmem:v0+s9+$0x0 ss:$0x1], $0xffff;
	_ =	sdelay $0x2  }
0x1a5: {  	s3 =	sadd.s32 $0x2000, s3  }
0x1a6: {  	s3 =	sand.u32 $0x6000, s3  }
0x1a7: {  	s3 =	sor.u32 s14, s3;
	[tilespmem:s11+$0xEA00] =	vst.msk vm1, v60  }
0x1a8: {  	v0 =	vld [tilespmem:s3+$0x0];
	_ =	sdelay $0x4  }
0x1a9: {  	(v2sf) =	vpush v51, $0xF;
	(xrf0) =	vadd.scan.msk.s32 $0xffff, v0;
	_ =	sdelay $0x5  }
0x1aa: {  	v61, _, _ =	vpop (xrf0)  }
0x1ab: {  	(v2sf) =	vpush v61, $0xF;
	_ =	sdelay $0x4  }
0x1ac: {  	v62 =	vld [tilespmem:s3+$0x4080];
	_ =	sdelay $0x2  }
0x1ad: {  	s17 =	spop (v2sf)  }
0x1ae: {  	s9 =	sadd.s32 s17, s11;
	vm1 =	vgt.s32 v0, $0x0  }
0x1af: {  	[tilespmem:s9+$0xC180] =	vst.msk vm1, v62  }
0x1b0: {  	v63 =	vld [tilespmem:s3+$0x8100];
	_ =	sdelay $0x3  }
0x1b1: {  	s30 =	spop (v2sf)  }
0x1b2: {  	[tilespmem:s9+$0xEA00] =	vst.msk vm1, v63;
	s9 =	sadd.s32 s9, s30  }
.LBB2_10:
0x1b3: {  	s3 =	sshra.s32 s9, $0xB  }
0x1b4: {  	p1 =	slt.s32 s3, $0x1  }
.Ltmp8:
0x1b5: {  	_ = 	snop;
	(pc) =	sbr.rel @p1 .LBB2_17-.Ltmp8, $2  }
0x1b6: {  	_ =	sdelay $0x2  }
0x1b7: {  	s30 =	smov.u32 s28  }
0x1b8: {  	p2 =	sne.s32 s3, $0x1  }
.Ltmp9:
0x1b9: {  	_ = 	snop;
	(pc) =	sbr.rel @!p2 .LBB2_12-.Ltmp9, $4  }
0x1ba: {  	_ = 	snop  }
0x1bb: {  	s11 =	sshll.u32 s28, $0xB;
	s30 =	sadd.s32 s3, s28  }
0x1bc: {  	s12 =	simm.s32 $0xEA00;
	s15 =	sadd.s32 $0xFFFFFFFF, s3;
	s13 =	sadd.s32 s11, s26  }
0x1bd: {  	p1 =	por $0x0, $0x0;
	s11 =	simm.s32 $0xC180;
	s14 =	sshrl.u32 s13, $0x3  }
0x1be: {  	s16 =	sadd.s32 s1, s14  }
0x1bf: {  	[hbm4b:s16+s4] =	stream.linear.scatter [tilespmem:s11], [sflag:$0x4], $0x800, $0x38;
	[tilespmem:$0x11300] =	vst v63  }
0x1c0: {  	s17 =	sadd.s32 s2, s14;
	p2 =	sne.s32 s15, $0x1  }
0x1c1: {  	[hbm4b:s17+s4] =	stream.linear.scatter [tilespmem:s12], [sflag:$0x5], $0x800, $0x38;
	[tilespmem:$0x11300] =	vst v63  }
.Ltmp10:
0x1c2: {  	_ =	swait.ge [sflag:s23], $0x800;
	(pc) =	sbr.rel @!p2 .LBB2_14-.Ltmp10, $4  }
0x1c3: {  	[sflag:s23] =	ssyncset.done $0x0  }
0x1c4: {  	s15 =	sadd.s32 $0xFFFFFFFF, s15;
	p1 =	por $0x1, $0x1;
	[sflag:s23] =	ssyncadd.s32 $0xFFFFF800  }
0x1c5: {  	s16 =	sadd.s32 $0x800, s13;
	s13 =	simm.s32 $0xC180;
	_ =	swait.ge [sflag:s24], $0x800  }
0x1c6: {  	s14 =	sshrl.u32 s16, $0x3;
	s12 =	simm.s32 $0xF200;
	[sflag:s24] =	ssyncset.done $0x0  }
.LBB2_15:
0x1c7: {  	s8 =	sadd.s32 s1, s14;
	[sflag:s24] =	ssyncadd.s32 $0xFFFFF800;
	s13 =	sadd.s32 $0x800, s13  }
0x1c8: {  	[hbm4b:s8+s4] =	stream.linear.scatter [tilespmem:s13], [sflag:$0x4], $0x800, $0x38;
	[tilespmem:$0x11300] =	vst v63  }
0x1c9: {  	p2 =	sne.s32 s15, $0x1;
	s15 =	sadd.s32 $0xFFFFFFFF, s15;
	s8 =	sadd.s32 s2, s14  }
0x1ca: {  	[hbm4b:s8+s4] =	stream.linear.scatter [tilespmem:s12], [sflag:$0x5], $0x800, $0x38;
	[tilespmem:$0x11300] =	vst v63  }
.Ltmp11:
0x1cb: {  	_ =	swait.ge [sflag:s23], $0x800;
	(pc) =	sbr.rel @p2 .LBB2_15-.Ltmp11, $4  }
0x1cc: {  	[sflag:s23] =	ssyncset.done $0x0  }
0x1cd: {  	[sflag:s23] =	ssyncadd.s32 $0xFFFFF800  }
0x1ce: {  	s16 =	sadd.s32 $0x800, s16;
	_ =	swait.ge [sflag:s24], $0x800  }
0x1cf: {  	s14 =	sshrl.u32 s16, $0x3;
	s12 =	sadd.s32 $0x800, s12;
	[sflag:s24] =	ssyncset.done $0x0  }
.LBB2_16:
0x1d0: {  	s8 =	sadd.s32 @p1 $0x800, s13  }
0x1d1: {  	s16 =	sadd.s32 s1, s14;
	[sflag:s24] =	ssyncadd.s32 @p1 $0xFFFFF800;
	s11 =	smov.u32 @p1 s8  }
0x1d2: {  	[hbm4b:s16+s4] =	stream.linear.scatter [tilespmem:s11], [sflag:$0x4], $0x800, $0x38;
	[tilespmem:$0x11300] =	vst v63  }
0x1d3: {  	s17 =	sadd.s32 s2, s14  }
0x1d4: {  	[hbm4b:s17+s4] =	stream.linear.scatter [tilespmem:s12], [sflag:$0x5], $0x800, $0x38;
	[tilespmem:$0x11300] =	vst v63  }
0x1d5: {  	_ =	swait.ge [sflag:s23], $0x800  }
0x1d6: {  	[sflag:s23] =	ssyncset.done $0x0  }
0x1d7: {  	[sflag:s23] =	ssyncadd.s32 $0xFFFFF800  }
0x1d8: {  	_ =	swait.ge [sflag:s24], $0x800  }
0x1d9: {  	[sflag:s24] =	ssyncset.done $0x0  }
0x1da: {  	[sflag:s24] =	ssyncadd.s32 $0xFFFFF800  }
.LBB2_17:
0x1db: {  	s16 =	sand.u32 $0x7FF, s9  }
0x1dc: {  	s8 =	sadd.s32 $0xF, s16  }
0x1dd: {  	s11 =	sshrl.u32 s8, $0x4  }
0x1de: {  	p1 =	seq.s32 s11, $0x0  }
.Ltmp12:
0x1df: {  	_ = 	snop;
	(pc) =	sbr.rel @p1 .LBB2_2-.Ltmp12, $1  }
0x1e0: {  	_ =	sdelay $0x3  }
0x1e1: {  	s9 =	sand.u32 $0xFFFFF800, s9  }
0x1e2: {  	s8 =	simm.s32 $0x0;
	s12 =	sadd.s32 $0x0, s9  }
0x1e3: {  	s8 =	sand.u32 $0x70, s8;
	s12 =	sand.u32 $0xFFFFFF80, s12  }
0x1e4: {  	s8 =	sor.u32 s8, s12  }
0x1e5: {  	v0 =	vld [tilespmem:s8+$0xC180];
	_ =	sdelay $0x1  }
0x1e6: {  	s12 =	sshll.u32 s11, $0x4  }
0x1e7: {  	p2 =	seq.s32 s12, $0x10  }
.Ltmp13:
0x1e8: {  	s17 =	simm.s32 $0xC180;
	(pc) =	sbr.rel @p2 .LBB2_19-.Ltmp13, $3  }
0x1e9: {  	[tilespmem:s17+$0x0] =	vst v0  }
0x1ea: {  	v0 =	vld [tilespmem:s8+$0xEA00];
	_ =	sdelay $0x1  }
0x1eb: {  	s13 =	simm.s32 $0x10;
	p1 =	por $0x0, $0x0;
	s11 =	simm.s32 $0xEA00  }
0x1ec: {  	s8 =	sadd.s32 $0x10, s9  }
0x1ed: {  	s13 =	sand.u32 $0x70, s13;
	s8 =	sand.u32 $0xFFFFFF80, s8  }
0x1ee: {  	s8 =	sor.u32 s13, s8;
	[tilespmem:s11+$0x0] =	vst v0  }
0x1ef: {  	v0 =	vld [tilespmem:s8+$0xC180];
	_ =	sdelay $0x2  }
0x1f0: {  	p2 =	seq.s32 s12, $0x20  }
.Ltmp14:
0x1f1: {  	s13 =	simm.s32 $0xC190;
	(pc) =	sbr.rel @p2 .LBB2_21-.Ltmp14, $3  }
0x1f2: {  	[tilespmem:s13+$0x0] =	vst v0  }
0x1f3: {  	v0 =	vld [tilespmem:s8+$0xEA00];
	_ =	sdelay $0x1  }
0x1f4: {  	s15 =	simm.s32 $0x20;
	p1 =	por $0x1, $0x1;
	s14 =	simm.s32 $0xEA00  }
.LBB2_22:
0x1f5: {  	s8 =	sadd.s32 s15, s9  }
0x1f6: {  	s14 =	sadd.s32 $0x10, s14;
	s17 =	smov.u32 s15;
	s15 =	sadd.s32 $0x10, s15  }
0x1f7: {  	s8 =	sand.u32 $0xFFFFFF80, s8;
	s17 =	sand.u32 $0x70, s17;
	p2 =	seq.s32 s12, s15  }
0x1f8: {  	s8 =	sor.u32 s17, s8;
	[tilespmem:s14+$0x0] =	vst v0  }
0x1f9: {  	v0 =	vld [tilespmem:s8+$0xC180];
	_ =	sdelay $0x1  }
.Ltmp15:
0x1fa: {  	(pc) =	sbr.rel @!p2 .LBB2_22-.Ltmp15, $4  }
0x1fb: {  	_ = 	snop  }
0x1fc: {  	s13 =	sadd.s32 $0x10, s13  }
0x1fd: {  	[tilespmem:s13+$0x0] =	vst v0  }
0x1fe: {  	v0 =	vld [tilespmem:s8+$0xEA00]  }
.Ltmp16:
0x1ff: {  	_ = 	snop;
	(pc) =	sbr.rel .LBB2_23-.Ltmp16, $1  }
0x200: {  	_ =	sdelay $0x3  }
.LBB2_12:
.Ltmp17:
0x201: {  	(pc) =	sbr.rel .LBB2_16-.Ltmp17, $2  }
0x202: {  	_ =	sdelay $0x2  }
0x203: {  	s13 =	simm.s32 $0xC180  }
.LBB2_14:
.Ltmp18:
0x204: {  	(pc) =	sbr.rel .LBB2_16-.Ltmp18, $2  }
0x205: {  	_ =	sdelay $0x2  }
0x206: {  	s13 =	simm.s32 $0xC180  }
.LBB2_21:
.Ltmp19:
0x207: {  	(pc) =	sbr.rel .LBB2_23-.Ltmp19, $2  }
0x208: {  	_ =	sdelay $0x2  }
0x209: {  	s14 =	simm.s32 $0xEA00  }
.LBB2_24:
0x20a: {  	s0 =	sadd.s32 $0xF, s31  }
0x20b: {  	s8 =	sand.u32 $0xFFFFFFF0, s0  }
0x20c: {  	p1 =	slt.s32 s8, $0x61A80  }
0x20d: {  	s0 =	sshll.u32 s30, $0xB;
	s8 =	simm.s32 @!p1 $0x61A80  }
0x20e: {  	s17 =	sor.u32 s0, s16;
	s31 =	ssub.s32 s8, s26  }
0x20f: {  	s8 =	rddreg [dreg:$0x4];
	p1 =	sge.s32 s17, s31  }
0x210: {  	p2 =	seq.s32 @!p1 s8, $0x1F  }
0x211: {  	p2 =	por p1, p2  }
.Ltmp20:
0x212: {  	_ = 	snop;
	(pc) =	sbr.rel @p2 .LBB2_51-.Ltmp20, $1  }
0x213: {  	_ =	sdelay $0x3  }
.Ltmp21:
0x214: {  	(pc) =	sbr.rel .LBB2_26-.Ltmp21, $2  }
0x215: {  	_ =	sdelay $0x2  }
0x216: {  	s14 =	rddreg [dreg:$0x9]  }
.LBB2_33:
0x217: {  	s8 =	sadd.s32 s0, s16  }
0x218: {  	p1 =	sge.s32 s8, s31  }
0x219: {  	p2 =	slt.u32 @!p1 s14, $0x401D00  }
0x21a: {  	p2 =	por p1, !p2  }
.Ltmp22:
0x21b: {  	_ = 	snop;
	(pc) =	sbr.rel @p2 .LBB2_34-.Ltmp22, $2  }
0x21c: {  	_ =	sdelay $0x2  }
0x21d: {  	s14 =	sadd.s32 $0x300, s14  }
.LBB2_26:
0x21e: {  	s8 =	sshrl.u32 s14, $0x3  }
0x21f: {  	s9 =	simm.s32 $0x0;
	s11 =	sadd.s32 s7, s8  }
0x220: {  	[tilespmem:s9], [sflag:$0x1] =	stream.linear.gather [hbm4b:s11+s9], $0x300, $0x38;
	[tilespmem:$0x11300] =	vst v63  }
0x221: {  	s17 =	sadd.s32 s5, s8  }
0x222: {  	[tilespmem:s18], [sflag:$0x2] =	stream.linear.gather [hbm4b:s17+s9], $0x300, $0x38;
	[tilespmem:$0x11300] =	vst v63  }
0x223: {  	s8 =	sadd.s32 s6, s8  }
0x224: {  	[tilespmem:s19], [sflag:$0x3] =	stream.linear.gather [hbm4b:s8+s9], $0x300, $0x38;
	[tilespmem:$0x11300] =	vst v63  }
0x225: {  	_ =	swait.ge [sflag:s20], $0x300  }
0x226: {  	[sflag:s20] =	ssyncset.done $0x0  }
0x227: {  	[sflag:s20] =	ssyncadd.s32 $0xFFFFFD00  }
0x228: {  	p1 =	slt.s32 s29, $0x1;
	_ =	swait.ge [sflag:s21], $0x300  }
.Ltmp23:
0x229: {  	[sflag:s21] =	ssyncset.done $0x0;
	(pc) =	sbr.rel @p1 .LBB2_30-.Ltmp23, $4  }
0x22a: {  	[sflag:s21] =	ssyncadd.s32 $0xFFFFFD00  }
0x22b: {  	_ =	swait.ge [sflag:s22], $0x300  }
0x22c: {  	[sflag:s22] =	ssyncset.done $0x0  }
0x22d: {  	[sflag:s22] =	ssyncadd.s32 $0xFFFFFD00  }
0x22e: {  	s8 =	sshra.s32 s9, $0x2  }
0x22f: {  	v0 =	vld [tilespmem:s8+$0x0];
	_ =	sdelay $0x4  }
0x230: {  	(xrf0) =	vadd.scan.msk.s32 $0xffff, v0;
	_ =	sdelay $0x3  }
0x231: {  	v1 =	vld [tilespmem:s8+$0x4080];
	_ =	sdelay $0x1  }
0x232: {  	v2, _, _ =	vpop (xrf0)  }
0x233: {  	vm1 =	vgt.s32 v0, $0x0;
	vm2 =	vgt.s32 v2, s29;
	(v2sf) =	vpush v2, $0xF  }
0x234: {  	vm1 =	vmand vm1, vm2  }
0x235: {  	[tilespmem:s16+$0xC180] =	vst.msk vm1, v1  }
0x236: {  	v63 =	vld [tilespmem:s8+$0x8100];
	_ =	sdelay $0x3  }
0x237: {  	s17 =	sadd.s32 $0x40, s9  }
0x238: {  	s9 =	sshra.s32 s17, $0x2;
	s11 =	sadd.s32 $0x40, s17;
	[tilespmem:s16+$0xEA00] =	vst.msk vm1, v63  }
.LBB2_28:
0x239: {  	p1 =	seq.s32 s11, $0xBC0;
	v0 =	vld [tilespmem:s9+$0x0]  }
0x23a: {  	v1 =	vld [tilespmem:s9+$0x4080];
	_ =	sdelay $0x3  }
0x23b: {  	vm1 =	vgt.s32 v0, $0x0;
	(xrf0) =	vadd.scan.msk.s32 $0xffff, v0  }
0x23c: {  	s8 =	spop (v2sf)  }
0x23d: {  	p2 =	slt.s32 s29, s8;
	s12 =	sadd.s32 s16, s8  }
0x23e: {  	s8 =	smov.u32 @p2 s29  }
0x23f: {  	s16 =	ssub.s32 s12, s8;
	s29 =	ssub.s32 s29, s8;
	_ =	sdelay $0x1  }
0x240: {  	v0, _, _ =	vpop (xrf0)  }
0x241: {  	vm2 =	vgt.s32 v0, s29;
	(v2sf) =	vpush v0, $0xF  }
0x242: {  	vm1 =	vmand vm1, vm2  }
0x243: {  	[tilespmem:s16+$0xC180] =	vst.msk vm1, v1  }
0x244: {  	v0 =	vld [tilespmem:s9+$0x8100]  }
.Ltmp24:
0x245: {  	(pc) =	sbr.rel @!p1 .LBB2_28-.Ltmp24, $2  }
0x246: {  	_ =	sdelay $0x2  }
0x247: {  	s9 =	sshra.s32 s11, $0x2;
	s11 =	sadd.s32 $0x40, s11;
	[tilespmem:s16+$0xEA00] =	vst.msk vm1, v0  }
0x248: {  	v0 =	vld [tilespmem:s9+$0x0];
	_ =	sdelay $0x4  }
0x249: {  	(xrf0) =	vadd.scan.msk.s32 $0xffff, v0;
	_ =	sdelay $0x5  }
0x24a: {  	v1, _, _ =	vpop (xrf0)  }
0x24b: {  	(v2sf) =	vpush v1, $0xF;
	_ =	sdelay $0x5  }
0x24c: {  	s8 =	spop (v2sf)  }
0x24d: {  	v2 =	vld [tilespmem:s9+$0x4080];
	p1 =	slt.s32 s29, s8  }
0x24e: {  	s11 =	sadd.s32 s16, s8;
	s8 =	smov.u32 @p1 s29  }
0x24f: {  	s12 =	ssub.s32 s29, s8  }
0x250: {  	vm1 =	vgt.s32 v0, $0x0;
	vm2 =	vgt.s32 v1, s12  }
0x251: {  	s8 =	ssub.s32 s11, s8;
	vm1 =	vmand vm1, vm2  }
0x252: {  	[tilespmem:s8+$0xC180] =	vst.msk vm1, v2  }
0x253: {  	v63 =	vld [tilespmem:s9+$0x8100]  }
.Ltmp25:
0x254: {  	_ = 	snop;
	(pc) =	sbr.rel .LBB2_33-.Ltmp25, $4  }
0x255: {  	s9 =	spop (v2sf)  }
0x256: {  	p1 =	slt.s32 s12, s9  }
0x257: {  	s11 =	sadd.s32 s8, s9;
	s9 =	smov.u32 @p1 s12  }
0x258: {  	[tilespmem:s8+$0xEA00] =	vst.msk vm1, v63;
	s16 =	ssub.s32 s11, s9;
	s29 =	ssub.s32 s12, s9  }
.LBB2_30:
0x259: {  	s11 =	simm.s32 $0x0  }
0x25a: {  	v0 =	vld [tilespmem:s11+$0x0];
	_ =	sdelay $0x4  }
0x25b: {  	(xrf0) =	vadd.scan.msk.s32 $0xffff, v0;
	_ =	sdelay $0x3  }
0x25c: {  	v1 =	vld [tilespmem:s11+$0x70]  }
0x25d: {  	v2 =	vld [tilespmem:s11+$0x60]  }
0x25e: {  	v3 =	vld [tilespmem:s11+$0x4080];
	v4, _, _ =	vpop (xrf0)  }
0x25f: {  	v5 =	vld [tilespmem:s11+$0x10];
	(v2sf) =	vpush v4, $0xF;
	_ =	sdelay $0x1  }
0x260: {  	v61 =	vld [tilespmem:s11+$0x50]  }
0x261: {  	v6 =	vld [tilespmem:s11+$0x40];
	(xrf0) =	vadd.scan.msk.s32 $0xffff, v1  }
0x262: {  	v7 =	vld [tilespmem:s11+$0x30];
	vm1 =	vgt.s32 v0, $0x0;
	(xrf0) =	vadd.scan.msk.s32 $0xffff, v2  }
0x263: {  	v0 =	vld [tilespmem:s11+$0x20];
	[tilespmem:s16+$0xC180] =	vst.msk vm1, v3;
	(xrf0) =	vadd.scan.msk.s32 $0xffff, v5  }
0x264: {  	v3 =	vld [tilespmem:s11+$0x8100];
	_ =	sdelay $0x2  }
0x265: {  	v8, _, _ =	vpop (xrf0)  }
0x266: {  	v9, _, _ =	vpop (xrf0)  }
0x267: {  	[tilespmem:s16+$0xEA00] =	vst.msk vm1, v3;
	v3, _, _ =	vpop (xrf0)  }
0x268: {  	v10 =	vld [tilespmem:s11+$0x4090];
	(v2sf) =	vpush v3, $0xF;
	_ =	sdelay $0x1  }
0x269: {  	(xrf0) =	vadd.scan.msk.s32 $0xffff, v61  }
0x26a: {  	(xrf0) =	vadd.scan.msk.s32 $0xffff, v6;
	s8 =	spop (v2sf)  }
0x26b: {  	vm1 =	vgt.s32 v5, $0x0;
	(xrf0) =	vadd.scan.msk.s32 $0xffff, v7;
	s8 =	sadd.s32 s16, s8  }
0x26c: {  	(xrf0) =	vadd.scan.msk.s32 $0xffff, v0;
	[tilespmem:s8+$0xC180] =	vst.msk vm1, v10  }
0x26d: {  	v3 =	vld [tilespmem:s11+$0x8110];
	_ =	sdelay $0x1  }
0x26e: {  	v62, _, _ =	vpop (xrf0)  }
0x26f: {  	v63, _, _ =	vpop (xrf0)  }
0x270: {  	v11, _, _ =	vpop (xrf0)  }
0x271: {  	v12, _, _ =	vpop (xrf0);
	[tilespmem:s8+$0xEA00] =	vst.msk vm1, v3  }
0x272: {  	(v2sf) =	vpush v12, $0xF;
	v3 =	vld [tilespmem:s11+$0x40A0];
	_ =	sdelay $0x2  }
0x273: {  	s9 =	spop (v2sf)  }
0x274: {  	vm1 =	vgt.s32 v0, $0x0;
	s8 =	sadd.s32 s9, s8  }
0x275: {  	[tilespmem:s8+$0xC180] =	vst.msk vm1, v3  }
0x276: {  	v0 =	vld [tilespmem:s11+$0x8120];
	_ =	sdelay $0x4  }
0x277: {  	[tilespmem:s8+$0xEA00] =	vst.msk vm1, v0  }
0x278: {  	(v2sf) =	vpush v11, $0xF;
	v0 =	vld [tilespmem:s11+$0x40B0];
	_ =	sdelay $0x2  }
0x279: {  	s17 =	spop (v2sf)  }
0x27a: {  	vm1 =	vgt.s32 v7, $0x0;
	s8 =	sadd.s32 s17, s8  }
0x27b: {  	[tilespmem:s8+$0xC180] =	vst.msk vm1, v0  }
0x27c: {  	v0 =	vld [tilespmem:s11+$0x8130];
	_ =	sdelay $0x4  }
0x27d: {  	[tilespmem:s8+$0xEA00] =	vst.msk vm1, v0  }
0x27e: {  	(v2sf) =	vpush v63, $0xF;
	v0 =	vld [tilespmem:s11+$0x40C0];
	_ =	sdelay $0x2  }
0x27f: {  	s12 =	spop (v2sf)  }
0x280: {  	vm1 =	vgt.s32 v6, $0x0;
	s8 =	sadd.s32 s12, s8  }
0x281: {  	[tilespmem:s8+$0xC180] =	vst.msk vm1, v0  }
0x282: {  	v0 =	vld [tilespmem:s11+$0x8140];
	_ =	sdelay $0x4  }
0x283: {  	[tilespmem:s8+$0xEA00] =	vst.msk vm1, v0  }
0x284: {  	(v2sf) =	vpush v62, $0xF;
	v0 =	vld [tilespmem:s11+$0x40D0];
	_ =	sdelay $0x2  }
0x285: {  	s13 =	spop (v2sf)  }
0x286: {  	vm1 =	vgt.s32 v61, $0x0;
	s8 =	sadd.s32 s13, s8  }
0x287: {  	[tilespmem:s8+$0xC180] =	vst.msk vm1, v0  }
0x288: {  	v0 =	vld [tilespmem:s11+$0x8150];
	_ =	sdelay $0x4  }
0x289: {  	[tilespmem:s8+$0xEA00] =	vst.msk vm1, v0  }
0x28a: {  	(v2sf) =	vpush v9, $0xF;
	v0 =	vld [tilespmem:s11+$0x40E0];
	_ =	sdelay $0x1  }
0x28b: {  	(v2sf) =	vpush v8, $0xF  }
0x28c: {  	s15 =	spop (v2sf)  }
0x28d: {  	vm1 =	vgt.s32 v2, $0x0;
	s8 =	sadd.s32 s15, s8  }
0x28e: {  	[tilespmem:s8+$0xC180] =	vst.msk vm1, v0  }
0x28f: {  	v0 =	vld [tilespmem:s11+$0x8160];
	_ =	sdelay $0x4  }
0x290: {  	[tilespmem:s8+$0xEA00] =	vst.msk vm1, v0  }
0x291: {  	v0 =	vld [tilespmem:s11+$0x40F0];
	_ =	sdelay $0x2  }
0x292: {  	s16 =	spop (v2sf)  }
0x293: {  	s13 =	sadd.s32 s16, s8;
	vm1 =	vgt.s32 v1, $0x0  }
0x294: {  	s17 =	spop (v2sf);
	[tilespmem:s13+$0xC180] =	vst.msk vm1, v0  }
0x295: {  	s9 =	simm.s32 $0x200;
	s16 =	simm.s32 $0x400;
	s12 =	sadd.s32 s17, s13;
	v0 =	vld [tilespmem:s11+$0x8170]  }
.LBB2_31:
0x296: {  	_ =	sdelay $0x2  }
0x297: {  	p1 =	sne.s32 s16, $0xA00  }
0x298: {  	s11 =	sshra.s32 s9, $0x2;
	s9 =	smov.u32 s16;
	s16 =	sadd.s32 $0x200, s16;
	[tilespmem:s13+$0xEA00] =	vst.msk vm1, v0  }
0x299: {  	v0 =	vld [tilespmem:s11+$0x0];
	_ =	sdelay $0x4  }
0x29a: {  	vm1 =	vgt.s32 v0, $0x0;
	(xrf0) =	vadd.scan.msk.s32 $0xffff, v0;
	_ =	sdelay $0x3  }
0x29b: {  	v0 =	vld [tilespmem:s11+$0x70]  }
0x29c: {  	v1 =	vld [tilespmem:s11+$0x60]  }
0x29d: {  	v2 =	vld [tilespmem:s11+$0x4080];
	v3, _, _ =	vpop (xrf0)  }
0x29e: {  	v4 =	vld [tilespmem:s11+$0x10];
	(v2sf) =	vpush v3, $0xF  }
0x29f: {  	v3 =	vld [tilespmem:s11+$0x50]  }
0x2a0: {  	v5 =	vld [tilespmem:s11+$0x40];
	(xrf0) =	vadd.scan.msk.s32 $0xffff, v0  }
0x2a1: {  	v6 =	vld [tilespmem:s11+$0x30];
	(xrf0) =	vadd.scan.msk.s32 $0xffff, v1  }
0x2a2: {  	v7 =	vld [tilespmem:s11+$0x20]  }
0x2a3: {  	[tilespmem:s12+$0xC180] =	vst.msk vm1, v2;
	(xrf0) =	vadd.scan.msk.s32 $0xffff, v4  }
0x2a4: {  	v2 =	vld [tilespmem:s11+$0x8100];
	(xrf0) =	vadd.scan.msk.s32 $0xffff, v3  }
0x2a5: {  	(xrf0) =	vadd.scan.msk.s32 $0xffff, v5  }
0x2a6: {  	(xrf0) =	vadd.scan.msk.s32 $0xffff, v6;
	v8, _, _ =	vpop (xrf0)  }
0x2a7: {  	(xrf0) =	vadd.scan.msk.s32 $0xffff, v7;
	v9, _, _ =	vpop (xrf0);
	_ =	sdelay $0x1  }
0x2a8: {  	[tilespmem:s12+$0xEA00] =	vst.msk vm1, v2;
	v2, _, _ =	vpop (xrf0)  }
0x2a9: {  	v10 =	vld [tilespmem:s11+$0x4090];
	(v2sf) =	vpush v2, $0xF;
	v2, _, _ =	vpop (xrf0)  }
0x2aa: {  	v11, _, _ =	vpop (xrf0)  }
0x2ab: {  	v12, _, _ =	vpop (xrf0)  }
0x2ac: {  	s8 =	spop (v2sf);
	v13, _, _ =	vpop (xrf0)  }
0x2ad: {  	vm1 =	vgt.s32 v4, $0x0;
	s8 =	sadd.s32 s12, s8  }
0x2ae: {  	[tilespmem:s8+$0xC180] =	vst.msk vm1, v10  }
0x2af: {  	v4 =	vld [tilespmem:s11+$0x8110];
	_ =	sdelay $0x4  }
0x2b0: {  	[tilespmem:s8+$0xEA00] =	vst.msk vm1, v4  }
0x2b1: {  	v4 =	vld [tilespmem:s11+$0x40A0];
	(v2sf) =	vpush v13, $0xF;
	_ =	sdelay $0x2  }
0x2b2: {  	s12 =	spop (v2sf)  }
0x2b3: {  	vm1 =	vgt.s32 v7, $0x0;
	s8 =	sadd.s32 s12, s8  }
0x2b4: {  	[tilespmem:s8+$0xC180] =	vst.msk vm1, v4  }
0x2b5: {  	v4 =	vld [tilespmem:s11+$0x8120];
	_ =	sdelay $0x4  }
0x2b6: {  	[tilespmem:s8+$0xEA00] =	vst.msk vm1, v4  }
0x2b7: {  	v4 =	vld [tilespmem:s11+$0x40B0];
	(v2sf) =	vpush v12, $0xF;
	_ =	sdelay $0x2  }
0x2b8: {  	s12 =	spop (v2sf)  }
0x2b9: {  	vm1 =	vgt.s32 v6, $0x0;
	s8 =	sadd.s32 s12, s8  }
0x2ba: {  	[tilespmem:s8+$0xC180] =	vst.msk vm1, v4  }
0x2bb: {  	v4 =	vld [tilespmem:s11+$0x8130];
	_ =	sdelay $0x4  }
0x2bc: {  	[tilespmem:s8+$0xEA00] =	vst.msk vm1, v4  }
0x2bd: {  	v4 =	vld [tilespmem:s11+$0x40C0];
	(v2sf) =	vpush v11, $0xF;
	_ =	sdelay $0x2  }
0x2be: {  	s12 =	spop (v2sf)  }
0x2bf: {  	vm1 =	vgt.s32 v5, $0x0;
	s8 =	sadd.s32 s12, s8  }
0x2c0: {  	[tilespmem:s8+$0xC180] =	vst.msk vm1, v4  }
0x2c1: {  	v4 =	vld [tilespmem:s11+$0x8140];
	_ =	sdelay $0x4  }
0x2c2: {  	[tilespmem:s8+$0xEA00] =	vst.msk vm1, v4  }
0x2c3: {  	v4 =	vld [tilespmem:s11+$0x40D0];
	(v2sf) =	vpush v2, $0xF;
	_ =	sdelay $0x2  }
0x2c4: {  	s12 =	spop (v2sf)  }
0x2c5: {  	vm1 =	vgt.s32 v3, $0x0;
	s8 =	sadd.s32 s12, s8  }
0x2c6: {  	[tilespmem:s8+$0xC180] =	vst.msk vm1, v4  }
0x2c7: {  	v2 =	vld [tilespmem:s11+$0x8150];
	_ =	sdelay $0x4  }
0x2c8: {  	[tilespmem:s8+$0xEA00] =	vst.msk vm1, v2  }
0x2c9: {  	v2 =	vld [tilespmem:s11+$0x40E0];
	(v2sf) =	vpush v9, $0xF  }
0x2ca: {  	(v2sf) =	vpush v8, $0xF;
	_ =	sdelay $0x1  }
0x2cb: {  	s12 =	spop (v2sf)  }
0x2cc: {  	vm1 =	vgt.s32 v1, $0x0;
	s8 =	sadd.s32 s12, s8  }
0x2cd: {  	[tilespmem:s8+$0xC180] =	vst.msk vm1, v2  }
0x2ce: {  	v1 =	vld [tilespmem:s11+$0x8160];
	_ =	sdelay $0x4  }
0x2cf: {  	[tilespmem:s8+$0xEA00] =	vst.msk vm1, v1  }
0x2d0: {  	v1 =	vld [tilespmem:s11+$0x40F0];
	_ =	sdelay $0x1  }
.Ltmp26:
0x2d1: {  	(pc) =	sbr.rel @p1 .LBB2_31-.Ltmp26, $4  }
0x2d2: {  	s12 =	spop (v2sf)  }
0x2d3: {  	vm1 =	vgt.s32 v0, $0x0;
	s13 =	sadd.s32 s12, s8;
	s8 =	spop (v2sf)  }
0x2d4: {  	[tilespmem:s13+$0xC180] =	vst.msk vm1, v1;
	s12 =	sadd.s32 s8, s13  }
0x2d5: {  	v0 =	vld [tilespmem:s11+$0x8170]  }
0x2d6: {  	_ =	sdelay $0x3  }
0x2d7: {  	s9 =	sshra.s32 s9, $0x2;
	[tilespmem:s13+$0xEA00] =	vst.msk vm1, v0  }
0x2d8: {  	v0 =	vld [tilespmem:s9+$0x0];
	_ =	sdelay $0x4  }
0x2d9: {  	(xrf0) =	vadd.scan.msk.s32 $0xffff, v0;
	_ =	sdelay $0x3  }
0x2da: {  	v1 =	vld [tilespmem:s9+$0x70]  }
0x2db: {  	v2 =	vld [tilespmem:s9+$0x60]  }
0x2dc: {  	v3 =	vld [tilespmem:s9+$0x4080];
	v4, _, _ =	vpop (xrf0)  }
0x2dd: {  	v5 =	vld [tilespmem:s9+$0x10];
	(v2sf) =	vpush v4, $0xF;
	_ =	sdelay $0x1  }
0x2de: {  	v57 =	vld [tilespmem:s9+$0x50]  }
0x2df: {  	v6 =	vld [tilespmem:s9+$0x40];
	(xrf0) =	vadd.scan.msk.s32 $0xffff, v1  }
0x2e0: {  	v7 =	vld [tilespmem:s9+$0x30];
	vm1 =	vgt.s32 v0, $0x0;
	(xrf0) =	vadd.scan.msk.s32 $0xffff, v2  }
0x2e1: {  	v58 =	vld [tilespmem:s9+$0x20];
	[tilespmem:s12+$0xC180] =	vst.msk vm1, v3;
	(xrf0) =	vadd.scan.msk.s32 $0xffff, v5  }
0x2e2: {  	v3 =	vld [tilespmem:s9+$0x8100];
	_ =	sdelay $0x2  }
0x2e3: {  	v8, _, _ =	vpop (xrf0)  }
0x2e4: {  	v9, _, _ =	vpop (xrf0)  }
0x2e5: {  	[tilespmem:s12+$0xEA00] =	vst.msk vm1, v3;
	v59, _, _ =	vpop (xrf0)  }
0x2e6: {  	v10 =	vld [tilespmem:s9+$0x4090];
	(v2sf) =	vpush v59, $0xF;
	_ =	sdelay $0x1  }
0x2e7: {  	(xrf0) =	vadd.scan.msk.s32 $0xffff, v57  }
0x2e8: {  	(xrf0) =	vadd.scan.msk.s32 $0xffff, v6;
	s8 =	spop (v2sf)  }
0x2e9: {  	vm1 =	vgt.s32 v5, $0x0;
	(xrf0) =	vadd.scan.msk.s32 $0xffff, v7;
	s8 =	sadd.s32 s12, s8  }
0x2ea: {  	(xrf0) =	vadd.scan.msk.s32 $0xffff, v58;
	[tilespmem:s8+$0xC180] =	vst.msk vm1, v10  }
0x2eb: {  	v60 =	vld [tilespmem:s9+$0x8110];
	_ =	sdelay $0x1  }
0x2ec: {  	v61, _, _ =	vpop (xrf0)  }
0x2ed: {  	v62, _, _ =	vpop (xrf0)  }
0x2ee: {  	v11, _, _ =	vpop (xrf0)  }
0x2ef: {  	v12, _, _ =	vpop (xrf0);
	[tilespmem:s8+$0xEA00] =	vst.msk vm1, v60  }
0x2f0: {  	(v2sf) =	vpush v12, $0xF;
	v3 =	vld [tilespmem:s9+$0x40A0];
	_ =	sdelay $0x2  }
0x2f1: {  	s11 =	spop (v2sf)  }
0x2f2: {  	vm1 =	vgt.s32 v58, $0x0;
	s8 =	sadd.s32 s11, s8  }
0x2f3: {  	[tilespmem:s8+$0xC180] =	vst.msk vm1, v3  }
0x2f4: {  	v63 =	vld [tilespmem:s9+$0x8120];
	_ =	sdelay $0x4  }
0x2f5: {  	[tilespmem:s8+$0xEA00] =	vst.msk vm1, v63  }
0x2f6: {  	(v2sf) =	vpush v11, $0xF;
	v0 =	vld [tilespmem:s9+$0x40B0];
	_ =	sdelay $0x2  }
0x2f7: {  	s17 =	spop (v2sf)  }
0x2f8: {  	vm1 =	vgt.s32 v7, $0x0;
	s8 =	sadd.s32 s17, s8  }
0x2f9: {  	[tilespmem:s8+$0xC180] =	vst.msk vm1, v0  }
0x2fa: {  	v0 =	vld [tilespmem:s9+$0x8130];
	_ =	sdelay $0x4  }
0x2fb: {  	[tilespmem:s8+$0xEA00] =	vst.msk vm1, v0  }
0x2fc: {  	(v2sf) =	vpush v62, $0xF;
	v0 =	vld [tilespmem:s9+$0x40C0];
	_ =	sdelay $0x2  }
0x2fd: {  	s12 =	spop (v2sf)  }
0x2fe: {  	vm1 =	vgt.s32 v6, $0x0;
	s8 =	sadd.s32 s12, s8  }
0x2ff: {  	[tilespmem:s8+$0xC180] =	vst.msk vm1, v0  }
0x300: {  	v0 =	vld [tilespmem:s9+$0x8140];
	_ =	sdelay $0x4  }
0x301: {  	[tilespmem:s8+$0xEA00] =	vst.msk vm1, v0  }
0x302: {  	(v2sf) =	vpush v61, $0xF;
	v0 =	vld [tilespmem:s9+$0x40D0];
	_ =	sdelay $0x2  }
0x303: {  	s13 =	spop (v2sf)  }
0x304: {  	vm1 =	vgt.s32 v57, $0x0;
	s8 =	sadd.s32 s13, s8  }
0x305: {  	[tilespmem:s8+$0xC180] =	vst.msk vm1, v0  }
0x306: {  	v0 =	vld [tilespmem:s9+$0x8150];
	_ =	sdelay $0x4  }
0x307: {  	[tilespmem:s8+$0xEA00] =	vst.msk vm1, v0  }
0x308: {  	(v2sf) =	vpush v9, $0xF;
	v0 =	vld [tilespmem:s9+$0x40E0];
	_ =	sdelay $0x2  }
0x309: {  	s15 =	spop (v2sf)  }
0x30a: {  	vm1 =	vgt.s32 v2, $0x0;
	s8 =	sadd.s32 s15, s8  }
0x30b: {  	[tilespmem:s8+$0xC180] =	vst.msk vm1, v0  }
0x30c: {  	v0 =	vld [tilespmem:s9+$0x8160]  }
0x30d: {  	(v2sf) =	vpush v8, $0xF;
	_ =	sdelay $0x3  }
0x30e: {  	[tilespmem:s8+$0xEA00] =	vst.msk vm1, v0  }
0x30f: {  	v0 =	vld [tilespmem:s9+$0x40F0];
	_ =	sdelay $0x2  }
0x310: {  	s16 =	spop (v2sf)  }
0x311: {  	vm1 =	vgt.s32 v1, $0x0;
	s8 =	sadd.s32 s16, s8  }
0x312: {  	[tilespmem:s8+$0xC180] =	vst.msk vm1, v0  }
0x313: {  	v0 =	vld [tilespmem:s9+$0x8170]  }
.Ltmp27:
0x314: {  	_ = 	snop;
	(pc) =	sbr.rel .LBB2_33-.Ltmp27, $3  }
0x315: {  	_ =	sdelay $0x1  }
0x316: {  	s17 =	spop (v2sf)  }
0x317: {  	s16 =	sadd.s32 s17, s8;
	[tilespmem:s8+$0xEA00] =	vst.msk vm1, v0  }
.LBB2_34:
.Ltmp28:
0x318: {  	(pc) =	sbr.rel .LBB2_35-.Ltmp28, $2  }
0x319: {  	_ =	sdelay $0x2  }
0x31a: {  	s16 =	smov.u32 @p1 s16  }
.LBB2_51:
0x31b: {  	s16 =	smov.u32 @p1 s16  }
.LBB2_35:
0x31c: {  	s8 =	ssub.s32 s31, s0  }
0x31d: {  	s11 =	sshra.s32 s16, $0xB;
	s9 =	sshra.s32 s8, $0xB  }
0x31e: {  	p1 =	slt.s32 s11, s9  }
0x31f: {  	s9 =	smov.u32 @p1 s11  }
0x320: {  	p1 =	slt.s32 s9, $0x1  }
.Ltmp29:
0x321: {  	_ = 	snop;
	(pc) =	sbr.rel @p1 .LBB2_42-.Ltmp29, $1  }
0x322: {  	_ =	sdelay $0x3  }
0x323: {  	p2 =	sne.s32 s9, $0x1  }
.Ltmp30:
0x324: {  	_ = 	snop;
	(pc) =	sbr.rel @!p2 .LBB2_37-.Ltmp30, $4  }
0x325: {  	p1 =	sgt.s32 s3, $0x0  }
0x326: {  	s8 =	sadd.s32 s28, s9;
	s12 =	sadd.s32 s0, s26;
	s0 =	simm.s32 $0xC180  }
0x327: {  	s13 =	sadd.s32 $0xFFFFFFFF, s9;
	s3 =	simm.s32 @!p1 $0x0;
	s11 =	sshrl.u32 s12, $0x3  }
0x328: {  	p1 =	por $0x0, $0x0;
	s30 =	sadd.s32 s3, s8;
	s3 =	simm.s32 $0xEA00  }
0x329: {  	s8 =	sadd.s32 s1, s11  }
0x32a: {  	[hbm4b:s8+s4] =	stream.linear.scatter [tilespmem:s0], [sflag:$0x4], $0x800, $0x38;
	[tilespmem:$0x11300] =	vst v63  }
0x32b: {  	s29 =	sadd.s32 s2, s11;
	p2 =	sne.s32 s13, $0x1  }
0x32c: {  	[hbm4b:s29+s4] =	stream.linear.scatter [tilespmem:s3], [sflag:$0x5], $0x800, $0x38;
	[tilespmem:$0x11300] =	vst v63  }
.Ltmp31:
0x32d: {  	_ =	swait.ge [sflag:s23], $0x800;
	(pc) =	sbr.rel @!p2 .LBB2_39-.Ltmp31, $4  }
0x32e: {  	[sflag:s23] =	ssyncset.done $0x0  }
0x32f: {  	s12 =	sadd.s32 $0x800, s12;
	s14 =	sadd.s32 $0xFFFFFFFF, s13;
	[sflag:s23] =	ssyncadd.s32 $0xFFFFF800  }
0x330: {  	p1 =	por $0x1, $0x1;
	s13 =	simm.s32 $0xC180;
	_ =	swait.ge [sflag:s24], $0x800  }
0x331: {  	s11 =	sshrl.u32 s12, $0x3;
	s3 =	simm.s32 $0xF200;
	[sflag:s24] =	ssyncset.done $0x0  }
.LBB2_40:
0x332: {  	s8 =	sadd.s32 s1, s11;
	[sflag:s24] =	ssyncadd.s32 $0xFFFFF800;
	s13 =	sadd.s32 $0x800, s13  }
0x333: {  	[hbm4b:s8+s4] =	stream.linear.scatter [tilespmem:s13], [sflag:$0x4], $0x800, $0x38;
	[tilespmem:$0x11300] =	vst v63  }
0x334: {  	p2 =	sne.s32 s14, $0x1;
	s14 =	sadd.s32 $0xFFFFFFFF, s14;
	s8 =	sadd.s32 s2, s11  }
0x335: {  	[hbm4b:s8+s4] =	stream.linear.scatter [tilespmem:s3], [sflag:$0x5], $0x800, $0x38;
	[tilespmem:$0x11300] =	vst v63  }
.Ltmp32:
0x336: {  	_ =	swait.ge [sflag:s23], $0x800;
	(pc) =	sbr.rel @p2 .LBB2_40-.Ltmp32, $4  }
0x337: {  	[sflag:s23] =	ssyncset.done $0x0  }
0x338: {  	[sflag:s23] =	ssyncadd.s32 $0xFFFFF800  }
0x339: {  	s12 =	sadd.s32 $0x800, s12;
	_ =	swait.ge [sflag:s24], $0x800  }
0x33a: {  	s11 =	sshrl.u32 s12, $0x3;
	s3 =	sadd.s32 $0x800, s3;
	[sflag:s24] =	ssyncset.done $0x0  }
.LBB2_41:
0x33b: {  	s8 =	sadd.s32 @p1 $0x800, s13  }
0x33c: {  	s12 =	sadd.s32 s1, s11;
	[sflag:s24] =	ssyncadd.s32 @p1 $0xFFFFF800;
	s0 =	smov.u32 @p1 s8  }
0x33d: {  	[hbm4b:s12+s4] =	stream.linear.scatter [tilespmem:s0], [sflag:$0x4], $0x800, $0x38;
	[tilespmem:$0x11300] =	vst v63  }
0x33e: {  	s29 =	sadd.s32 s2, s11  }
0x33f: {  	[hbm4b:s29+s4] =	stream.linear.scatter [tilespmem:s3], [sflag:$0x5], $0x800, $0x38;
	[tilespmem:$0x11300] =	vst v63  }
0x340: {  	_ =	swait.ge [sflag:s23], $0x800  }
0x341: {  	[sflag:s23] =	ssyncset.done $0x0  }
0x342: {  	[sflag:s23] =	ssyncadd.s32 $0xFFFFF800  }
0x343: {  	_ =	swait.ge [sflag:s24], $0x800  }
0x344: {  	[sflag:s24] =	ssyncset.done $0x0  }
0x345: {  	[sflag:s24] =	ssyncadd.s32 $0xFFFFF800  }
.LBB2_42:
0x346: {  	s9 =	sshll.u32 s9, $0xB  }
0x347: {  	s0 =	ssub.s32 s16, s9  }
0x348: {  	s0 =	sadd.s32 $0xF, s0  }
0x349: {  	s12 =	sshra.s32 s0, $0x4  }
0x34a: {  	p1 =	slt.s32 s12, $0x1  }
.Ltmp33:
0x34b: {  	_ = 	snop;
	(pc) =	sbr.rel @p1 .LBB2_49-.Ltmp33, $1  }
0x34c: {  	_ =	sdelay $0x3  }
0x34d: {  	p2 =	sne.s32 s12, $0x1  }
.Ltmp34:
0x34e: {  	_ = 	snop;
	(pc) =	sbr.rel @!p2 .LBB2_44-.Ltmp34, $3  }
0x34f: {  	_ =	sdelay $0x1  }
0x350: {  	s3 =	simm.s32 $0xC180;
	s0 =	simm.s32 $0xEA00;
	s11 =	simm.s32 $0x0  }
0x351: {  	s15 =	sadd.s32 $0x0, s9;
	s12 =	sadd.s32 $0xFFFFFFFF, s12;
	p1 =	por $0x0, $0x0  }
0x352: {  	s8 =	sand.u32 $0xFFFFFF80, s15;
	s11 =	sand.u32 $0x70, s11  }
0x353: {  	s8 =	sor.u32 s11, s8  }
0x354: {  	v0 =	vld [tilespmem:s8+$0xC180];
	_ =	sdelay $0x3  }
0x355: {  	p2 =	sne.s32 s12, $0x1  }
.Ltmp35:
0x356: {  	[tilespmem:s3+$0x0] =	vst v0;
	(pc) =	sbr.rel @!p2 .LBB2_46-.Ltmp35, $3  }
0x357: {  	v0 =	vld [tilespmem:s8+$0xEA00];
	_ =	sdelay $0x1  }
0x358: {  	s15 =	sadd.s32 $0x10, s9;
	s13 =	sadd.s32 $0xFFFFFFFF, s12;
	p1 =	por $0x1, $0x1  }
0x359: {  	s12 =	simm.s32 $0xEA00;
	s14 =	simm.s32 $0xC180;
	s11 =	simm.s32 $0x10  }
.LBB2_47:
0x35a: {  	p2 =	sne.s32 s13, $0x1;
	s8 =	sand.u32 $0xFFFFFF80, s15;
	s15 =	sand.u32 $0x70, s11  }
0x35b: {  	s8 =	sor.u32 s15, s8;
	[tilespmem:s12+$0x0] =	vst v0  }
0x35c: {  	v0 =	vld [tilespmem:s8+$0xC180];
	_ =	sdelay $0x3  }
0x35d: {  	s14 =	sadd.s32 $0x10, s14  }
.Ltmp36:
0x35e: {  	[tilespmem:s14+$0x0] =	vst v0;
	(pc) =	sbr.rel @p2 .LBB2_47-.Ltmp36, $3  }
0x35f: {  	v0 =	vld [tilespmem:s8+$0xEA00];
	_ =	sdelay $0x1  }
0x360: {  	s11 =	sadd.s32 $0x10, s11  }
0x361: {  	s13 =	sadd.s32 $0xFFFFFFFF, s13;
	s15 =	sadd.s32 s11, s9;
	s12 =	sadd.s32 $0x10, s12  }
.Ltmp37:
0x362: {  	_ = 	snop;
	(pc) =	sbr.rel .LBB2_48-.Ltmp37, $1  }
0x363: {  	_ =	sdelay $0x3  }
.LBB2_37:
.Ltmp38:
0x364: {  	(pc) =	sbr.rel .LBB2_41-.Ltmp38, $2  }
0x365: {  	_ =	sdelay $0x2  }
0x366: {  	s13 =	simm.s32 $0xC180  }
.LBB2_39:
.Ltmp39:
0x367: {  	(pc) =	sbr.rel .LBB2_41-.Ltmp39, $2  }
0x368: {  	_ =	sdelay $0x2  }
0x369: {  	s13 =	simm.s32 $0xC180  }
.LBB2_46:
.Ltmp40:
0x36a: {  	(pc) =	sbr.rel .LBB2_48-.Ltmp40, $2  }
0x36b: {  	_ =	sdelay $0x2  }
0x36c: {  	s12 =	simm.s32 $0xEA00;
	s14 =	simm.s32 $0xC180  }
.LBB2_50:
0x36d: {  	_ =	sfence.sel $0x180000  }
0x36e: {  	[bflag:$0x0] =	sbarrier.arrive $0xFFFF  }
0x36f: {  	_ =	strace $0x90000047  }
0x370: {  	s0 =	stileid.u32;
	[bflag:$0x2] =	sbarrier.arrive $0xFFFF  }
0x371: {  	p0 =	sne.s32 s0, $0x0;
	s0 =	rddreg [dreg:$0x3]  }
0x372: {  	s0 =	sadd.s32 @!p0 $0x100000, s0  }
0x373: {  	[sflag:s0] =	ssyncadd.tile.s32 @!p0 $0x1;
	_ =	shalt  }
.Lfunc_end2:
_tile_overlayer_lowered:
.L_overlay_start_2:
0x374: {  	(tag) =	ssettag $0x2  }
0x375: {  	s0 =	rddreg [dreg:$0x0];
	s2 =	stileid.u32  }
0x376: {  	s1 =	rddreg [dreg:$0x1];
	p0 =	sne.s32 s2, $0x0  }
0x377: {  	s3 =	rddreg [dreg:$0x2];
	[bflag:$0x3] =	sbarrier.arrive $0xFFFF;
	s2 =	simm.s32 @!p0 $0x1C06  }
0x378: {  	[timem:s3], [sflag:s2] =	dma.local @!p0 [hbm:s0], s1  }
0x379: {  	s0 =	simm.s32 @!p0 $0x6  }
0x37a: {  	_ =	swait.ge @!p0 [sflag:s0], s1  }
0x37b: {  	s1 =	ssub.s32 @!p0 $0x0, s1;
	[sflag:s0] =	ssyncset.done @!p0 $0x0  }
0x37c: {  	[sflag:s0] =	ssyncadd.s32 @!p0 s1  }
0x37d: {  	[bflag:$0x3] =	sbarrier.arrive $0xFFFF  }
0x37e: {  	_ =	shalt  }

</sc_bundles>
